<compile_context>
chip_gen: v7x
topology: tpu7x:2x2x1
jax: 0.10.2.dev20260603
libtpu: 0.0.44.dev20260713+nightly
codegen_flags: <defaults>
</compile_context>

<pallas_src>
import jax
import jax.numpy as jnp
from jax import lax
from jax.experimental import pallas as pl
from jax.experimental.pallas import tpu as pltpu
from jax.experimental.pallas import tpu_sc as plsc

N = 10000
NP = 10240
E = 320000
NC = 2
NS = 16
NW = NC * NS
EW = E // NW
K = 80
NCH = EW // K
RPS = NP // NS


def _sc_aggregate(p, src, dst, zrows, znp, *, d, with_cnt):
  mesh = plsc.VectorSubcoreMesh(core_axis_name="c", subcore_axis_name="s")
  out_type = [jax.ShapeDtypeStruct((NC, NP, d), jnp.float32)]
  NB = 2 if with_cnt else 3
  NIT = NCH // NB
  TAIL = NCH - NIT * NB
  scratch = [
      pltpu.VMEM((EW,), jnp.int32),
      [pltpu.VMEM((K,), jnp.int32) for _ in range(NB)],
      [pltpu.VMEM((K, d), jnp.float32) for _ in range(NB)],
      pltpu.VMEM_SHARED((NP, d), jnp.float32),
      [pltpu.SemaphoreType.DMA for _ in range(NB)],
      [pltpu.SemaphoreType.DMA for _ in range(NB)],
  ]
  if with_cnt:
    out_type.append(jax.ShapeDtypeStruct((NW * NP,), jnp.float32))
    scratch.append(pltpu.VMEM((NP,), jnp.float32))

  def body(p_hbm, src_hbm, dst_hbm, zr_hbm, znp_hbm, *rest):
    if with_cnt:
      part_hbm, cnt_hbm, srcall, dstvs, rowss, acc, gsems, ssems, cntv = rest
    else:
      part_hbm, srcall, dstvs, rowss, acc, gsems, ssems = rest
    cid = lax.axis_index("c")
    sid = lax.axis_index("s")
    wid = cid * NS + sid

    zsl = pl.ds(sid * RPS, RPS)
    pltpu.sync_copy(zr_hbm, acc.at[zsl])
    pltpu.sync_copy(src_hbm.at[pl.ds(wid * EW, EW)], srcall)
    if with_cnt:
      pltpu.sync_copy(znp_hbm, cntv)
    plsc.subcore_barrier()

    base0 = wid * EW
    ones16 = jnp.ones((16,), jnp.float32)

    def fire_gather(off, j):
      cb = off + j * K
      pltpu.sync_copy(dst_hbm.at[pl.ds(base0 + cb, K)], dstvs[j])
      pltpu.async_copy(p_hbm.at[srcall.at[pl.ds(cb, K)]], rowss[j], gsems[j])

    def wait_gather(j):
      pltpu.make_async_copy(
          p_hbm.at[srcall.at[pl.ds(0, K)]], rowss[j], gsems[j]).wait()

    def fire_scatter(j):
      pltpu.async_copy(rowss[j], acc.at[dstvs[j]], ssems[j], add=True)

    def wait_scatter(j):
      pltpu.make_async_copy(rowss[j], acc.at[dstvs[j]], ssems[j]).wait()

    def histo(j):
      if with_cnt:
        for i in range(K // 16):
          plsc.addupdate_scatter(cntv, [dstvs[j][pl.ds(i * 16, 16)]], ones16)

    for j in range(NB):
      fire_gather(0, j)

    def step(it, carry):
      for j in range(NB):
        wait_gather(j)
        fire_scatter(j)
      for j in range(NB):
        histo(j)
      nxt = jnp.minimum(it + 1, NIT - 1) * (NB * K)
      for j in range(NB):
        wait_scatter(j)
        fire_gather(nxt, j)
      return carry

    lax.fori_loop(0, NIT, step, 0)
    for j in range(NB):
      wait_gather(j)
    if TAIL:
      for t in range(TAIL):
        cb = (NIT * NB + t) * K
        pltpu.sync_copy(dst_hbm.at[pl.ds(base0 + cb, K)], dstvs[0])
        pltpu.async_copy(
            p_hbm.at[srcall.at[pl.ds(cb, K)]], rowss[0], gsems[0])
        wait_gather(0)
        pltpu.sync_copy(rowss[0], acc.at[dstvs[0]], add=True)
        histo(0)
    plsc.subcore_barrier()

    pltpu.sync_copy(acc.at[zsl], part_hbm.at[cid, zsl])
    if with_cnt:
      pltpu.sync_copy(cntv, cnt_hbm.at[pl.ds(wid * NP, NP)])

  fn = pl.kernel(body, out_type=tuple(out_type), mesh=mesh,
                 scratch_types=scratch,
                 compiler_params=pltpu.CompilerParams(
                     needs_layout_passes=False))
  return fn(p, src, dst, zrows, znp)


NPW = NP // NW


def _sc_invcnt(cnt_raw):
  mesh = plsc.VectorSubcoreMesh(core_axis_name="c", subcore_axis_name="s")

  def body(cnt_hbm, inv_hbm, accv, tmpv):
    cid = lax.axis_index("c")
    sid = lax.axis_index("s")
    wid = cid * NS + sid
    base = wid * NPW
    pltpu.sync_copy(cnt_hbm.at[pl.ds(base, NPW)], accv)

    def merge(j, carry):
      pltpu.sync_copy(cnt_hbm.at[pl.ds(j * NP + base, NPW)], tmpv)
      for t in range(NPW // 16):
        ts = pl.ds(t * 16, 16)
        accv[ts] = accv[ts] + tmpv[ts]
      return carry

    lax.fori_loop(1, NW, merge, 0)
    for t in range(NPW // 16):
      ts = pl.ds(t * 16, 16)
      accv[ts] = 1.0 / jnp.maximum(accv[ts], 1.0)
    pltpu.sync_copy(accv, inv_hbm.at[pl.ds(base, NPW)])

  fn = pl.kernel(body, out_type=(jax.ShapeDtypeStruct((NP,), jnp.float32),),
                 mesh=mesh,
                 scratch_types=[pltpu.VMEM((NPW,), jnp.float32),
                                pltpu.VMEM((NPW,), jnp.float32)],
                 compiler_params=pltpu.CompilerParams(
                     needs_layout_passes=False))
  return fn(cnt_raw)[0]


_BM = 1000


def _tc_proj(h, Wl, Wr, b2d):
  n, din = h.shape
  dout = Wl.shape[1]

  def body(h_ref, wl_ref, wr_ref, b_ref, p_ref, r_ref):
    hb = h_ref[...]
    p_ref[...] = jnp.dot(hb, wl_ref[...], preferred_element_type=jnp.float32)
    r_ref[...] = (jnp.dot(hb, wr_ref[...], preferred_element_type=jnp.float32)
                  + b_ref[...])

  return pl.pallas_call(
      body,
      grid=(n // _BM,),
      in_specs=[
          pl.BlockSpec((_BM, din), lambda i: (i, 0)),
          pl.BlockSpec((din, dout), lambda i: (0, 0)),
          pl.BlockSpec((din, dout), lambda i: (0, 0)),
          pl.BlockSpec((1, dout), lambda i: (0, 0)),
      ],
      out_specs=[pl.BlockSpec((_BM, dout), lambda i: (i, 0)),
                 pl.BlockSpec((_BM, dout), lambda i: (i, 0))],
      out_shape=[jax.ShapeDtypeStruct((n, dout), jnp.float32),
                 jax.ShapeDtypeStruct((n, dout), jnp.float32)],
  )(h, Wl, Wr, b2d)


def _tc_combine_proj(parts, inv2d, r_prev, Wl, Wr, b2d, *, emit_h):
  d = parts.shape[2]
  n = r_prev.shape[0]
  dout = Wl.shape[1]

  def body(pa_ref, i_ref, r_ref, wl_ref, wr_ref, b_ref, p_ref, rn_ref):
    agg = pa_ref[0] + pa_ref[1]
    h = jnp.maximum(agg * i_ref[...] + r_ref[...], 0.0)
    if emit_h:
      p_ref[...] = h
    else:
      p_ref[...] = jnp.dot(h, wl_ref[...], preferred_element_type=jnp.float32)
    rn_ref[...] = (jnp.dot(h, wr_ref[...], preferred_element_type=jnp.float32)
                   + b_ref[...])

  d_p = d if emit_h else dout
  return pl.pallas_call(
      body,
      grid=(n // _BM,),
      in_specs=[
          pl.BlockSpec((NC, _BM, d), lambda i: (0, i, 0)),
          pl.BlockSpec((_BM, 1), lambda i: (i, 0)),
          pl.BlockSpec((_BM, d), lambda i: (i, 0)),
          pl.BlockSpec((d, dout), lambda i: (0, 0)),
          pl.BlockSpec((d, dout), lambda i: (0, 0)),
          pl.BlockSpec((1, dout), lambda i: (0, 0)),
      ],
      out_specs=[pl.BlockSpec((_BM, d_p), lambda i: (i, 0)),
                 pl.BlockSpec((_BM, dout), lambda i: (i, 0))],
      out_shape=[jax.ShapeDtypeStruct((n, d_p), jnp.float32),
                 jax.ShapeDtypeStruct((n, dout), jnp.float32)],
  )(parts, inv2d, r_prev, Wl, Wr, b2d)


def _tc_final(parts, inv2d, r_prev, Wl):
  d = parts.shape[2]
  n, dout = r_prev.shape

  def body(pa_ref, i_ref, r_ref, wl_ref, o_ref):
    mean = (pa_ref[0] + pa_ref[1]) * i_ref[...]
    o_ref[...] = (jnp.dot(mean, wl_ref[...], preferred_element_type=jnp.float32)
                  + r_ref[...])

  return pl.pallas_call(
      body,
      grid=(n // _BM,),
      in_specs=[
          pl.BlockSpec((NC, _BM, d), lambda i: (0, i, 0)),
          pl.BlockSpec((_BM, 1), lambda i: (i, 0)),
          pl.BlockSpec((_BM, dout), lambda i: (i, 0)),
          pl.BlockSpec((d, dout), lambda i: (0, 0)),
      ],
      out_specs=pl.BlockSpec((_BM, dout), lambda i: (i, 0)),
      out_shape=jax.ShapeDtypeStruct((n, dout), jnp.float32),
  )(parts, inv2d, r_prev, Wl)


def kernel(x, edge_index, Wl1, Wr1, b1, Wl2, Wr2, b2, Wl3, Wr3, b3):
  src = edge_index[0].astype(jnp.int32)
  dst = edge_index[1].astype(jnp.int32)
  z128 = jnp.zeros((RPS, 128), jnp.float32)
  znp = jnp.zeros((NP,), jnp.float32)

  p1, r1 = _tc_proj(x, Wl1, Wr1, b1.reshape(1, -1))
  part1, cnt_raw = _sc_aggregate(p1, src, dst, z128, znp,
                                 d=128, with_cnt=True)
  inv2d = _sc_invcnt(cnt_raw).reshape(NP, 1)
  p2, r2 = _tc_combine_proj(part1, inv2d, r1, Wl2, Wr2, b2.reshape(1, -1),
                            emit_h=False)
  part2, = _sc_aggregate(p2, src, dst, z128, znp,
                         d=128, with_cnt=False)
  h2, r3 = _tc_combine_proj(part2, inv2d, r2, Wl3, Wr3, b3.reshape(1, -1),
                            emit_h=True)
  part3, = _sc_aggregate(h2, src, dst, z128, znp,
                         d=128, with_cnt=False)
  return _tc_final(part3, inv2d, r3, Wl3)

# --- scband reference (transcript-rebuilt; emitter-appended) ---
"""Pipeline reference for scband-graph-sage2-8761733284694 (READ-ONLY COPY).

The authoritative reference and input builder live on the scoring server;
editing this copy changes nothing except your own understanding.
"""

import jax, jax.numpy as jnp
import numpy as np

N_NODES = 10000
N_EDGES = 320000
D_IN = 128
H1 = 128
H2 = 128
N_CLASSES = 64


def _glorot(key, shape):
    fan_in, fan_out = shape[0], shape[1]
    limit = float(np.sqrt(6.0 / (fan_in + fan_out)))
    return jax.random.uniform(key, shape, dtype=jnp.float32, minval=-limit, maxval=limit)


def setup_inputs(seed: int = 0) -> dict:
    key = jax.random.key(seed)
    ks = jax.random.split(key, 12)
    x = jax.random.normal(ks[0], (N_NODES, D_IN), dtype=jnp.float32)
    edge_index = jax.random.randint(ks[1], (2, N_EDGES), 0, N_NODES, dtype=jnp.int64)
    # SAGEConv params: lin_l (applied to aggregated neighbors, with bias),
    # lin_r (applied to root/self features, no bias)
    Wl1 = _glorot(ks[2], (D_IN, H1)); Wr1 = _glorot(ks[3], (D_IN, H1)); b1 = jnp.zeros((H1,), jnp.float32)
    Wl2 = _glorot(ks[4], (H1, H2)); Wr2 = _glorot(ks[5], (H1, H2)); b2 = jnp.zeros((H2,), jnp.float32)
    Wl3 = _glorot(ks[6], (H2, N_CLASSES)); Wr3 = _glorot(ks[7], (H2, N_CLASSES)); b3 = jnp.zeros((N_CLASSES,), jnp.float32)
    return {"x": x, "edge_index": edge_index,
            "Wl1": Wl1, "Wr1": Wr1, "b1": b1,
            "Wl2": Wl2, "Wr2": Wr2, "b2": b2,
            "Wl3": Wl3, "Wr3": Wr3, "b3": b3}


def _sage_conv(x, src, dst, Wl, Wr, b):
    # mean aggregation of source features onto destination nodes
    msgs = jnp.take(x, src, axis=0)                      # gather [E, d]
    agg = jax.ops.segment_sum(msgs, dst, num_segments=N_NODES)  # scatter-add
    cnt = jax.ops.segment_sum(jnp.ones((src.shape[0],), jnp.float32), dst, num_segments=N_NODES)
    mean = agg / jnp.maximum(cnt, 1.0)[:, None]
    return mean @ Wl + x @ Wr + b


def reference(x, edge_index, Wl1, Wr1, b1, Wl2, Wr2, b2, Wl3, Wr3, b3):
    src = edge_index[0]
    dst = edge_index[1]
    h = _sage_conv(x, src, dst, Wl1, Wr1, b1)
    h = jax.nn.relu(h)
    # dropout p=0.5 is identity in eval mode (training=False)
    h = _sage_conv(h, src, dst, Wl2, Wr2, b2)
    h = jax.nn.relu(h)
    h = _sage_conv(h, src, dst, Wl3, Wr3, b3)
    return h

if __name__ == "__main__":
    import jax
    _d = setup_inputs()
    print(jax.jit(kernel)(*tuple(_d.values())))

</pallas_src>

<mosaic_0001>
#map = affine_map<(d0, d1) -> (0)>
module attributes {stable_mosaic.version = 14 : i64} {
  func.func @body(%arg0: i32, %arg1: i32, %arg2: memref<327680xf32, #tpu.memory_space<hbm>>, %arg3: memref<10240xf32, #tpu.memory_space<hbm>>, %arg4: memref<320xf32, #tpu.memory_space<vmem>>, %arg5: memref<320xf32, #tpu.memory_space<vmem>>) attributes {dimension_semantics = [#tpu.dimension_semantics<core_parallel>, #tpu.dimension_semantics<subcore_parallel>], iteration_bounds = array<i64: 2, 16>, scalar_prefetch = 0 : i64, scratch_operands = 2 : i64, tpu.core_type = #tpu.core_type<sc_vector_subcore>, window_params = [{transform_indices = #map}, {transform_indices = #map}]} {
    %mul3A = arith.constant 16 : i32
    %mul3A_0 = arith.muli %arg0, %mul3A : i32
    %add3A = arith.addi %mul3A_0, %arg1 : i32
    %mul3A_1 = arith.constant 320 : i32
    %mul3A_2 = arith.muli %add3A, %mul3A_1 : i32
    "tpu.region"() ({
      %run_scoped3A = tpu.sem_alloc : memref<!tpu.dma_semaphore, #tpu.memory_space<semaphore_mem>>
      %dma_start3A = tpu.memref_slice %arg2[%mul3A_2] : memref<327680xf32, #tpu.memory_space<hbm>> -> memref<320xf32, #tpu.memory_space<hbm>>
      %dma_start3A_204 = tpu.memref_slice %arg2[%mul3A_2] : memref<327680xf32, #tpu.memory_space<hbm>> -> memref<320xf32, #tpu.memory_space<hbm>>
      tpu.enqueue_dma source(%dma_start3A_204 : memref<320xf32, #tpu.memory_space<hbm>>) target(%arg4 : memref<320xf32, #tpu.memory_space<vmem>>) target_semaphore(%run_scoped3A : memref<!tpu.dma_semaphore, #tpu.memory_space<semaphore_mem>>)
      %dma_wait3A = tpu.memref_slice %arg2[%mul3A_2] : memref<327680xf32, #tpu.memory_space<hbm>> -> memref<320xf32, #tpu.memory_space<hbm>>
      %dma_wait3A_205 = tpu.memref_slice %arg2[%mul3A_2] : memref<327680xf32, #tpu.memory_space<hbm>> -> memref<320xf32, #tpu.memory_space<hbm>>
      tpu.wait_dma2 semaphore(%run_scoped3A : memref<!tpu.dma_semaphore, #tpu.memory_space<semaphore_mem>>) src(%dma_wait3A_205 : memref<320xf32, #tpu.memory_space<hbm>>) dst(%arg4 : memref<320xf32, #tpu.memory_space<vmem>>)
      tpu.yield
    }) : () -> ()
    %scan3A = arith.constant 0 : i32
    %scan3A_3 = arith.constant 1 : i32
    %scan3A_4 = arith.constant 31 : i32
    %scan3A_5 = arith.addi %scan3A_3, %scan3A_4 : i32
    %scan3A_6 = arith.constant 1 : i32
    scf.for %scan3A_204 = %scan3A_3 to %scan3A_5 step %scan3A_6  : i32 {
      %mul3A_205 = arith.constant 10240 : i32
      %mul3A_206 = arith.muli %scan3A_204, %mul3A_205 : i32
      %add3A_207 = arith.addi %mul3A_206, %mul3A_2 : i32
      "tpu.region"() ({
        %run_scoped3A = tpu.sem_alloc : memref<!tpu.dma_semaphore, #tpu.memory_space<semaphore_mem>>
        %dma_start3A = tpu.memref_slice %arg2[%add3A_207] : memref<327680xf32, #tpu.memory_space<hbm>> -> memref<320xf32, #tpu.memory_space<hbm>>
        %dma_start3A_348 = tpu.memref_slice %arg2[%add3A_207] : memref<327680xf32, #tpu.memory_space<hbm>> -> memref<320xf32, #tpu.memory_space<hbm>>
        tpu.enqueue_dma source(%dma_start3A_348 : memref<320xf32, #tpu.memory_space<hbm>>) target(%arg5 : memref<320xf32, #tpu.memory_space<vmem>>) target_semaphore(%run_scoped3A : memref<!tpu.dma_semaphore, #tpu.memory_space<semaphore_mem>>)
        %dma_wait3A = tpu.memref_slice %arg2[%add3A_207] : memref<327680xf32, #tpu.memory_space<hbm>> -> memref<320xf32, #tpu.memory_space<hbm>>
        %dma_wait3A_349 = tpu.memref_slice %arg2[%add3A_207] : memref<327680xf32, #tpu.memory_space<hbm>> -> memref<320xf32, #tpu.memory_space<hbm>>
        tpu.wait_dma2 semaphore(%run_scoped3A : memref<!tpu.dma_semaphore, #tpu.memory_space<semaphore_mem>>) src(%dma_wait3A_349 : memref<320xf32, #tpu.memory_space<hbm>>) dst(%arg5 : memref<320xf32, #tpu.memory_space<vmem>>)
        tpu.yield
      }) : () -> ()
      %get3A_208 = arith.constant 0 : index
      %get3A_209 = tpu.vector_load %arg4[%get3A_208] {strides = array<i32>} : memref<320xf32, #tpu.memory_space<vmem>>, vector<16xf32>,
      %get3A_210 = arith.constant 0 : index
      %get3A_211 = tpu.vector_load %arg5[%get3A_210] {strides = array<i32>} : memref<320xf32, #tpu.memory_space<vmem>>, vector<16xf32>,
      %add3A_212 = arith.addf %get3A_209, %get3A_211 : vector<16xf32>
      %swap3A_213 = arith.constant 0 : index
      %swap3A_214 = tpu.vector_load %arg4[%swap3A_213] {strides = array<i32>} : memref<320xf32, #tpu.memory_space<vmem>>, vector<16xf32>,
      tpu.vector_store %arg4[%swap3A_213], %add3A_212 {strides = array<i32>} : memref<320xf32, #tpu.memory_space<vmem>>, vector<16xf32>,
      %get3A_215 = arith.constant 16 : index
      %get3A_216 = tpu.vector_load %arg4[%get3A_215] {strides = array<i32>} : memref<320xf32, #tpu.memory_space<vmem>>, vector<16xf32>,
      %get3A_217 = arith.constant 16 : index
      %get3A_218 = tpu.vector_load %arg5[%get3A_217] {strides = array<i32>} : memref<320xf32, #tpu.memory_space<vmem>>, vector<16xf32>,
      %add3A_219 = arith.addf %get3A_216, %get3A_218 : vector<16xf32>
      %swap3A_220 = arith.constant 16 : index
      %swap3A_221 = tpu.vector_load %arg4[%swap3A_220] {strides = array<i32>} : memref<320xf32, #tpu.memory_space<vmem>>, vector<16xf32>,
      tpu.vector_store %arg4[%swap3A_220], %add3A_219 {strides = array<i32>} : memref<320xf32, #tpu.memory_space<vmem>>, vector<16xf32>,
      %get3A_222 = arith.constant 32 : index
      %get3A_223 = tpu.vector_load %arg4[%get3A_222] {strides = array<i32>} : memref<320xf32, #tpu.memory_space<vmem>>, vector<16xf32>,
      %get3A_224 = arith.constant 32 : index
      %get3A_225 = tpu.vector_load %arg5[%get3A_224] {strides = array<i32>} : memref<320xf32, #tpu.memory_space<vmem>>, vector<16xf32>,
      %add3A_226 = arith.addf %get3A_223, %get3A_225 : vector<16xf32>
      %swap3A_227 = arith.constant 32 : index
      %swap3A_228 = tpu.vector_load %arg4[%swap3A_227] {strides = array<i32>} : memref<320xf32, #tpu.memory_space<vmem>>, vector<16xf32>,
      tpu.vector_store %arg4[%swap3A_227], %add3A_226 {strides = array<i32>} : memref<320xf32, #tpu.memory_space<vmem>>, vector<16xf32>,
      %get3A_229 = arith.constant 48 : index
      %get3A_230 = tpu.vector_load %arg4[%get3A_229] {strides = array<i32>} : memref<320xf32, #tpu.memory_space<vmem>>, vector<16xf32>,
      %get3A_231 = arith.constant 48 : index
      %get3A_232 = tpu.vector_load %arg5[%get3A_231] {strides = array<i32>} : memref<320xf32, #tpu.memory_space<vmem>>, vector<16xf32>,
      %add3A_233 = arith.addf %get3A_230, %get3A_232 : vector<16xf32>
      %swap3A_234 = arith.constant 48 : index
      %swap3A_235 = tpu.vector_load %arg4[%swap3A_234] {strides = array<i32>} : memref<320xf32, #tpu.memory_space<vmem>>, vector<16xf32>,
      tpu.vector_store %arg4[%swap3A_234], %add3A_233 {strides = array<i32>} : memref<320xf32, #tpu.memory_space<vmem>>, vector<16xf32>,
      %get3A_236 = arith.constant 64 : index
      %get3A_237 = tpu.vector_load %arg4[%get3A_236] {strides = array<i32>} : memref<320xf32, #tpu.memory_space<vmem>>, vector<16xf32>,
      %get3A_238 = arith.constant 64 : index
      %get3A_239 = tpu.vector_load %arg5[%get3A_238] {strides = array<i32>} : memref<320xf32, #tpu.memory_space<vmem>>, vector<16xf32>,
      %add3A_240 = arith.addf %get3A_237, %get3A_239 : vector<16xf32>
      %swap3A_241 = arith.constant 64 : index
      %swap3A_242 = tpu.vector_load %arg4[%swap3A_241] {strides = array<i32>} : memref<320xf32, #tpu.memory_space<vmem>>, vector<16xf32>,
      tpu.vector_store %arg4[%swap3A_241], %add3A_240 {strides = array<i32>} : memref<320xf32, #tpu.memory_space<vmem>>, vector<16xf32>,
      %get3A_243 = arith.constant 80 : index
      %get3A_244 = tpu.vector_load %arg4[%get3A_243] {strides = array<i32>} : memref<320xf32, #tpu.memory_space<vmem>>, vector<16xf32>,
      %get3A_245 = arith.constant 80 : index
      %get3A_246 = tpu.vector_load %arg5[%get3A_245] {strides = array<i32>} : memref<320xf32, #tpu.memory_space<vmem>>, vector<16xf32>,
      %add3A_247 = arith.addf %get3A_244, %get3A_246 : vector<16xf32>
      %swap3A_248 = arith.constant 80 : index
      %swap3A_249 = tpu.vector_load %arg4[%swap3A_248] {strides = array<i32>} : memref<320xf32, #tpu.memory_space<vmem>>, vector<16xf32>,
      tpu.vector_store %arg4[%swap3A_248], %add3A_247 {strides = array<i32>} : memref<320xf32, #tpu.memory_space<vmem>>, vector<16xf32>,
      %get3A_250 = arith.constant 96 : index
      %get3A_251 = tpu.vector_load %arg4[%get3A_250] {strides = array<i32>} : memref<320xf32, #tpu.memory_space<vmem>>, vector<16xf32>,
      %get3A_252 = arith.constant 96 : index
      %get3A_253 = tpu.vector_load %arg5[%get3A_252] {strides = array<i32>} : memref<320xf32, #tpu.memory_space<vmem>>, vector<16xf32>,
      %add3A_254 = arith.addf %get3A_251, %get3A_253 : vector<16xf32>
      %swap3A_255 = arith.constant 96 : index
      %swap3A_256 = tpu.vector_load %arg4[%swap3A_255] {strides = array<i32>} : memref<320xf32, #tpu.memory_space<vmem>>, vector<16xf32>,
      tpu.vector_store %arg4[%swap3A_255], %add3A_254 {strides = array<i32>} : memref<320xf32, #tpu.memory_space<vmem>>, vector<16xf32>,
      %get3A_257 = arith.constant 112 : index
      %get3A_258 = tpu.vector_load %arg4[%get3A_257] {strides = array<i32>} : memref<320xf32, #tpu.memory_space<vmem>>, vector<16xf32>,
      %get3A_259 = arith.constant 112 : index
      %get3A_260 = tpu.vector_load %arg5[%get3A_259] {strides = array<i32>} : memref<320xf32, #tpu.memory_space<vmem>>, vector<16xf32>,
      %add3A_261 = arith.addf %get3A_258, %get3A_260 : vector<16xf32>
      %swap3A_262 = arith.constant 112 : index
      %swap3A_263 = tpu.vector_load %arg4[%swap3A_262] {strides = array<i32>} : memref<320xf32, #tpu.memory_space<vmem>>, vector<16xf32>,
      tpu.vector_store %arg4[%swap3A_262], %add3A_261 {strides = array<i32>} : memref<320xf32, #tpu.memory_space<vmem>>, vector<16xf32>,
      %get3A_264 = arith.constant 128 : index
      %get3A_265 = tpu.vector_load %arg4[%get3A_264] {strides = array<i32>} : memref<320xf32, #tpu.memory_space<vmem>>, vector<16xf32>,
      %get3A_266 = arith.constant 128 : index
      %get3A_267 = tpu.vector_load %arg5[%get3A_266] {strides = array<i32>} : memref<320xf32, #tpu.memory_space<vmem>>, vector<16xf32>,
      %add3A_268 = arith.addf %get3A_265, %get3A_267 : vector<16xf32>
      %swap3A_269 = arith.constant 128 : index
      %swap3A_270 = tpu.vector_load %arg4[%swap3A_269] {strides = array<i32>} : memref<320xf32, #tpu.memory_space<vmem>>, vector<16xf32>,
      tpu.vector_store %arg4[%swap3A_269], %add3A_268 {strides = array<i32>} : memref<320xf32, #tpu.memory_space<vmem>>, vector<16xf32>,
      %get3A_271 = arith.constant 144 : index
      %get3A_272 = tpu.vector_load %arg4[%get3A_271] {strides = array<i32>} : memref<320xf32, #tpu.memory_space<vmem>>, vector<16xf32>,
      %get3A_273 = arith.constant 144 : index
      %get3A_274 = tpu.vector_load %arg5[%get3A_273] {strides = array<i32>} : memref<320xf32, #tpu.memory_space<vmem>>, vector<16xf32>,
      %add3A_275 = arith.addf %get3A_272, %get3A_274 : vector<16xf32>
      %swap3A_276 = arith.constant 144 : index
      %swap3A_277 = tpu.vector_load %arg4[%swap3A_276] {strides = array<i32>} : memref<320xf32, #tpu.memory_space<vmem>>, vector<16xf32>,
      tpu.vector_store %arg4[%swap3A_276], %add3A_275 {strides = array<i32>} : memref<320xf32, #tpu.memory_space<vmem>>, vector<16xf32>,
      %get3A_278 = arith.constant 160 : index
      %get3A_279 = tpu.vector_load %arg4[%get3A_278] {strides = array<i32>} : memref<320xf32, #tpu.memory_space<vmem>>, vector<16xf32>,
      %get3A_280 = arith.constant 160 : index
      %get3A_281 = tpu.vector_load %arg5[%get3A_280] {strides = array<i32>} : memref<320xf32, #tpu.memory_space<vmem>>, vector<16xf32>,
      %add3A_282 = arith.addf %get3A_279, %get3A_281 : vector<16xf32>
      %swap3A_283 = arith.constant 160 : index
      %swap3A_284 = tpu.vector_load %arg4[%swap3A_283] {strides = array<i32>} : memref<320xf32, #tpu.memory_space<vmem>>, vector<16xf32>,
      tpu.vector_store %arg4[%swap3A_283], %add3A_282 {strides = array<i32>} : memref<320xf32, #tpu.memory_space<vmem>>, vector<16xf32>,
      %get3A_285 = arith.constant 176 : index
      %get3A_286 = tpu.vector_load %arg4[%get3A_285] {strides = array<i32>} : memref<320xf32, #tpu.memory_space<vmem>>, vector<16xf32>,
      %get3A_287 = arith.constant 176 : index
      %get3A_288 = tpu.vector_load %arg5[%get3A_287] {strides = array<i32>} : memref<320xf32, #tpu.memory_space<vmem>>, vector<16xf32>,
      %add3A_289 = arith.addf %get3A_286, %get3A_288 : vector<16xf32>
      %swap3A_290 = arith.constant 176 : index
      %swap3A_291 = tpu.vector_load %arg4[%swap3A_290] {strides = array<i32>} : memref<320xf32, #tpu.memory_space<vmem>>, vector<16xf32>,
      tpu.vector_store %arg4[%swap3A_290], %add3A_289 {strides = array<i32>} : memref<320xf32, #tpu.memory_space<vmem>>, vector<16xf32>,
      %get3A_292 = arith.constant 192 : index
      %get3A_293 = tpu.vector_load %arg4[%get3A_292] {strides = array<i32>} : memref<320xf32, #tpu.memory_space<vmem>>, vector<16xf32>,
      %get3A_294 = arith.constant 192 : index
      %get3A_295 = tpu.vector_load %arg5[%get3A_294] {strides = array<i32>} : memref<320xf32, #tpu.memory_space<vmem>>, vector<16xf32>,
      %add3A_296 = arith.addf %get3A_293, %get3A_295 : vector<16xf32>
      %swap3A_297 = arith.constant 192 : index
      %swap3A_298 = tpu.vector_load %arg4[%swap3A_297] {strides = array<i32>} : memref<320xf32, #tpu.memory_space<vmem>>, vector<16xf32>,
      tpu.vector_store %arg4[%swap3A_297], %add3A_296 {strides = array<i32>} : memref<320xf32, #tpu.memory_space<vmem>>, vector<16xf32>,
      %get3A_299 = arith.constant 208 : index
      %get3A_300 = tpu.vector_load %arg4[%get3A_299] {strides = array<i32>} : memref<320xf32, #tpu.memory_space<vmem>>, vector<16xf32>,
      %get3A_301 = arith.constant 208 : index
      %get3A_302 = tpu.vector_load %arg5[%get3A_301] {strides = array<i32>} : memref<320xf32, #tpu.memory_space<vmem>>, vector<16xf32>,
      %add3A_303 = arith.addf %get3A_300, %get3A_302 : vector<16xf32>
      %swap3A_304 = arith.constant 208 : index
      %swap3A_305 = tpu.vector_load %arg4[%swap3A_304] {strides = array<i32>} : memref<320xf32, #tpu.memory_space<vmem>>, vector<16xf32>,
      tpu.vector_store %arg4[%swap3A_304], %add3A_303 {strides = array<i32>} : memref<320xf32, #tpu.memory_space<vmem>>, vector<16xf32>,
      %get3A_306 = arith.constant 224 : index
      %get3A_307 = tpu.vector_load %arg4[%get3A_306] {strides = array<i32>} : memref<320xf32, #tpu.memory_space<vmem>>, vector<16xf32>,
      %get3A_308 = arith.constant 224 : index
      %get3A_309 = tpu.vector_load %arg5[%get3A_308] {strides = array<i32>} : memref<320xf32, #tpu.memory_space<vmem>>, vector<16xf32>,
      %add3A_310 = arith.addf %get3A_307, %get3A_309 : vector<16xf32>
      %swap3A_311 = arith.constant 224 : index
      %swap3A_312 = tpu.vector_load %arg4[%swap3A_311] {strides = array<i32>} : memref<320xf32, #tpu.memory_space<vmem>>, vector<16xf32>,
      tpu.vector_store %arg4[%swap3A_311], %add3A_310 {strides = array<i32>} : memref<320xf32, #tpu.memory_space<vmem>>, vector<16xf32>,
      %get3A_313 = arith.constant 240 : index
      %get3A_314 = tpu.vector_load %arg4[%get3A_313] {strides = array<i32>} : memref<320xf32, #tpu.memory_space<vmem>>, vector<16xf32>,
      %get3A_315 = arith.constant 240 : index
      %get3A_316 = tpu.vector_load %arg5[%get3A_315] {strides = array<i32>} : memref<320xf32, #tpu.memory_space<vmem>>, vector<16xf32>,
      %add3A_317 = arith.addf %get3A_314, %get3A_316 : vector<16xf32>
      %swap3A_318 = arith.constant 240 : index
      %swap3A_319 = tpu.vector_load %arg4[%swap3A_318] {strides = array<i32>} : memref<320xf32, #tpu.memory_space<vmem>>, vector<16xf32>,
      tpu.vector_store %arg4[%swap3A_318], %add3A_317 {strides = array<i32>} : memref<320xf32, #tpu.memory_space<vmem>>, vector<16xf32>,
      %get3A_320 = arith.constant 256 : index
      %get3A_321 = tpu.vector_load %arg4[%get3A_320] {strides = array<i32>} : memref<320xf32, #tpu.memory_space<vmem>>, vector<16xf32>,
      %get3A_322 = arith.constant 256 : index
      %get3A_323 = tpu.vector_load %arg5[%get3A_322] {strides = array<i32>} : memref<320xf32, #tpu.memory_space<vmem>>, vector<16xf32>,
      %add3A_324 = arith.addf %get3A_321, %get3A_323 : vector<16xf32>
      %swap3A_325 = arith.constant 256 : index
      %swap3A_326 = tpu.vector_load %arg4[%swap3A_325] {strides = array<i32>} : memref<320xf32, #tpu.memory_space<vmem>>, vector<16xf32>,
      tpu.vector_store %arg4[%swap3A_325], %add3A_324 {strides = array<i32>} : memref<320xf32, #tpu.memory_space<vmem>>, vector<16xf32>,
      %get3A_327 = arith.constant 272 : index
      %get3A_328 = tpu.vector_load %arg4[%get3A_327] {strides = array<i32>} : memref<320xf32, #tpu.memory_space<vmem>>, vector<16xf32>,
      %get3A_329 = arith.constant 272 : index
      %get3A_330 = tpu.vector_load %arg5[%get3A_329] {strides = array<i32>} : memref<320xf32, #tpu.memory_space<vmem>>, vector<16xf32>,
      %add3A_331 = arith.addf %get3A_328, %get3A_330 : vector<16xf32>
      %swap3A_332 = arith.constant 272 : index
      %swap3A_333 = tpu.vector_load %arg4[%swap3A_332] {strides = array<i32>} : memref<320xf32, #tpu.memory_space<vmem>>, vector<16xf32>,
      tpu.vector_store %arg4[%swap3A_332], %add3A_331 {strides = array<i32>} : memref<320xf32, #tpu.memory_space<vmem>>, vector<16xf32>,
      %get3A_334 = arith.constant 288 : index
      %get3A_335 = tpu.vector_load %arg4[%get3A_334] {strides = array<i32>} : memref<320xf32, #tpu.memory_space<vmem>>, vector<16xf32>,
      %get3A_336 = arith.constant 288 : index
      %get3A_337 = tpu.vector_load %arg5[%get3A_336] {strides = array<i32>} : memref<320xf32, #tpu.memory_space<vmem>>, vector<16xf32>,
      %add3A_338 = arith.addf %get3A_335, %get3A_337 : vector<16xf32>
      %swap3A_339 = arith.constant 288 : index
      %swap3A_340 = tpu.vector_load %arg4[%swap3A_339] {strides = array<i32>} : memref<320xf32, #tpu.memory_space<vmem>>, vector<16xf32>,
      tpu.vector_store %arg4[%swap3A_339], %add3A_338 {strides = array<i32>} : memref<320xf32, #tpu.memory_space<vmem>>, vector<16xf32>,
      %get3A_341 = arith.constant 304 : index
      %get3A_342 = tpu.vector_load %arg4[%get3A_341] {strides = array<i32>} : memref<320xf32, #tpu.memory_space<vmem>>, vector<16xf32>,
      %get3A_343 = arith.constant 304 : index
      %get3A_344 = tpu.vector_load %arg5[%get3A_343] {strides = array<i32>} : memref<320xf32, #tpu.memory_space<vmem>>, vector<16xf32>,
      %add3A_345 = arith.addf %get3A_342, %get3A_344 : vector<16xf32>
      %swap3A_346 = arith.constant 304 : index
      %swap3A_347 = tpu.vector_load %arg4[%swap3A_346] {strides = array<i32>} : memref<320xf32, #tpu.memory_space<vmem>>, vector<16xf32>,
      tpu.vector_store %arg4[%swap3A_346], %add3A_345 {strides = array<i32>} : memref<320xf32, #tpu.memory_space<vmem>>, vector<16xf32>,
    }
    %scan3A_7 = arith.constant 31 : i32
    %get3A = arith.constant 0 : index
    %get3A_8 = tpu.vector_load %arg4[%get3A] {strides = array<i32>} : memref<320xf32, #tpu.memory_space<vmem>>, vector<16xf32>,
    %max3A = arith.constant 1.000000e+00 : f32
    %max3A_9 = vector.broadcast %max3A : f32 to vector<16xf32>
    %max3A_10 = arith.maximumf %get3A_8, %max3A_9 : vector<16xf32>
    %div3A = arith.constant 1.000000e+00 : f32
    %div3A_11 = vector.broadcast %div3A : f32 to vector<16xf32>
    %div3A_12 = arith.divf %div3A_11, %max3A_10 : vector<16xf32>
    %swap3A = arith.constant 0 : index
    %swap3A_13 = tpu.vector_load %arg4[%swap3A] {strides = array<i32>} : memref<320xf32, #tpu.memory_space<vmem>>, vector<16xf32>,
    tpu.vector_store %arg4[%swap3A], %div3A_12 {strides = array<i32>} : memref<320xf32, #tpu.memory_space<vmem>>, vector<16xf32>,
    %get3A_14 = arith.constant 16 : index
    %get3A_15 = tpu.vector_load %arg4[%get3A_14] {strides = array<i32>} : memref<320xf32, #tpu.memory_space<vmem>>, vector<16xf32>,
    %max3A_16 = arith.constant 1.000000e+00 : f32
    %max3A_17 = vector.broadcast %max3A_16 : f32 to vector<16xf32>
    %max3A_18 = arith.maximumf %get3A_15, %max3A_17 : vector<16xf32>
    %div3A_19 = arith.constant 1.000000e+00 : f32
    %div3A_20 = vector.broadcast %div3A_19 : f32 to vector<16xf32>
    %div3A_21 = arith.divf %div3A_20, %max3A_18 : vector<16xf32>
    %swap3A_22 = arith.constant 16 : index
    %swap3A_23 = tpu.vector_load %arg4[%swap3A_22] {strides = array<i32>} : memref<320xf32, #tpu.memory_space<vmem>>, vector<16xf32>,
    tpu.vector_store %arg4[%swap3A_22], %div3A_21 {strides = array<i32>} : memref<320xf32, #tpu.memory_space<vmem>>, vector<16xf32>,
    %get3A_24 = arith.constant 32 : index
    %get3A_25 = tpu.vector_load %arg4[%get3A_24] {strides = array<i32>} : memref<320xf32, #tpu.memory_space<vmem>>, vector<16xf32>,
    %max3A_26 = arith.constant 1.000000e+00 : f32
    %max3A_27 = vector.broadcast %max3A_26 : f32 to vector<16xf32>
    %max3A_28 = arith.maximumf %get3A_25, %max3A_27 : vector<16xf32>
    %div3A_29 = arith.constant 1.000000e+00 : f32
    %div3A_30 = vector.broadcast %div3A_29 : f32 to vector<16xf32>
    %div3A_31 = arith.divf %div3A_30, %max3A_28 : vector<16xf32>
    %swap3A_32 = arith.constant 32 : index
    %swap3A_33 = tpu.vector_load %arg4[%swap3A_32] {strides = array<i32>} : memref<320xf32, #tpu.memory_space<vmem>>, vector<16xf32>,
    tpu.vector_store %arg4[%swap3A_32], %div3A_31 {strides = array<i32>} : memref<320xf32, #tpu.memory_space<vmem>>, vector<16xf32>,
    %get3A_34 = arith.constant 48 : index
    %get3A_35 = tpu.vector_load %arg4[%get3A_34] {strides = array<i32>} : memref<320xf32, #tpu.memory_space<vmem>>, vector<16xf32>,
    %max3A_36 = arith.constant 1.000000e+00 : f32
    %max3A_37 = vector.broadcast %max3A_36 : f32 to vector<16xf32>
    %max3A_38 = arith.maximumf %get3A_35, %max3A_37 : vector<16xf32>
    %div3A_39 = arith.constant 1.000000e+00 : f32
    %div3A_40 = vector.broadcast %div3A_39 : f32 to vector<16xf32>
    %div3A_41 = arith.divf %div3A_40, %max3A_38 : vector<16xf32>
    %swap3A_42 = arith.constant 48 : index
    %swap3A_43 = tpu.vector_load %arg4[%swap3A_42] {strides = array<i32>} : memref<320xf32, #tpu.memory_space<vmem>>, vector<16xf32>,
    tpu.vector_store %arg4[%swap3A_42], %div3A_41 {strides = array<i32>} : memref<320xf32, #tpu.memory_space<vmem>>, vector<16xf32>,
    %get3A_44 = arith.constant 64 : index
    %get3A_45 = tpu.vector_load %arg4[%get3A_44] {strides = array<i32>} : memref<320xf32, #tpu.memory_space<vmem>>, vector<16xf32>,
    %max3A_46 = arith.constant 1.000000e+00 : f32
    %max3A_47 = vector.broadcast %max3A_46 : f32 to vector<16xf32>
    %max3A_48 = arith.maximumf %get3A_45, %max3A_47 : vector<16xf32>
    %div3A_49 = arith.constant 1.000000e+00 : f32
    %div3A_50 = vector.broadcast %div3A_49 : f32 to vector<16xf32>
    %div3A_51 = arith.divf %div3A_50, %max3A_48 : vector<16xf32>
    %swap3A_52 = arith.constant 64 : index
    %swap3A_53 = tpu.vector_load %arg4[%swap3A_52] {strides = array<i32>} : memref<320xf32, #tpu.memory_space<vmem>>, vector<16xf32>,
    tpu.vector_store %arg4[%swap3A_52], %div3A_51 {strides = array<i32>} : memref<320xf32, #tpu.memory_space<vmem>>, vector<16xf32>,
    %get3A_54 = arith.constant 80 : index
    %get3A_55 = tpu.vector_load %arg4[%get3A_54] {strides = array<i32>} : memref<320xf32, #tpu.memory_space<vmem>>, vector<16xf32>,
    %max3A_56 = arith.constant 1.000000e+00 : f32
    %max3A_57 = vector.broadcast %max3A_56 : f32 to vector<16xf32>
    %max3A_58 = arith.maximumf %get3A_55, %max3A_57 : vector<16xf32>
    %div3A_59 = arith.constant 1.000000e+00 : f32
    %div3A_60 = vector.broadcast %div3A_59 : f32 to vector<16xf32>
    %div3A_61 = arith.divf %div3A_60, %max3A_58 : vector<16xf32>
    %swap3A_62 = arith.constant 80 : index
    %swap3A_63 = tpu.vector_load %arg4[%swap3A_62] {strides = array<i32>} : memref<320xf32, #tpu.memory_space<vmem>>, vector<16xf32>,
    tpu.vector_store %arg4[%swap3A_62], %div3A_61 {strides = array<i32>} : memref<320xf32, #tpu.memory_space<vmem>>, vector<16xf32>,
    %get3A_64 = arith.constant 96 : index
    %get3A_65 = tpu.vector_load %arg4[%get3A_64] {strides = array<i32>} : memref<320xf32, #tpu.memory_space<vmem>>, vector<16xf32>,
    %max3A_66 = arith.constant 1.000000e+00 : f32
    %max3A_67 = vector.broadcast %max3A_66 : f32 to vector<16xf32>
    %max3A_68 = arith.maximumf %get3A_65, %max3A_67 : vector<16xf32>
    %div3A_69 = arith.constant 1.000000e+00 : f32
    %div3A_70 = vector.broadcast %div3A_69 : f32 to vector<16xf32>
    %div3A_71 = arith.divf %div3A_70, %max3A_68 : vector<16xf32>
    %swap3A_72 = arith.constant 96 : index
    %swap3A_73 = tpu.vector_load %arg4[%swap3A_72] {strides = array<i32>} : memref<320xf32, #tpu.memory_space<vmem>>, vector<16xf32>,
    tpu.vector_store %arg4[%swap3A_72], %div3A_71 {strides = array<i32>} : memref<320xf32, #tpu.memory_space<vmem>>, vector<16xf32>,
    %get3A_74 = arith.constant 112 : index
    %get3A_75 = tpu.vector_load %arg4[%get3A_74] {strides = array<i32>} : memref<320xf32, #tpu.memory_space<vmem>>, vector<16xf32>,
    %max3A_76 = arith.constant 1.000000e+00 : f32
    %max3A_77 = vector.broadcast %max3A_76 : f32 to vector<16xf32>
    %max3A_78 = arith.maximumf %get3A_75, %max3A_77 : vector<16xf32>
    %div3A_79 = arith.constant 1.000000e+00 : f32
    %div3A_80 = vector.broadcast %div3A_79 : f32 to vector<16xf32>
    %div3A_81 = arith.divf %div3A_80, %max3A_78 : vector<16xf32>
    %swap3A_82 = arith.constant 112 : index
    %swap3A_83 = tpu.vector_load %arg4[%swap3A_82] {strides = array<i32>} : memref<320xf32, #tpu.memory_space<vmem>>, vector<16xf32>,
    tpu.vector_store %arg4[%swap3A_82], %div3A_81 {strides = array<i32>} : memref<320xf32, #tpu.memory_space<vmem>>, vector<16xf32>,
    %get3A_84 = arith.constant 128 : index
    %get3A_85 = tpu.vector_load %arg4[%get3A_84] {strides = array<i32>} : memref<320xf32, #tpu.memory_space<vmem>>, vector<16xf32>,
    %max3A_86 = arith.constant 1.000000e+00 : f32
    %max3A_87 = vector.broadcast %max3A_86 : f32 to vector<16xf32>
    %max3A_88 = arith.maximumf %get3A_85, %max3A_87 : vector<16xf32>
    %div3A_89 = arith.constant 1.000000e+00 : f32
    %div3A_90 = vector.broadcast %div3A_89 : f32 to vector<16xf32>
    %div3A_91 = arith.divf %div3A_90, %max3A_88 : vector<16xf32>
    %swap3A_92 = arith.constant 128 : index
    %swap3A_93 = tpu.vector_load %arg4[%swap3A_92] {strides = array<i32>} : memref<320xf32, #tpu.memory_space<vmem>>, vector<16xf32>,
    tpu.vector_store %arg4[%swap3A_92], %div3A_91 {strides = array<i32>} : memref<320xf32, #tpu.memory_space<vmem>>, vector<16xf32>,
    %get3A_94 = arith.constant 144 : index
    %get3A_95 = tpu.vector_load %arg4[%get3A_94] {strides = array<i32>} : memref<320xf32, #tpu.memory_space<vmem>>, vector<16xf32>,
    %max3A_96 = arith.constant 1.000000e+00 : f32
    %max3A_97 = vector.broadcast %max3A_96 : f32 to vector<16xf32>
    %max3A_98 = arith.maximumf %get3A_95, %max3A_97 : vector<16xf32>
    %div3A_99 = arith.constant 1.000000e+00 : f32
    %div3A_100 = vector.broadcast %div3A_99 : f32 to vector<16xf32>
    %div3A_101 = arith.divf %div3A_100, %max3A_98 : vector<16xf32>
    %swap3A_102 = arith.constant 144 : index
    %swap3A_103 = tpu.vector_load %arg4[%swap3A_102] {strides = array<i32>} : memref<320xf32, #tpu.memory_space<vmem>>, vector<16xf32>,
    tpu.vector_store %arg4[%swap3A_102], %div3A_101 {strides = array<i32>} : memref<320xf32, #tpu.memory_space<vmem>>, vector<16xf32>,
    %get3A_104 = arith.constant 160 : index
    %get3A_105 = tpu.vector_load %arg4[%get3A_104] {strides = array<i32>} : memref<320xf32, #tpu.memory_space<vmem>>, vector<16xf32>,
    %max3A_106 = arith.constant 1.000000e+00 : f32
    %max3A_107 = vector.broadcast %max3A_106 : f32 to vector<16xf32>
    %max3A_108 = arith.maximumf %get3A_105, %max3A_107 : vector<16xf32>
    %div3A_109 = arith.constant 1.000000e+00 : f32
    %div3A_110 = vector.broadcast %div3A_109 : f32 to vector<16xf32>
    %div3A_111 = arith.divf %div3A_110, %max3A_108 : vector<16xf32>
    %swap3A_112 = arith.constant 160 : index
    %swap3A_113 = tpu.vector_load %arg4[%swap3A_112] {strides = array<i32>} : memref<320xf32, #tpu.memory_space<vmem>>, vector<16xf32>,
    tpu.vector_store %arg4[%swap3A_112], %div3A_111 {strides = array<i32>} : memref<320xf32, #tpu.memory_space<vmem>>, vector<16xf32>,
    %get3A_114 = arith.constant 176 : index
    %get3A_115 = tpu.vector_load %arg4[%get3A_114] {strides = array<i32>} : memref<320xf32, #tpu.memory_space<vmem>>, vector<16xf32>,
    %max3A_116 = arith.constant 1.000000e+00 : f32
    %max3A_117 = vector.broadcast %max3A_116 : f32 to vector<16xf32>
    %max3A_118 = arith.maximumf %get3A_115, %max3A_117 : vector<16xf32>
    %div3A_119 = arith.constant 1.000000e+00 : f32
    %div3A_120 = vector.broadcast %div3A_119 : f32 to vector<16xf32>
    %div3A_121 = arith.divf %div3A_120, %max3A_118 : vector<16xf32>
    %swap3A_122 = arith.constant 176 : index
    %swap3A_123 = tpu.vector_load %arg4[%swap3A_122] {strides = array<i32>} : memref<320xf32, #tpu.memory_space<vmem>>, vector<16xf32>,
    tpu.vector_store %arg4[%swap3A_122], %div3A_121 {strides = array<i32>} : memref<320xf32, #tpu.memory_space<vmem>>, vector<16xf32>,
    %get3A_124 = arith.constant 192 : index
    %get3A_125 = tpu.vector_load %arg4[%get3A_124] {strides = array<i32>} : memref<320xf32, #tpu.memory_space<vmem>>, vector<16xf32>,
    %max3A_126 = arith.constant 1.000000e+00 : f32
    %max3A_127 = vector.broadcast %max3A_126 : f32 to vector<16xf32>
    %max3A_128 = arith.maximumf %get3A_125, %max3A_127 : vector<16xf32>
    %div3A_129 = arith.constant 1.000000e+00 : f32
    %div3A_130 = vector.broadcast %div3A_129 : f32 to vector<16xf32>
    %div3A_131 = arith.divf %div3A_130, %max3A_128 : vector<16xf32>
    %swap3A_132 = arith.constant 192 : index
    %swap3A_133 = tpu.vector_load %arg4[%swap3A_132] {strides = array<i32>} : memref<320xf32, #tpu.memory_space<vmem>>, vector<16xf32>,
    tpu.vector_store %arg4[%swap3A_132], %div3A_131 {strides = array<i32>} : memref<320xf32, #tpu.memory_space<vmem>>, vector<16xf32>,
    %get3A_134 = arith.constant 208 : index
    %get3A_135 = tpu.vector_load %arg4[%get3A_134] {strides = array<i32>} : memref<320xf32, #tpu.memory_space<vmem>>, vector<16xf32>,
    %max3A_136 = arith.constant 1.000000e+00 : f32
    %max3A_137 = vector.broadcast %max3A_136 : f32 to vector<16xf32>
    %max3A_138 = arith.maximumf %get3A_135, %max3A_137 : vector<16xf32>
    %div3A_139 = arith.constant 1.000000e+00 : f32
    %div3A_140 = vector.broadcast %div3A_139 : f32 to vector<16xf32>
    %div3A_141 = arith.divf %div3A_140, %max3A_138 : vector<16xf32>
    %swap3A_142 = arith.constant 208 : index
    %swap3A_143 = tpu.vector_load %arg4[%swap3A_142] {strides = array<i32>} : memref<320xf32, #tpu.memory_space<vmem>>, vector<16xf32>,
    tpu.vector_store %arg4[%swap3A_142], %div3A_141 {strides = array<i32>} : memref<320xf32, #tpu.memory_space<vmem>>, vector<16xf32>,
    %get3A_144 = arith.constant 224 : index
    %get3A_145 = tpu.vector_load %arg4[%get3A_144] {strides = array<i32>} : memref<320xf32, #tpu.memory_space<vmem>>, vector<16xf32>,
    %max3A_146 = arith.constant 1.000000e+00 : f32
    %max3A_147 = vector.broadcast %max3A_146 : f32 to vector<16xf32>
    %max3A_148 = arith.maximumf %get3A_145, %max3A_147 : vector<16xf32>
    %div3A_149 = arith.constant 1.000000e+00 : f32
    %div3A_150 = vector.broadcast %div3A_149 : f32 to vector<16xf32>
    %div3A_151 = arith.divf %div3A_150, %max3A_148 : vector<16xf32>
    %swap3A_152 = arith.constant 224 : index
    %swap3A_153 = tpu.vector_load %arg4[%swap3A_152] {strides = array<i32>} : memref<320xf32, #tpu.memory_space<vmem>>, vector<16xf32>,
    tpu.vector_store %arg4[%swap3A_152], %div3A_151 {strides = array<i32>} : memref<320xf32, #tpu.memory_space<vmem>>, vector<16xf32>,
    %get3A_154 = arith.constant 240 : index
    %get3A_155 = tpu.vector_load %arg4[%get3A_154] {strides = array<i32>} : memref<320xf32, #tpu.memory_space<vmem>>, vector<16xf32>,
    %max3A_156 = arith.constant 1.000000e+00 : f32
    %max3A_157 = vector.broadcast %max3A_156 : f32 to vector<16xf32>
    %max3A_158 = arith.maximumf %get3A_155, %max3A_157 : vector<16xf32>
    %div3A_159 = arith.constant 1.000000e+00 : f32
    %div3A_160 = vector.broadcast %div3A_159 : f32 to vector<16xf32>
    %div3A_161 = arith.divf %div3A_160, %max3A_158 : vector<16xf32>
    %swap3A_162 = arith.constant 240 : index
    %swap3A_163 = tpu.vector_load %arg4[%swap3A_162] {strides = array<i32>} : memref<320xf32, #tpu.memory_space<vmem>>, vector<16xf32>,
    tpu.vector_store %arg4[%swap3A_162], %div3A_161 {strides = array<i32>} : memref<320xf32, #tpu.memory_space<vmem>>, vector<16xf32>,
    %get3A_164 = arith.constant 256 : index
    %get3A_165 = tpu.vector_load %arg4[%get3A_164] {strides = array<i32>} : memref<320xf32, #tpu.memory_space<vmem>>, vector<16xf32>,
    %max3A_166 = arith.constant 1.000000e+00 : f32
    %max3A_167 = vector.broadcast %max3A_166 : f32 to vector<16xf32>
    %max3A_168 = arith.maximumf %get3A_165, %max3A_167 : vector<16xf32>
    %div3A_169 = arith.constant 1.000000e+00 : f32
    %div3A_170 = vector.broadcast %div3A_169 : f32 to vector<16xf32>
    %div3A_171 = arith.divf %div3A_170, %max3A_168 : vector<16xf32>
    %swap3A_172 = arith.constant 256 : index
    %swap3A_173 = tpu.vector_load %arg4[%swap3A_172] {strides = array<i32>} : memref<320xf32, #tpu.memory_space<vmem>>, vector<16xf32>,
    tpu.vector_store %arg4[%swap3A_172], %div3A_171 {strides = array<i32>} : memref<320xf32, #tpu.memory_space<vmem>>, vector<16xf32>,
    %get3A_174 = arith.constant 272 : index
    %get3A_175 = tpu.vector_load %arg4[%get3A_174] {strides = array<i32>} : memref<320xf32, #tpu.memory_space<vmem>>, vector<16xf32>,
    %max3A_176 = arith.constant 1.000000e+00 : f32
    %max3A_177 = vector.broadcast %max3A_176 : f32 to vector<16xf32>
    %max3A_178 = arith.maximumf %get3A_175, %max3A_177 : vector<16xf32>
    %div3A_179 = arith.constant 1.000000e+00 : f32
    %div3A_180 = vector.broadcast %div3A_179 : f32 to vector<16xf32>
    %div3A_181 = arith.divf %div3A_180, %max3A_178 : vector<16xf32>
    %swap3A_182 = arith.constant 272 : index
    %swap3A_183 = tpu.vector_load %arg4[%swap3A_182] {strides = array<i32>} : memref<320xf32, #tpu.memory_space<vmem>>, vector<16xf32>,
    tpu.vector_store %arg4[%swap3A_182], %div3A_181 {strides = array<i32>} : memref<320xf32, #tpu.memory_space<vmem>>, vector<16xf32>,
    %get3A_184 = arith.constant 288 : index
    %get3A_185 = tpu.vector_load %arg4[%get3A_184] {strides = array<i32>} : memref<320xf32, #tpu.memory_space<vmem>>, vector<16xf32>,
    %max3A_186 = arith.constant 1.000000e+00 : f32
    %max3A_187 = vector.broadcast %max3A_186 : f32 to vector<16xf32>
    %max3A_188 = arith.maximumf %get3A_185, %max3A_187 : vector<16xf32>
    %div3A_189 = arith.constant 1.000000e+00 : f32
    %div3A_190 = vector.broadcast %div3A_189 : f32 to vector<16xf32>
    %div3A_191 = arith.divf %div3A_190, %max3A_188 : vector<16xf32>
    %swap3A_192 = arith.constant 288 : index
    %swap3A_193 = tpu.vector_load %arg4[%swap3A_192] {strides = array<i32>} : memref<320xf32, #tpu.memory_space<vmem>>, vector<16xf32>,
    tpu.vector_store %arg4[%swap3A_192], %div3A_191 {strides = array<i32>} : memref<320xf32, #tpu.memory_space<vmem>>, vector<16xf32>,
    %get3A_194 = arith.constant 304 : index
    %get3A_195 = tpu.vector_load %arg4[%get3A_194] {strides = array<i32>} : memref<320xf32, #tpu.memory_space<vmem>>, vector<16xf32>,
    %max3A_196 = arith.constant 1.000000e+00 : f32
    %max3A_197 = vector.broadcast %max3A_196 : f32 to vector<16xf32>
    %max3A_198 = arith.maximumf %get3A_195, %max3A_197 : vector<16xf32>
    %div3A_199 = arith.constant 1.000000e+00 : f32
    %div3A_200 = vector.broadcast %div3A_199 : f32 to vector<16xf32>
    %div3A_201 = arith.divf %div3A_200, %max3A_198 : vector<16xf32>
    %swap3A_202 = arith.constant 304 : index
    %swap3A_203 = tpu.vector_load %arg4[%swap3A_202] {strides = array<i32>} : memref<320xf32, #tpu.memory_space<vmem>>, vector<16xf32>,
    tpu.vector_store %arg4[%swap3A_202], %div3A_201 {strides = array<i32>} : memref<320xf32, #tpu.memory_space<vmem>>, vector<16xf32>,
    "tpu.region"() ({
      %run_scoped3A = tpu.sem_alloc : memref<!tpu.dma_semaphore, #tpu.memory_space<semaphore_mem>>
      %dma_start3A = tpu.memref_slice %arg3[%mul3A_2] : memref<10240xf32, #tpu.memory_space<hbm>> -> memref<320xf32, #tpu.memory_space<hbm>>
      %dma_start3A_204 = tpu.memref_slice %arg3[%mul3A_2] : memref<10240xf32, #tpu.memory_space<hbm>> -> memref<320xf32, #tpu.memory_space<hbm>>
      tpu.enqueue_dma source(%arg4 : memref<320xf32, #tpu.memory_space<vmem>>) target(%dma_start3A_204 : memref<320xf32, #tpu.memory_space<hbm>>) target_semaphore(%run_scoped3A : memref<!tpu.dma_semaphore, #tpu.memory_space<semaphore_mem>>)
      %dma_wait3A = tpu.memref_slice %arg3[%mul3A_2] : memref<10240xf32, #tpu.memory_space<hbm>> -> memref<320xf32, #tpu.memory_space<hbm>>
      %dma_wait3A_205 = tpu.memref_slice %arg3[%mul3A_2] : memref<10240xf32, #tpu.memory_space<hbm>> -> memref<320xf32, #tpu.memory_space<hbm>>
      tpu.wait_dma2 semaphore(%run_scoped3A : memref<!tpu.dma_semaphore, #tpu.memory_space<semaphore_mem>>) src(%arg4 : memref<320xf32, #tpu.memory_space<vmem>>) dst(%dma_wait3A_205 : memref<320xf32, #tpu.memory_space<hbm>>)
      tpu.yield
    }) : () -> ()
    return
  }
}

#map = affine_map<(d0, d1) -> (0, 0)>
#map1 = affine_map<(d0, d1) -> (0)>
#map2 = affine_map<(d0, d1) -> (0, 0, 0)>
module attributes {stable_mosaic.version = 14 : i64} {
  func.func @body(%arg0: i32, %arg1: i32, %arg2: memref<10000x128xf32, #tpu.memory_space<hbm>>, %arg3: memref<320000xi32, #tpu.memory_space<hbm>>, %arg4: memref<320000xi32, #tpu.memory_space<hbm>>, %arg5: memref<640x128xf32, #tpu.memory_space<hbm>>, %arg6: memref<10240xf32, #tpu.memory_space<hbm>>, %arg7: memref<2x10240x128xf32, #tpu.memory_space<hbm>>, %arg8: memref<10000xi32, #tpu.memory_space<vmem>>, %arg9: memref<80xi32, #tpu.memory_space<vmem>>, %arg10: memref<80xi32, #tpu.memory_space<vmem>>, %arg11: memref<80xi32, #tpu.memory_space<vmem>>, %arg12: memref<80x128xf32, #tpu.memory_space<vmem>>, %arg13: memref<80x128xf32, #tpu.memory_space<vmem>>, %arg14: memref<80x128xf32, #tpu.memory_space<vmem>>, %arg15: memref<10240x128xf32, #tpu.memory_space<vmem_shared>>, %arg16: memref<!tpu.dma_semaphore, #tpu.memory_space<semaphore_mem>>, %arg17: memref<!tpu.dma_semaphore, #tpu.memory_space<semaphore_mem>>, %arg18: memref<!tpu.dma_semaphore, #tpu.memory_space<semaphore_mem>>, %arg19: memref<!tpu.dma_semaphore, #tpu.memory_space<semaphore_mem>>, %arg20: memref<!tpu.dma_semaphore, #tpu.memory_space<semaphore_mem>>, %arg21: memref<!tpu.dma_semaphore, #tpu.memory_space<semaphore_mem>>) attributes {dimension_semantics = [#tpu.dimension_semantics<core_parallel>, #tpu.dimension_semantics<subcore_parallel>], iteration_bounds = array<i64: 2, 16>, scalar_prefetch = 0 : i64, scratch_operands = 14 : i64, tpu.core_type = #tpu.core_type<sc_vector_subcore>, window_params = [{transform_indices = #map}, {transform_indices = #map1}, {transform_indices = #map1}, {transform_indices = #map}, {transform_indices = #map1}, {transform_indices = #map2}]} {
    %mul3A = arith.constant 16 : i32
    %mul3A_0 = arith.muli %arg0, %mul3A : i32
    %add3A = arith.addi %mul3A_0, %arg1 : i32
    %mul3A_1 = arith.constant 640 : i32
    %mul3A_2 = arith.muli %arg1, %mul3A_1 : i32
    "tpu.region"() ({
      %run_scoped3A = tpu.sem_alloc : memref<!tpu.dma_semaphore, #tpu.memory_space<semaphore_mem>>
      %dma_start3A_72 = arith.constant 0 : i32
      %dma_start3A_73 = tpu.memref_slice %arg15[%mul3A_2, %dma_start3A_72] : memref<10240x128xf32, #tpu.memory_space<vmem_shared>> -> memref<640x128xf32, #tpu.memory_space<vmem_shared>>
      tpu.enqueue_dma source(%arg5 : memref<640x128xf32, #tpu.memory_space<hbm>>) target(%dma_start3A_73 : memref<640x128xf32, #tpu.memory_space<vmem_shared>>) target_semaphore(%run_scoped3A : memref<!tpu.dma_semaphore, #tpu.memory_space<semaphore_mem>>)
      %dma_wait3A_74 = arith.constant 0 : i32
      %dma_wait3A_75 = tpu.memref_slice %arg15[%mul3A_2, %dma_wait3A_74] : memref<10240x128xf32, #tpu.memory_space<vmem_shared>> -> memref<640x128xf32, #tpu.memory_space<vmem_shared>>
      tpu.wait_dma2 semaphore(%run_scoped3A : memref<!tpu.dma_semaphore, #tpu.memory_space<semaphore_mem>>) src(%arg5 : memref<640x128xf32, #tpu.memory_space<hbm>>) dst(%dma_wait3A_75 : memref<640x128xf32, #tpu.memory_space<vmem_shared>>)
      tpu.yield
    }) : () -> ()
    %mul3A_3 = arith.constant 10000 : i32
    %mul3A_4 = arith.muli %add3A, %mul3A_3 : i32
    "tpu.region"() ({
      %run_scoped3A = tpu.sem_alloc : memref<!tpu.dma_semaphore, #tpu.memory_space<semaphore_mem>>
      %dma_start3A_72 = tpu.memref_slice %arg3[%mul3A_4] : memref<320000xi32, #tpu.memory_space<hbm>> -> memref<10000xi32, #tpu.memory_space<hbm>>
      %dma_start3A_73 = tpu.memref_slice %arg3[%mul3A_4] : memref<320000xi32, #tpu.memory_space<hbm>> -> memref<10000xi32, #tpu.memory_space<hbm>>
      tpu.enqueue_dma source(%dma_start3A_73 : memref<10000xi32, #tpu.memory_space<hbm>>) target(%arg8 : memref<10000xi32, #tpu.memory_space<vmem>>) target_semaphore(%run_scoped3A : memref<!tpu.dma_semaphore, #tpu.memory_space<semaphore_mem>>)
      %dma_wait3A_74 = tpu.memref_slice %arg3[%mul3A_4] : memref<320000xi32, #tpu.memory_space<hbm>> -> memref<10000xi32, #tpu.memory_space<hbm>>
      %dma_wait3A_75 = tpu.memref_slice %arg3[%mul3A_4] : memref<320000xi32, #tpu.memory_space<hbm>> -> memref<10000xi32, #tpu.memory_space<hbm>>
      tpu.wait_dma2 semaphore(%run_scoped3A : memref<!tpu.dma_semaphore, #tpu.memory_space<semaphore_mem>>) src(%dma_wait3A_75 : memref<10000xi32, #tpu.memory_space<hbm>>) dst(%arg8 : memref<10000xi32, #tpu.memory_space<vmem>>)
      tpu.yield
    }) : () -> ()
    %barrier3A = arith.constant 0 : index
    tpu.barrier barrier_id(%barrier3A)
    %mul3A_5 = arith.constant 10000 : i32
    %mul3A_6 = arith.muli %add3A, %mul3A_5 : i32
    %broadcast_in_dim3A = arith.constant 1.000000e+00 : f32
    %broadcast_in_dim3A_7 = vector.broadcast %broadcast_in_dim3A : f32 to vector<16xf32>
    %add3A_8 = arith.constant 0 : i32
    %add3A_9 = arith.addi %mul3A_6, %add3A_8 : i32
    "tpu.region"() ({
      %run_scoped3A = tpu.sem_alloc : memref<!tpu.dma_semaphore, #tpu.memory_space<semaphore_mem>>
      %dma_start3A_72 = tpu.memref_slice %arg4[%add3A_9] : memref<320000xi32, #tpu.memory_space<hbm>> -> memref<80xi32, #tpu.memory_space<hbm>>
      %dma_start3A_73 = tpu.memref_slice %arg4[%add3A_9] : memref<320000xi32, #tpu.memory_space<hbm>> -> memref<80xi32, #tpu.memory_space<hbm>>
      tpu.enqueue_dma source(%dma_start3A_73 : memref<80xi32, #tpu.memory_space<hbm>>) target(%arg9 : memref<80xi32, #tpu.memory_space<vmem>>) target_semaphore(%run_scoped3A : memref<!tpu.dma_semaphore, #tpu.memory_space<semaphore_mem>>)
      %dma_wait3A_74 = tpu.memref_slice %arg4[%add3A_9] : memref<320000xi32, #tpu.memory_space<hbm>> -> memref<80xi32, #tpu.memory_space<hbm>>
      %dma_wait3A_75 = tpu.memref_slice %arg4[%add3A_9] : memref<320000xi32, #tpu.memory_space<hbm>> -> memref<80xi32, #tpu.memory_space<hbm>>
      tpu.wait_dma2 semaphore(%run_scoped3A : memref<!tpu.dma_semaphore, #tpu.memory_space<semaphore_mem>>) src(%dma_wait3A_75 : memref<80xi32, #tpu.memory_space<hbm>>) dst(%arg9 : memref<80xi32, #tpu.memory_space<vmem>>)
      tpu.yield
    }) : () -> ()
    %dma_start3A = arith.constant 0 : i32
    %dma_start3A_10 = tpu.memref_slice %arg8[%dma_start3A] : memref<10000xi32, #tpu.memory_space<vmem>> -> memref<80xi32, #tpu.memory_space<vmem>>
    %dma_start3A_11 = arith.constant 0 : i32
    %dma_start3A_12 = arith.constant 0 : i32
    %dma_start3A_13 = tpu.memref_slice %arg2[%dma_start3A_11, %dma_start3A_12] : memref<10000x128xf32, #tpu.memory_space<hbm>> -> memref<10000x128xf32, #tpu.memory_space<hbm>>
    tpu.enqueue_indirect_dma source(%dma_start3A_13 : memref<10000x128xf32, #tpu.memory_space<hbm>>) target(%arg12 : memref<80x128xf32, #tpu.memory_space<vmem>>) offsets(%dma_start3A_10 : memref<80xi32, #tpu.memory_space<vmem>>) semaphore(%arg16 : memref<!tpu.dma_semaphore, #tpu.memory_space<semaphore_mem>>)
    %add3A_14 = arith.constant 80 : i32
    %add3A_15 = arith.addi %mul3A_6, %add3A_14 : i32
    "tpu.region"() ({
      %run_scoped3A = tpu.sem_alloc : memref<!tpu.dma_semaphore, #tpu.memory_space<semaphore_mem>>
      %dma_start3A_72 = tpu.memref_slice %arg4[%add3A_15] : memref<320000xi32, #tpu.memory_space<hbm>> -> memref<80xi32, #tpu.memory_space<hbm>>
      %dma_start3A_73 = tpu.memref_slice %arg4[%add3A_15] : memref<320000xi32, #tpu.memory_space<hbm>> -> memref<80xi32, #tpu.memory_space<hbm>>
      tpu.enqueue_dma source(%dma_start3A_73 : memref<80xi32, #tpu.memory_space<hbm>>) target(%arg10 : memref<80xi32, #tpu.memory_space<vmem>>) target_semaphore(%run_scoped3A : memref<!tpu.dma_semaphore, #tpu.memory_space<semaphore_mem>>)
      %dma_wait3A_74 = tpu.memref_slice %arg4[%add3A_15] : memref<320000xi32, #tpu.memory_space<hbm>> -> memref<80xi32, #tpu.memory_space<hbm>>
      %dma_wait3A_75 = tpu.memref_slice %arg4[%add3A_15] : memref<320000xi32, #tpu.memory_space<hbm>> -> memref<80xi32, #tpu.memory_space<hbm>>
      tpu.wait_dma2 semaphore(%run_scoped3A : memref<!tpu.dma_semaphore, #tpu.memory_space<semaphore_mem>>) src(%dma_wait3A_75 : memref<80xi32, #tpu.memory_space<hbm>>) dst(%arg10 : memref<80xi32, #tpu.memory_space<vmem>>)
      tpu.yield
    }) : () -> ()
    %dma_start3A_16 = arith.constant 80 : i32
    %dma_start3A_17 = tpu.memref_slice %arg8[%dma_start3A_16] : memref<10000xi32, #tpu.memory_space<vmem>> -> memref<80xi32, #tpu.memory_space<vmem>>
    %dma_start3A_18 = arith.constant 0 : i32
    %dma_start3A_19 = arith.constant 0 : i32
    %dma_start3A_20 = tpu.memref_slice %arg2[%dma_start3A_18, %dma_start3A_19] : memref<10000x128xf32, #tpu.memory_space<hbm>> -> memref<10000x128xf32, #tpu.memory_space<hbm>>
    tpu.enqueue_indirect_dma source(%dma_start3A_20 : memref<10000x128xf32, #tpu.memory_space<hbm>>) target(%arg13 : memref<80x128xf32, #tpu.memory_space<vmem>>) offsets(%dma_start3A_17 : memref<80xi32, #tpu.memory_space<vmem>>) semaphore(%arg17 : memref<!tpu.dma_semaphore, #tpu.memory_space<semaphore_mem>>)
    %add3A_21 = arith.constant 160 : i32
    %add3A_22 = arith.addi %mul3A_6, %add3A_21 : i32
    "tpu.region"() ({
      %run_scoped3A = tpu.sem_alloc : memref<!tpu.dma_semaphore, #tpu.memory_space<semaphore_mem>>
      %dma_start3A_72 = tpu.memref_slice %arg4[%add3A_22] : memref<320000xi32, #tpu.memory_space<hbm>> -> memref<80xi32, #tpu.memory_space<hbm>>
      %dma_start3A_73 = tpu.memref_slice %arg4[%add3A_22] : memref<320000xi32, #tpu.memory_space<hbm>> -> memref<80xi32, #tpu.memory_space<hbm>>
      tpu.enqueue_dma source(%dma_start3A_73 : memref<80xi32, #tpu.memory_space<hbm>>) target(%arg11 : memref<80xi32, #tpu.memory_space<vmem>>) target_semaphore(%run_scoped3A : memref<!tpu.dma_semaphore, #tpu.memory_space<semaphore_mem>>)
      %dma_wait3A_74 = tpu.memref_slice %arg4[%add3A_22] : memref<320000xi32, #tpu.memory_space<hbm>> -> memref<80xi32, #tpu.memory_space<hbm>>
      %dma_wait3A_75 = tpu.memref_slice %arg4[%add3A_22] : memref<320000xi32, #tpu.memory_space<hbm>> -> memref<80xi32, #tpu.memory_space<hbm>>
      tpu.wait_dma2 semaphore(%run_scoped3A : memref<!tpu.dma_semaphore, #tpu.memory_space<semaphore_mem>>) src(%dma_wait3A_75 : memref<80xi32, #tpu.memory_space<hbm>>) dst(%arg11 : memref<80xi32, #tpu.memory_space<vmem>>)
      tpu.yield
    }) : () -> ()
    %dma_start3A_23 = arith.constant 160 : i32
    %dma_start3A_24 = tpu.memref_slice %arg8[%dma_start3A_23] : memref<10000xi32, #tpu.memory_space<vmem>> -> memref<80xi32, #tpu.memory_space<vmem>>
    %dma_start3A_25 = arith.constant 0 : i32
    %dma_start3A_26 = arith.constant 0 : i32
    %dma_start3A_27 = tpu.memref_slice %arg2[%dma_start3A_25, %dma_start3A_26] : memref<10000x128xf32, #tpu.memory_space<hbm>> -> memref<10000x128xf32, #tpu.memory_space<hbm>>
    tpu.enqueue_indirect_dma source(%dma_start3A_27 : memref<10000x128xf32, #tpu.memory_space<hbm>>) target(%arg14 : memref<80x128xf32, #tpu.memory_space<vmem>>) offsets(%dma_start3A_24 : memref<80xi32, #tpu.memory_space<vmem>>) semaphore(%arg18 : memref<!tpu.dma_semaphore, #tpu.memory_space<semaphore_mem>>)
    %scan3A = arith.constant 0 : i32
    %scan3A_28 = arith.constant 0 : i32
    %scan3A_29 = arith.constant 41 : i32
    %scan3A_30 = arith.addi %scan3A_28, %scan3A_29 : i32
    %scan3A_31 = arith.constant 1 : i32
    scf.for %scan3A_72 = %scan3A_28 to %scan3A_30 step %scan3A_31  : i32 {
      %dma_wait3A_73 = arith.constant 0 : i32
      %dma_wait3A_74 = tpu.memref_slice %arg8[%dma_wait3A_73] : memref<10000xi32, #tpu.memory_space<vmem>> -> memref<80xi32, #tpu.memory_space<vmem>>
      %dma_wait3A_75 = arith.constant 0 : i32
      %dma_wait3A_76 = arith.constant 0 : i32
      %dma_wait3A_77 = tpu.memref_slice %arg2[%dma_wait3A_75, %dma_wait3A_76] : memref<10000x128xf32, #tpu.memory_space<hbm>> -> memref<10000x128xf32, #tpu.memory_space<hbm>>
      tpu.wait_indirect_dma semaphore(%arg16 : memref<!tpu.dma_semaphore, #tpu.memory_space<semaphore_mem>>) src(%dma_wait3A_77 : memref<10000x128xf32, #tpu.memory_space<hbm>>) dst(%arg12 : memref<80x128xf32, #tpu.memory_space<vmem>>)
      %dma_start3A_78 = arith.constant 0 : i32
      %dma_start3A_79 = arith.constant 0 : i32
      %dma_start3A_80 = tpu.memref_slice %arg15[%dma_start3A_78, %dma_start3A_79] : memref<10240x128xf32, #tpu.memory_space<vmem_shared>> -> memref<10240x128xf32, #tpu.memory_space<vmem_shared>>
      tpu.enqueue_indirect_dma source(%arg12 : memref<80x128xf32, #tpu.memory_space<vmem>>) target(%dma_start3A_80 : memref<10240x128xf32, #tpu.memory_space<vmem_shared>>) offsets(%arg9 : memref<80xi32, #tpu.memory_space<vmem>>) semaphore(%arg19 : memref<!tpu.dma_semaphore, #tpu.memory_space<semaphore_mem>>) {add = true}
      %dma_wait3A_81 = arith.constant 0 : i32
      %dma_wait3A_82 = tpu.memref_slice %arg8[%dma_wait3A_81] : memref<10000xi32, #tpu.memory_space<vmem>> -> memref<80xi32, #tpu.memory_space<vmem>>
      %dma_wait3A_83 = arith.constant 0 : i32
      %dma_wait3A_84 = arith.constant 0 : i32
      %dma_wait3A_85 = tpu.memref_slice %arg2[%dma_wait3A_83, %dma_wait3A_84] : memref<10000x128xf32, #tpu.memory_space<hbm>> -> memref<10000x128xf32, #tpu.memory_space<hbm>>
      tpu.wait_indirect_dma semaphore(%arg17 : memref<!tpu.dma_semaphore, #tpu.memory_space<semaphore_mem>>) src(%dma_wait3A_85 : memref<10000x128xf32, #tpu.memory_space<hbm>>) dst(%arg13 : memref<80x128xf32, #tpu.memory_space<vmem>>)
      %dma_start3A_86 = arith.constant 0 : i32
      %dma_start3A_87 = arith.constant 0 : i32
      %dma_start3A_88 = tpu.memref_slice %arg15[%dma_start3A_86, %dma_start3A_87] : memref<10240x128xf32, #tpu.memory_space<vmem_shared>> -> memref<10240x128xf32, #tpu.memory_space<vmem_shared>>
      tpu.enqueue_indirect_dma source(%arg13 : memref<80x128xf32, #tpu.memory_space<vmem>>) target(%dma_start3A_88 : memref<10240x128xf32, #tpu.memory_space<vmem_shared>>) offsets(%arg10 : memref<80xi32, #tpu.memory_space<vmem>>) semaphore(%arg20 : memref<!tpu.dma_semaphore, #tpu.memory_space<semaphore_mem>>) {add = true}
      %dma_wait3A_89 = arith.constant 0 : i32
      %dma_wait3A_90 = tpu.memref_slice %arg8[%dma_wait3A_89] : memref<10000xi32, #tpu.memory_space<vmem>> -> memref<80xi32, #tpu.memory_space<vmem>>
      %dma_wait3A_91 = arith.constant 0 : i32
      %dma_wait3A_92 = arith.constant 0 : i32
      %dma_wait3A_93 = tpu.memref_slice %arg2[%dma_wait3A_91, %dma_wait3A_92] : memref<10000x128xf32, #tpu.memory_space<hbm>> -> memref<10000x128xf32, #tpu.memory_space<hbm>>
      tpu.wait_indirect_dma semaphore(%arg18 : memref<!tpu.dma_semaphore, #tpu.memory_space<semaphore_mem>>) src(%dma_wait3A_93 : memref<10000x128xf32, #tpu.memory_space<hbm>>) dst(%arg14 : memref<80x128xf32, #tpu.memory_space<vmem>>)
      %dma_start3A_94 = arith.constant 0 : i32
      %dma_start3A_95 = arith.constant 0 : i32
      %dma_start3A_96 = tpu.memref_slice %arg15[%dma_start3A_94, %dma_start3A_95] : memref<10240x128xf32, #tpu.memory_space<vmem_shared>> -> memref<10240x128xf32, #tpu.memory_space<vmem_shared>>
      tpu.enqueue_indirect_dma source(%arg14 : memref<80x128xf32, #tpu.memory_space<vmem>>) target(%dma_start3A_96 : memref<10240x128xf32, #tpu.memory_space<vmem_shared>>) offsets(%arg11 : memref<80xi32, #tpu.memory_space<vmem>>) semaphore(%arg21 : memref<!tpu.dma_semaphore, #tpu.memory_space<semaphore_mem>>) {add = true}
      %add3A_97 = arith.constant 1 : i32
      %add3A_98 = arith.addi %scan3A_72, %add3A_97 : i32
      %min3A = arith.constant 40 : i32
      %min3A_99 = arith.minsi %add3A_98, %min3A : i32
      %mul3A_100 = arith.constant 240 : i32
      %mul3A_101 = arith.muli %min3A_99, %mul3A_100 : i32
      %dma_wait3A_102 = arith.constant 0 : i32
      %dma_wait3A_103 = arith.constant 0 : i32
      %dma_wait3A_104 = tpu.memref_slice %arg15[%dma_wait3A_102, %dma_wait3A_103] : memref<10240x128xf32, #tpu.memory_space<vmem_shared>> -> memref<10240x128xf32, #tpu.memory_space<vmem_shared>>
      tpu.wait_indirect_dma semaphore(%arg19 : memref<!tpu.dma_semaphore, #tpu.memory_space<semaphore_mem>>) src(%arg12 : memref<80x128xf32, #tpu.memory_space<vmem>>) dst(%dma_wait3A_104 : memref<10240x128xf32, #tpu.memory_space<vmem_shared>>)
      %add3A_105 = arith.constant 0 : i32
      %add3A_106 = arith.addi %mul3A_101, %add3A_105 : i32
      %add3A_107 = arith.addi %mul3A_6, %add3A_106 : i32
      "tpu.region"() ({
        %run_scoped3A = tpu.sem_alloc : memref<!tpu.dma_semaphore, #tpu.memory_space<semaphore_mem>>
        %dma_start3A_132 = tpu.memref_slice %arg4[%add3A_107] : memref<320000xi32, #tpu.memory_space<hbm>> -> memref<80xi32, #tpu.memory_space<hbm>>
        %dma_start3A_133 = tpu.memref_slice %arg4[%add3A_107] : memref<320000xi32, #tpu.memory_space<hbm>> -> memref<80xi32, #tpu.memory_space<hbm>>
        tpu.enqueue_dma source(%dma_start3A_133 : memref<80xi32, #tpu.memory_space<hbm>>) target(%arg9 : memref<80xi32, #tpu.memory_space<vmem>>) target_semaphore(%run_scoped3A : memref<!tpu.dma_semaphore, #tpu.memory_space<semaphore_mem>>)
        %dma_wait3A_134 = tpu.memref_slice %arg4[%add3A_107] : memref<320000xi32, #tpu.memory_space<hbm>> -> memref<80xi32, #tpu.memory_space<hbm>>
        %dma_wait3A_135 = tpu.memref_slice %arg4[%add3A_107] : memref<320000xi32, #tpu.memory_space<hbm>> -> memref<80xi32, #tpu.memory_space<hbm>>
        tpu.wait_dma2 semaphore(%run_scoped3A : memref<!tpu.dma_semaphore, #tpu.memory_space<semaphore_mem>>) src(%dma_wait3A_135 : memref<80xi32, #tpu.memory_space<hbm>>) dst(%arg9 : memref<80xi32, #tpu.memory_space<vmem>>)
        tpu.yield
      }) : () -> ()
      %dma_start3A_108 = tpu.memref_slice %arg8[%add3A_106] : memref<10000xi32, #tpu.memory_space<vmem>> -> memref<80xi32, #tpu.memory_space<vmem>>
      %dma_start3A_109 = arith.constant 0 : i32
      %dma_start3A_110 = arith.constant 0 : i32
      %dma_start3A_111 = tpu.memref_slice %arg2[%dma_start3A_109, %dma_start3A_110] : memref<10000x128xf32, #tpu.memory_space<hbm>> -> memref<10000x128xf32, #tpu.memory_space<hbm>>
      tpu.enqueue_indirect_dma source(%dma_start3A_111 : memref<10000x128xf32, #tpu.memory_space<hbm>>) target(%arg12 : memref<80x128xf32, #tpu.memory_space<vmem>>) offsets(%dma_start3A_108 : memref<80xi32, #tpu.memory_space<vmem>>) semaphore(%arg16 : memref<!tpu.dma_semaphore, #tpu.memory_space<semaphore_mem>>)
      %dma_wait3A_112 = arith.constant 0 : i32
      %dma_wait3A_113 = arith.constant 0 : i32
      %dma_wait3A_114 = tpu.memref_slice %arg15[%dma_wait3A_112, %dma_wait3A_113] : memref<10240x128xf32, #tpu.memory_space<vmem_shared>> -> memref<10240x128xf32, #tpu.memory_space<vmem_shared>>
      tpu.wait_indirect_dma semaphore(%arg20 : memref<!tpu.dma_semaphore, #tpu.memory_space<semaphore_mem>>) src(%arg13 : memref<80x128xf32, #tpu.memory_space<vmem>>) dst(%dma_wait3A_114 : memref<10240x128xf32, #tpu.memory_space<vmem_shared>>)
      %add3A_115 = arith.constant 80 : i32
      %add3A_116 = arith.addi %mul3A_101, %add3A_115 : i32
      %add3A_117 = arith.addi %mul3A_6, %add3A_116 : i32
      "tpu.region"() ({
        %run_scoped3A = tpu.sem_alloc : memref<!tpu.dma_semaphore, #tpu.memory_space<semaphore_mem>>
        %dma_start3A_132 = tpu.memref_slice %arg4[%add3A_117] : memref<320000xi32, #tpu.memory_space<hbm>> -> memref<80xi32, #tpu.memory_space<hbm>>
        %dma_start3A_133 = tpu.memref_slice %arg4[%add3A_117] : memref<320000xi32, #tpu.memory_space<hbm>> -> memref<80xi32, #tpu.memory_space<hbm>>
        tpu.enqueue_dma source(%dma_start3A_133 : memref<80xi32, #tpu.memory_space<hbm>>) target(%arg10 : memref<80xi32, #tpu.memory_space<vmem>>) target_semaphore(%run_scoped3A : memref<!tpu.dma_semaphore, #tpu.memory_space<semaphore_mem>>)
        %dma_wait3A_134 = tpu.memref_slice %arg4[%add3A_117] : memref<320000xi32, #tpu.memory_space<hbm>> -> memref<80xi32, #tpu.memory_space<hbm>>
        %dma_wait3A_135 = tpu.memref_slice %arg4[%add3A_117] : memref<320000xi32, #tpu.memory_space<hbm>> -> memref<80xi32, #tpu.memory_space<hbm>>
        tpu.wait_dma2 semaphore(%run_scoped3A : memref<!tpu.dma_semaphore, #tpu.memory_space<semaphore_mem>>) src(%dma_wait3A_135 : memref<80xi32, #tpu.memory_space<hbm>>) dst(%arg10 : memref<80xi32, #tpu.memory_space<vmem>>)
        tpu.yield
      }) : () -> ()
      %dma_start3A_118 = tpu.memref_slice %arg8[%add3A_116] : memref<10000xi32, #tpu.memory_space<vmem>> -> memref<80xi32, #tpu.memory_space<vmem>>
      %dma_start3A_119 = arith.constant 0 : i32
      %dma_start3A_120 = arith.constant 0 : i32
      %dma_start3A_121 = tpu.memref_slice %arg2[%dma_start3A_119, %dma_start3A_120] : memref<10000x128xf32, #tpu.memory_space<hbm>> -> memref<10000x128xf32, #tpu.memory_space<hbm>>
      tpu.enqueue_indirect_dma source(%dma_start3A_121 : memref<10000x128xf32, #tpu.memory_space<hbm>>) target(%arg13 : memref<80x128xf32, #tpu.memory_space<vmem>>) offsets(%dma_start3A_118 : memref<80xi32, #tpu.memory_space<vmem>>) semaphore(%arg17 : memref<!tpu.dma_semaphore, #tpu.memory_space<semaphore_mem>>)
      %dma_wait3A_122 = arith.constant 0 : i32
      %dma_wait3A_123 = arith.constant 0 : i32
      %dma_wait3A_124 = tpu.memref_slice %arg15[%dma_wait3A_122, %dma_wait3A_123] : memref<10240x128xf32, #tpu.memory_space<vmem_shared>> -> memref<10240x128xf32, #tpu.memory_space<vmem_shared>>
      tpu.wait_indirect_dma semaphore(%arg21 : memref<!tpu.dma_semaphore, #tpu.memory_space<semaphore_mem>>) src(%arg14 : memref<80x128xf32, #tpu.memory_space<vmem>>) dst(%dma_wait3A_124 : memref<10240x128xf32, #tpu.memory_space<vmem_shared>>)
      %add3A_125 = arith.constant 160 : i32
      %add3A_126 = arith.addi %mul3A_101, %add3A_125 : i32
      %add3A_127 = arith.addi %mul3A_6, %add3A_126 : i32
      "tpu.region"() ({
        %run_scoped3A = tpu.sem_alloc : memref<!tpu.dma_semaphore, #tpu.memory_space<semaphore_mem>>
        %dma_start3A_132 = tpu.memref_slice %arg4[%add3A_127] : memref<320000xi32, #tpu.memory_space<hbm>> -> memref<80xi32, #tpu.memory_space<hbm>>
        %dma_start3A_133 = tpu.memref_slice %arg4[%add3A_127] : memref<320000xi32, #tpu.memory_space<hbm>> -> memref<80xi32, #tpu.memory_space<hbm>>
        tpu.enqueue_dma source(%dma_start3A_133 : memref<80xi32, #tpu.memory_space<hbm>>) target(%arg11 : memref<80xi32, #tpu.memory_space<vmem>>) target_semaphore(%run_scoped3A : memref<!tpu.dma_semaphore, #tpu.memory_space<semaphore_mem>>)
        %dma_wait3A_134 = tpu.memref_slice %arg4[%add3A_127] : memref<320000xi32, #tpu.memory_space<hbm>> -> memref<80xi32, #tpu.memory_space<hbm>>
        %dma_wait3A_135 = tpu.memref_slice %arg4[%add3A_127] : memref<320000xi32, #tpu.memory_space<hbm>> -> memref<80xi32, #tpu.memory_space<hbm>>
        tpu.wait_dma2 semaphore(%run_scoped3A : memref<!tpu.dma_semaphore, #tpu.memory_space<semaphore_mem>>) src(%dma_wait3A_135 : memref<80xi32, #tpu.memory_space<hbm>>) dst(%arg11 : memref<80xi32, #tpu.memory_space<vmem>>)
        tpu.yield
      }) : () -> ()
      %dma_start3A_128 = tpu.memref_slice %arg8[%add3A_126] : memref<10000xi32, #tpu.memory_space<vmem>> -> memref<80xi32, #tpu.memory_space<vmem>>
      %dma_start3A_129 = arith.constant 0 : i32
      %dma_start3A_130 = arith.constant 0 : i32
      %dma_start3A_131 = tpu.memref_slice %arg2[%dma_start3A_129, %dma_start3A_130] : memref<10000x128xf32, #tpu.memory_space<hbm>> -> memref<10000x128xf32, #tpu.memory_space<hbm>>
      tpu.enqueue_indirect_dma source(%dma_start3A_131 : memref<10000x128xf32, #tpu.memory_space<hbm>>) target(%arg14 : memref<80x128xf32, #tpu.memory_space<vmem>>) offsets(%dma_start3A_128 : memref<80xi32, #tpu.memory_space<vmem>>) semaphore(%arg18 : memref<!tpu.dma_semaphore, #tpu.memory_space<semaphore_mem>>)
    }
    %scan3A_32 = arith.constant 41 : i32
    %dma_wait3A = arith.constant 0 : i32
    %dma_wait3A_33 = tpu.memref_slice %arg8[%dma_wait3A] : memref<10000xi32, #tpu.memory_space<vmem>> -> memref<80xi32, #tpu.memory_space<vmem>>
    %dma_wait3A_34 = arith.constant 0 : i32
    %dma_wait3A_35 = arith.constant 0 : i32
    %dma_wait3A_36 = tpu.memref_slice %arg2[%dma_wait3A_34, %dma_wait3A_35] : memref<10000x128xf32, #tpu.memory_space<hbm>> -> memref<10000x128xf32, #tpu.memory_space<hbm>>
    tpu.wait_indirect_dma semaphore(%arg16 : memref<!tpu.dma_semaphore, #tpu.memory_space<semaphore_mem>>) src(%dma_wait3A_36 : memref<10000x128xf32, #tpu.memory_space<hbm>>) dst(%arg12 : memref<80x128xf32, #tpu.memory_space<vmem>>)
    %dma_wait3A_37 = arith.constant 0 : i32
    %dma_wait3A_38 = tpu.memref_slice %arg8[%dma_wait3A_37] : memref<10000xi32, #tpu.memory_space<vmem>> -> memref<80xi32, #tpu.memory_space<vmem>>
    %dma_wait3A_39 = arith.constant 0 : i32
    %dma_wait3A_40 = arith.constant 0 : i32
    %dma_wait3A_41 = tpu.memref_slice %arg2[%dma_wait3A_39, %dma_wait3A_40] : memref<10000x128xf32, #tpu.memory_space<hbm>> -> memref<10000x128xf32, #tpu.memory_space<hbm>>
    tpu.wait_indirect_dma semaphore(%arg17 : memref<!tpu.dma_semaphore, #tpu.memory_space<semaphore_mem>>) src(%dma_wait3A_41 : memref<10000x128xf32, #tpu.memory_space<hbm>>) dst(%arg13 : memref<80x128xf32, #tpu.memory_space<vmem>>)
    %dma_wait3A_42 = arith.constant 0 : i32
    %dma_wait3A_43 = tpu.memref_slice %arg8[%dma_wait3A_42] : memref<10000xi32, #tpu.memory_space<vmem>> -> memref<80xi32, #tpu.memory_space<vmem>>
    %dma_wait3A_44 = arith.constant 0 : i32
    %dma_wait3A_45 = arith.constant 0 : i32
    %dma_wait3A_46 = tpu.memref_slice %arg2[%dma_wait3A_44, %dma_wait3A_45] : memref<10000x128xf32, #tpu.memory_space<hbm>> -> memref<10000x128xf32, #tpu.memory_space<hbm>>
    tpu.wait_indirect_dma semaphore(%arg18 : memref<!tpu.dma_semaphore, #tpu.memory_space<semaphore_mem>>) src(%dma_wait3A_46 : memref<10000x128xf32, #tpu.memory_space<hbm>>) dst(%arg14 : memref<80x128xf32, #tpu.memory_space<vmem>>)
    %add3A_47 = arith.constant 9840 : i32
    %add3A_48 = arith.addi %mul3A_6, %add3A_47 : i32
    "tpu.region"() ({
      %run_scoped3A = tpu.sem_alloc : memref<!tpu.dma_semaphore, #tpu.memory_space<semaphore_mem>>
      %dma_start3A_72 = tpu.memref_slice %arg4[%add3A_48] : memref<320000xi32, #tpu.memory_space<hbm>> -> memref<80xi32, #tpu.memory_space<hbm>>
      %dma_start3A_73 = tpu.memref_slice %arg4[%add3A_48] : memref<320000xi32, #tpu.memory_space<hbm>> -> memref<80xi32, #tpu.memory_space<hbm>>
      tpu.enqueue_dma source(%dma_start3A_73 : memref<80xi32, #tpu.memory_space<hbm>>) target(%arg9 : memref<80xi32, #tpu.memory_space<vmem>>) target_semaphore(%run_scoped3A : memref<!tpu.dma_semaphore, #tpu.memory_space<semaphore_mem>>)
      %dma_wait3A_74 = tpu.memref_slice %arg4[%add3A_48] : memref<320000xi32, #tpu.memory_space<hbm>> -> memref<80xi32, #tpu.memory_space<hbm>>
      %dma_wait3A_75 = tpu.memref_slice %arg4[%add3A_48] : memref<320000xi32, #tpu.memory_space<hbm>> -> memref<80xi32, #tpu.memory_space<hbm>>
      tpu.wait_dma2 semaphore(%run_scoped3A : memref<!tpu.dma_semaphore, #tpu.memory_space<semaphore_mem>>) src(%dma_wait3A_75 : memref<80xi32, #tpu.memory_space<hbm>>) dst(%arg9 : memref<80xi32, #tpu.memory_space<vmem>>)
      tpu.yield
    }) : () -> ()
    %dma_start3A_49 = arith.constant 9840 : i32
    %dma_start3A_50 = tpu.memref_slice %arg8[%dma_start3A_49] : memref<10000xi32, #tpu.memory_space<vmem>> -> memref<80xi32, #tpu.memory_space<vmem>>
    %dma_start3A_51 = arith.constant 0 : i32
    %dma_start3A_52 = arith.constant 0 : i32
    %dma_start3A_53 = tpu.memref_slice %arg2[%dma_start3A_51, %dma_start3A_52] : memref<10000x128xf32, #tpu.memory_space<hbm>> -> memref<10000x128xf32, #tpu.memory_space<hbm>>
    tpu.enqueue_indirect_dma source(%dma_start3A_53 : memref<10000x128xf32, #tpu.memory_space<hbm>>) target(%arg12 : memref<80x128xf32, #tpu.memory_space<vmem>>) offsets(%dma_start3A_50 : memref<80xi32, #tpu.memory_space<vmem>>) semaphore(%arg16 : memref<!tpu.dma_semaphore, #tpu.memory_space<semaphore_mem>>)
    %dma_wait3A_54 = arith.constant 0 : i32
    %dma_wait3A_55 = tpu.memref_slice %arg8[%dma_wait3A_54] : memref<10000xi32, #tpu.memory_space<vmem>> -> memref<80xi32, #tpu.memory_space<vmem>>
    %dma_wait3A_56 = arith.constant 0 : i32
    %dma_wait3A_57 = arith.constant 0 : i32
    %dma_wait3A_58 = tpu.memref_slice %arg2[%dma_wait3A_56, %dma_wait3A_57] : memref<10000x128xf32, #tpu.memory_space<hbm>> -> memref<10000x128xf32, #tpu.memory_space<hbm>>
    tpu.wait_indirect_dma semaphore(%arg16 : memref<!tpu.dma_semaphore, #tpu.memory_space<semaphore_mem>>) src(%dma_wait3A_58 : memref<10000x128xf32, #tpu.memory_space<hbm>>) dst(%arg12 : memref<80x128xf32, #tpu.memory_space<vmem>>)
    "tpu.region"() ({
      %run_scoped3A = tpu.sem_alloc : memref<!tpu.dma_semaphore, #tpu.memory_space<semaphore_mem>>
      %dma_start3A_72 = arith.constant 0 : i32
      %dma_start3A_73 = arith.constant 0 : i32
      %dma_start3A_74 = tpu.memref_slice %arg15[%dma_start3A_72, %dma_start3A_73] : memref<10240x128xf32, #tpu.memory_space<vmem_shared>> -> memref<10240x128xf32, #tpu.memory_space<vmem_shared>>
      tpu.enqueue_indirect_dma source(%arg12 : memref<80x128xf32, #tpu.memory_space<vmem>>) target(%dma_start3A_74 : memref<10240x128xf32, #tpu.memory_space<vmem_shared>>) offsets(%arg9 : memref<80xi32, #tpu.memory_space<vmem>>) semaphore(%run_scoped3A : memref<!tpu.dma_semaphore, #tpu.memory_space<semaphore_mem>>) {add = true}
      %dma_wait3A_75 = arith.constant 0 : i32
      %dma_wait3A_76 = arith.constant 0 : i32
      %dma_wait3A_77 = tpu.memref_slice %arg15[%dma_wait3A_75, %dma_wait3A_76] : memref<10240x128xf32, #tpu.memory_space<vmem_shared>> -> memref<10240x128xf32, #tpu.memory_space<vmem_shared>>
      tpu.wait_indirect_dma semaphore(%run_scoped3A : memref<!tpu.dma_semaphore, #tpu.memory_space<semaphore_mem>>) src(%arg12 : memref<80x128xf32, #tpu.memory_space<vmem>>) dst(%dma_wait3A_77 : memref<10240x128xf32, #tpu.memory_space<vmem_shared>>)
      tpu.yield
    }) : () -> ()
    %add3A_59 = arith.constant 9920 : i32
    %add3A_60 = arith.addi %mul3A_6, %add3A_59 : i32
    "tpu.region"() ({
      %run_scoped3A = tpu.sem_alloc : memref<!tpu.dma_semaphore, #tpu.memory_space<semaphore_mem>>
      %dma_start3A_72 = tpu.memref_slice %arg4[%add3A_60] : memref<320000xi32, #tpu.memory_space<hbm>> -> memref<80xi32, #tpu.memory_space<hbm>>
      %dma_start3A_73 = tpu.memref_slice %arg4[%add3A_60] : memref<320000xi32, #tpu.memory_space<hbm>> -> memref<80xi32, #tpu.memory_space<hbm>>
      tpu.enqueue_dma source(%dma_start3A_73 : memref<80xi32, #tpu.memory_space<hbm>>) target(%arg9 : memref<80xi32, #tpu.memory_space<vmem>>) target_semaphore(%run_scoped3A : memref<!tpu.dma_semaphore, #tpu.memory_space<semaphore_mem>>)
      %dma_wait3A_74 = tpu.memref_slice %arg4[%add3A_60] : memref<320000xi32, #tpu.memory_space<hbm>> -> memref<80xi32, #tpu.memory_space<hbm>>
      %dma_wait3A_75 = tpu.memref_slice %arg4[%add3A_60] : memref<320000xi32, #tpu.memory_space<hbm>> -> memref<80xi32, #tpu.memory_space<hbm>>
      tpu.wait_dma2 semaphore(%run_scoped3A : memref<!tpu.dma_semaphore, #tpu.memory_space<semaphore_mem>>) src(%dma_wait3A_75 : memref<80xi32, #tpu.memory_space<hbm>>) dst(%arg9 : memref<80xi32, #tpu.memory_space<vmem>>)
      tpu.yield
    }) : () -> ()
    %dma_start3A_61 = arith.constant 9920 : i32
    %dma_start3A_62 = tpu.memref_slice %arg8[%dma_start3A_61] : memref<10000xi32, #tpu.memory_space<vmem>> -> memref<80xi32, #tpu.memory_space<vmem>>
    %dma_start3A_63 = arith.constant 0 : i32
    %dma_start3A_64 = arith.constant 0 : i32
    %dma_start3A_65 = tpu.memref_slice %arg2[%dma_start3A_63, %dma_start3A_64] : memref<10000x128xf32, #tpu.memory_space<hbm>> -> memref<10000x128xf32, #tpu.memory_space<hbm>>
    tpu.enqueue_indirect_dma source(%dma_start3A_65 : memref<10000x128xf32, #tpu.memory_space<hbm>>) target(%arg12 : memref<80x128xf32, #tpu.memory_space<vmem>>) offsets(%dma_start3A_62 : memref<80xi32, #tpu.memory_space<vmem>>) semaphore(%arg16 : memref<!tpu.dma_semaphore, #tpu.memory_space<semaphore_mem>>)
    %dma_wait3A_66 = arith.constant 0 : i32
    %dma_wait3A_67 = tpu.memref_slice %arg8[%dma_wait3A_66] : memref<10000xi32, #tpu.memory_space<vmem>> -> memref<80xi32, #tpu.memory_space<vmem>>
    %dma_wait3A_68 = arith.constant 0 : i32
    %dma_wait3A_69 = arith.constant 0 : i32
    %dma_wait3A_70 = tpu.memref_slice %arg2[%dma_wait3A_68, %dma_wait3A_69] : memref<10000x128xf32, #tpu.memory_space<hbm>> -> memref<10000x128xf32, #tpu.memory_space<hbm>>
    tpu.wait_indirect_dma semaphore(%arg16 : memref<!tpu.dma_semaphore, #tpu.memory_space<semaphore_mem>>) src(%dma_wait3A_70 : memref<10000x128xf32, #tpu.memory_space<hbm>>) dst(%arg12 : memref<80x128xf32, #tpu.memory_space<vmem>>)
    "tpu.region"() ({
      %run_scoped3A = tpu.sem_alloc : memref<!tpu.dma_semaphore, #tpu.memory_space<semaphore_mem>>
      %dma_start3A_72 = arith.constant 0 : i32
      %dma_start3A_73 = arith.constant 0 : i32
      %dma_start3A_74 = tpu.memref_slice %arg15[%dma_start3A_72, %dma_start3A_73] : memref<10240x128xf32, #tpu.memory_space<vmem_shared>> -> memref<10240x128xf32, #tpu.memory_space<vmem_shared>>
      tpu.enqueue_indirect_dma source(%arg12 : memref<80x128xf32, #tpu.memory_space<vmem>>) target(%dma_start3A_74 : memref<10240x128xf32, #tpu.memory_space<vmem_shared>>) offsets(%arg9 : memref<80xi32, #tpu.memory_space<vmem>>) semaphore(%run_scoped3A : memref<!tpu.dma_semaphore, #tpu.memory_space<semaphore_mem>>) {add = true}
      %dma_wait3A_75 = arith.constant 0 : i32
      %dma_wait3A_76 = arith.constant 0 : i32
      %dma_wait3A_77 = tpu.memref_slice %arg15[%dma_wait3A_75, %dma_wait3A_76] : memref<10240x128xf32, #tpu.memory_space<vmem_shared>> -> memref<10240x128xf32, #tpu.memory_space<vmem_shared>>
      tpu.wait_indirect_dma semaphore(%run_scoped3A : memref<!tpu.dma_semaphore, #tpu.memory_space<semaphore_mem>>) src(%arg12 : memref<80x128xf32, #tpu.memory_space<vmem>>) dst(%dma_wait3A_77 : memref<10240x128xf32, #tpu.memory_space<vmem_shared>>)
      tpu.yield
    }) : () -> ()
    %barrier3A_71 = arith.constant 0 : index
    tpu.barrier barrier_id(%barrier3A_71)
    "tpu.region"() ({
      %run_scoped3A = tpu.sem_alloc : memref<!tpu.dma_semaphore, #tpu.memory_space<semaphore_mem>>
      %dma_start3A_72 = arith.constant 0 : i32
      %dma_start3A_73 = tpu.memref_slice %arg7[%arg0, %mul3A_2, %dma_start3A_72] : memref<2x10240x128xf32, #tpu.memory_space<hbm>> -> memref<1x640x128xf32, #tpu.memory_space<hbm>>
      %dma_start3A_74 = tpu.memref_squeeze %dma_start3A_73 : memref<1x640x128xf32, #tpu.memory_space<hbm>> -> memref<640x128xf32, #tpu.memory_space<hbm>>
      %dma_start3A_75 = arith.constant 0 : i32
      %dma_start3A_76 = tpu.memref_slice %arg15[%mul3A_2, %dma_start3A_75] : memref<10240x128xf32, #tpu.memory_space<vmem_shared>> -> memref<640x128xf32, #tpu.memory_space<vmem_shared>>
      tpu.enqueue_dma source(%dma_start3A_76 : memref<640x128xf32, #tpu.memory_space<vmem_shared>>) target(%dma_start3A_74 : memref<640x128xf32, #tpu.memory_space<hbm>>) target_semaphore(%run_scoped3A : memref<!tpu.dma_semaphore, #tpu.memory_space<semaphore_mem>>)
      %dma_wait3A_77 = arith.constant 0 : i32
      %dma_wait3A_78 = tpu.memref_slice %arg7[%arg0, %mul3A_2, %dma_wait3A_77] : memref<2x10240x128xf32, #tpu.memory_space<hbm>> -> memref<1x640x128xf32, #tpu.memory_space<hbm>>
      %dma_wait3A_79 = tpu.memref_squeeze %dma_wait3A_78 : memref<1x640x128xf32, #tpu.memory_space<hbm>> -> memref<640x128xf32, #tpu.memory_space<hbm>>
      %dma_wait3A_80 = arith.constant 0 : i32
      %dma_wait3A_81 = tpu.memref_slice %arg15[%mul3A_2, %dma_wait3A_80] : memref<10240x128xf32, #tpu.memory_space<vmem_shared>> -> memref<640x128xf32, #tpu.memory_space<vmem_shared>>
      tpu.wait_dma2 semaphore(%run_scoped3A : memref<!tpu.dma_semaphore, #tpu.memory_space<semaphore_mem>>) src(%dma_wait3A_81 : memref<640x128xf32, #tpu.memory_space<vmem_shared>>) dst(%dma_wait3A_79 : memref<640x128xf32, #tpu.memory_space<hbm>>)
      tpu.yield
    }) : () -> ()
    return
  }
}

#map = affine_map<(d0, d1) -> (0, 0)>
#map1 = affine_map<(d0, d1) -> (0)>
#map2 = affine_map<(d0, d1) -> (0, 0, 0)>
module attributes {stable_mosaic.version = 14 : i64} {
  func.func @body(%arg0: i32, %arg1: i32, %arg2: memref<10000x128xf32, #tpu.memory_space<hbm>>, %arg3: memref<320000xi32, #tpu.memory_space<hbm>>, %arg4: memref<320000xi32, #tpu.memory_space<hbm>>, %arg5: memref<640x128xf32, #tpu.memory_space<hbm>>, %arg6: memref<10240xf32, #tpu.memory_space<hbm>>, %arg7: memref<2x10240x128xf32, #tpu.memory_space<hbm>>, %arg8: memref<327680xf32, #tpu.memory_space<hbm>>, %arg9: memref<10000xi32, #tpu.memory_space<vmem>>, %arg10: memref<80xi32, #tpu.memory_space<vmem>>, %arg11: memref<80xi32, #tpu.memory_space<vmem>>, %arg12: memref<80x128xf32, #tpu.memory_space<vmem>>, %arg13: memref<80x128xf32, #tpu.memory_space<vmem>>, %arg14: memref<10240x128xf32, #tpu.memory_space<vmem_shared>>, %arg15: memref<!tpu.dma_semaphore, #tpu.memory_space<semaphore_mem>>, %arg16: memref<!tpu.dma_semaphore, #tpu.memory_space<semaphore_mem>>, %arg17: memref<!tpu.dma_semaphore, #tpu.memory_space<semaphore_mem>>, %arg18: memref<!tpu.dma_semaphore, #tpu.memory_space<semaphore_mem>>, %arg19: memref<10240xf32, #tpu.memory_space<vmem>>) attributes {dimension_semantics = [#tpu.dimension_semantics<core_parallel>, #tpu.dimension_semantics<subcore_parallel>], iteration_bounds = array<i64: 2, 16>, scalar_prefetch = 0 : i64, scratch_operands = 11 : i64, tpu.core_type = #tpu.core_type<sc_vector_subcore>, window_params = [{transform_indices = #map}, {transform_indices = #map1}, {transform_indices = #map1}, {transform_indices = #map}, {transform_indices = #map1}, {transform_indices = #map2}, {transform_indices = #map1}]} {
    %mul3A = arith.constant 16 : i32
    %mul3A_0 = arith.muli %arg0, %mul3A : i32
    %add3A = arith.addi %mul3A_0, %arg1 : i32
    %mul3A_1 = arith.constant 640 : i32
    %mul3A_2 = arith.muli %arg1, %mul3A_1 : i32
    "tpu.region"() ({
      %run_scoped3A = tpu.sem_alloc : memref<!tpu.dma_semaphore, #tpu.memory_space<semaphore_mem>>
      %dma_start3A_59 = arith.constant 0 : i32
      %dma_start3A_60 = tpu.memref_slice %arg14[%mul3A_2, %dma_start3A_59] : memref<10240x128xf32, #tpu.memory_space<vmem_shared>> -> memref<640x128xf32, #tpu.memory_space<vmem_shared>>
      tpu.enqueue_dma source(%arg5 : memref<640x128xf32, #tpu.memory_space<hbm>>) target(%dma_start3A_60 : memref<640x128xf32, #tpu.memory_space<vmem_shared>>) target_semaphore(%run_scoped3A : memref<!tpu.dma_semaphore, #tpu.memory_space<semaphore_mem>>)
      %dma_wait3A_61 = arith.constant 0 : i32
      %dma_wait3A_62 = tpu.memref_slice %arg14[%mul3A_2, %dma_wait3A_61] : memref<10240x128xf32, #tpu.memory_space<vmem_shared>> -> memref<640x128xf32, #tpu.memory_space<vmem_shared>>
      tpu.wait_dma2 semaphore(%run_scoped3A : memref<!tpu.dma_semaphore, #tpu.memory_space<semaphore_mem>>) src(%arg5 : memref<640x128xf32, #tpu.memory_space<hbm>>) dst(%dma_wait3A_62 : memref<640x128xf32, #tpu.memory_space<vmem_shared>>)
      tpu.yield
    }) : () -> ()
    %mul3A_3 = arith.constant 10000 : i32
    %mul3A_4 = arith.muli %add3A, %mul3A_3 : i32
    "tpu.region"() ({
      %run_scoped3A = tpu.sem_alloc : memref<!tpu.dma_semaphore, #tpu.memory_space<semaphore_mem>>
      %dma_start3A_59 = tpu.memref_slice %arg3[%mul3A_4] : memref<320000xi32, #tpu.memory_space<hbm>> -> memref<10000xi32, #tpu.memory_space<hbm>>
      %dma_start3A_60 = tpu.memref_slice %arg3[%mul3A_4] : memref<320000xi32, #tpu.memory_space<hbm>> -> memref<10000xi32, #tpu.memory_space<hbm>>
      tpu.enqueue_dma source(%dma_start3A_60 : memref<10000xi32, #tpu.memory_space<hbm>>) target(%arg9 : memref<10000xi32, #tpu.memory_space<vmem>>) target_semaphore(%run_scoped3A : memref<!tpu.dma_semaphore, #tpu.memory_space<semaphore_mem>>)
      %dma_wait3A_61 = tpu.memref_slice %arg3[%mul3A_4] : memref<320000xi32, #tpu.memory_space<hbm>> -> memref<10000xi32, #tpu.memory_space<hbm>>
      %dma_wait3A_62 = tpu.memref_slice %arg3[%mul3A_4] : memref<320000xi32, #tpu.memory_space<hbm>> -> memref<10000xi32, #tpu.memory_space<hbm>>
      tpu.wait_dma2 semaphore(%run_scoped3A : memref<!tpu.dma_semaphore, #tpu.memory_space<semaphore_mem>>) src(%dma_wait3A_62 : memref<10000xi32, #tpu.memory_space<hbm>>) dst(%arg9 : memref<10000xi32, #tpu.memory_space<vmem>>)
      tpu.yield
    }) : () -> ()
    "tpu.region"() ({
      %run_scoped3A = tpu.sem_alloc : memref<!tpu.dma_semaphore, #tpu.memory_space<semaphore_mem>>
      tpu.enqueue_dma source(%arg6 : memref<10240xf32, #tpu.memory_space<hbm>>) target(%arg19 : memref<10240xf32, #tpu.memory_space<vmem>>) target_semaphore(%run_scoped3A : memref<!tpu.dma_semaphore, #tpu.memory_space<semaphore_mem>>)
      tpu.wait_dma2 semaphore(%run_scoped3A : memref<!tpu.dma_semaphore, #tpu.memory_space<semaphore_mem>>) src(%arg6 : memref<10240xf32, #tpu.memory_space<hbm>>) dst(%arg19 : memref<10240xf32, #tpu.memory_space<vmem>>)
      tpu.yield
    }) : () -> ()
    %barrier3A = arith.constant 0 : index
    tpu.barrier barrier_id(%barrier3A)
    %mul3A_5 = arith.constant 10000 : i32
    %mul3A_6 = arith.muli %add3A, %mul3A_5 : i32
    %broadcast_in_dim3A = arith.constant 1.000000e+00 : f32
    %broadcast_in_dim3A_7 = vector.broadcast %broadcast_in_dim3A : f32 to vector<16xf32>
    %add3A_8 = arith.constant 0 : i32
    %add3A_9 = arith.addi %mul3A_6, %add3A_8 : i32
    "tpu.region"() ({
      %run_scoped3A = tpu.sem_alloc : memref<!tpu.dma_semaphore, #tpu.memory_space<semaphore_mem>>
      %dma_start3A_59 = tpu.memref_slice %arg4[%add3A_9] : memref<320000xi32, #tpu.memory_space<hbm>> -> memref<80xi32, #tpu.memory_space<hbm>>
      %dma_start3A_60 = tpu.memref_slice %arg4[%add3A_9] : memref<320000xi32, #tpu.memory_space<hbm>> -> memref<80xi32, #tpu.memory_space<hbm>>
      tpu.enqueue_dma source(%dma_start3A_60 : memref<80xi32, #tpu.memory_space<hbm>>) target(%arg10 : memref<80xi32, #tpu.memory_space<vmem>>) target_semaphore(%run_scoped3A : memref<!tpu.dma_semaphore, #tpu.memory_space<semaphore_mem>>)
      %dma_wait3A_61 = tpu.memref_slice %arg4[%add3A_9] : memref<320000xi32, #tpu.memory_space<hbm>> -> memref<80xi32, #tpu.memory_space<hbm>>
      %dma_wait3A_62 = tpu.memref_slice %arg4[%add3A_9] : memref<320000xi32, #tpu.memory_space<hbm>> -> memref<80xi32, #tpu.memory_space<hbm>>
      tpu.wait_dma2 semaphore(%run_scoped3A : memref<!tpu.dma_semaphore, #tpu.memory_space<semaphore_mem>>) src(%dma_wait3A_62 : memref<80xi32, #tpu.memory_space<hbm>>) dst(%arg10 : memref<80xi32, #tpu.memory_space<vmem>>)
      tpu.yield
    }) : () -> ()
    %dma_start3A = arith.constant 0 : i32
    %dma_start3A_10 = tpu.memref_slice %arg9[%dma_start3A] : memref<10000xi32, #tpu.memory_space<vmem>> -> memref<80xi32, #tpu.memory_space<vmem>>
    %dma_start3A_11 = arith.constant 0 : i32
    %dma_start3A_12 = arith.constant 0 : i32
    %dma_start3A_13 = tpu.memref_slice %arg2[%dma_start3A_11, %dma_start3A_12] : memref<10000x128xf32, #tpu.memory_space<hbm>> -> memref<10000x128xf32, #tpu.memory_space<hbm>>
    tpu.enqueue_indirect_dma source(%dma_start3A_13 : memref<10000x128xf32, #tpu.memory_space<hbm>>) target(%arg12 : memref<80x128xf32, #tpu.memory_space<vmem>>) offsets(%dma_start3A_10 : memref<80xi32, #tpu.memory_space<vmem>>) semaphore(%arg15 : memref<!tpu.dma_semaphore, #tpu.memory_space<semaphore_mem>>)
    %add3A_14 = arith.constant 80 : i32
    %add3A_15 = arith.addi %mul3A_6, %add3A_14 : i32
    "tpu.region"() ({
      %run_scoped3A = tpu.sem_alloc : memref<!tpu.dma_semaphore, #tpu.memory_space<semaphore_mem>>
      %dma_start3A_59 = tpu.memref_slice %arg4[%add3A_15] : memref<320000xi32, #tpu.memory_space<hbm>> -> memref<80xi32, #tpu.memory_space<hbm>>
      %dma_start3A_60 = tpu.memref_slice %arg4[%add3A_15] : memref<320000xi32, #tpu.memory_space<hbm>> -> memref<80xi32, #tpu.memory_space<hbm>>
      tpu.enqueue_dma source(%dma_start3A_60 : memref<80xi32, #tpu.memory_space<hbm>>) target(%arg11 : memref<80xi32, #tpu.memory_space<vmem>>) target_semaphore(%run_scoped3A : memref<!tpu.dma_semaphore, #tpu.memory_space<semaphore_mem>>)
      %dma_wait3A_61 = tpu.memref_slice %arg4[%add3A_15] : memref<320000xi32, #tpu.memory_space<hbm>> -> memref<80xi32, #tpu.memory_space<hbm>>
      %dma_wait3A_62 = tpu.memref_slice %arg4[%add3A_15] : memref<320000xi32, #tpu.memory_space<hbm>> -> memref<80xi32, #tpu.memory_space<hbm>>
      tpu.wait_dma2 semaphore(%run_scoped3A : memref<!tpu.dma_semaphore, #tpu.memory_space<semaphore_mem>>) src(%dma_wait3A_62 : memref<80xi32, #tpu.memory_space<hbm>>) dst(%arg11 : memref<80xi32, #tpu.memory_space<vmem>>)
      tpu.yield
    }) : () -> ()
    %dma_start3A_16 = arith.constant 80 : i32
    %dma_start3A_17 = tpu.memref_slice %arg9[%dma_start3A_16] : memref<10000xi32, #tpu.memory_space<vmem>> -> memref<80xi32, #tpu.memory_space<vmem>>
    %dma_start3A_18 = arith.constant 0 : i32
    %dma_start3A_19 = arith.constant 0 : i32
    %dma_start3A_20 = tpu.memref_slice %arg2[%dma_start3A_18, %dma_start3A_19] : memref<10000x128xf32, #tpu.memory_space<hbm>> -> memref<10000x128xf32, #tpu.memory_space<hbm>>
    tpu.enqueue_indirect_dma source(%dma_start3A_20 : memref<10000x128xf32, #tpu.memory_space<hbm>>) target(%arg13 : memref<80x128xf32, #tpu.memory_space<vmem>>) offsets(%dma_start3A_17 : memref<80xi32, #tpu.memory_space<vmem>>) semaphore(%arg16 : memref<!tpu.dma_semaphore, #tpu.memory_space<semaphore_mem>>)
    %scan3A = arith.constant 0 : i32
    %scan3A_21 = arith.constant 0 : i32
    %scan3A_22 = arith.constant 62 : i32
    %scan3A_23 = arith.addi %scan3A_21, %scan3A_22 : i32
    %scan3A_24 = arith.constant 1 : i32
    scf.for %scan3A_59 = %scan3A_21 to %scan3A_23 step %scan3A_24  : i32 {
      %dma_wait3A_60 = arith.constant 0 : i32
      %dma_wait3A_61 = tpu.memref_slice %arg9[%dma_wait3A_60] : memref<10000xi32, #tpu.memory_space<vmem>> -> memref<80xi32, #tpu.memory_space<vmem>>
      %dma_wait3A_62 = arith.constant 0 : i32
      %dma_wait3A_63 = arith.constant 0 : i32
      %dma_wait3A_64 = tpu.memref_slice %arg2[%dma_wait3A_62, %dma_wait3A_63] : memref<10000x128xf32, #tpu.memory_space<hbm>> -> memref<10000x128xf32, #tpu.memory_space<hbm>>
      tpu.wait_indirect_dma semaphore(%arg15 : memref<!tpu.dma_semaphore, #tpu.memory_space<semaphore_mem>>) src(%dma_wait3A_64 : memref<10000x128xf32, #tpu.memory_space<hbm>>) dst(%arg12 : memref<80x128xf32, #tpu.memory_space<vmem>>)
      %dma_start3A_65 = arith.constant 0 : i32
      %dma_start3A_66 = arith.constant 0 : i32
      %dma_start3A_67 = tpu.memref_slice %arg14[%dma_start3A_65, %dma_start3A_66] : memref<10240x128xf32, #tpu.memory_space<vmem_shared>> -> memref<10240x128xf32, #tpu.memory_space<vmem_shared>>
      tpu.enqueue_indirect_dma source(%arg12 : memref<80x128xf32, #tpu.memory_space<vmem>>) target(%dma_start3A_67 : memref<10240x128xf32, #tpu.memory_space<vmem_shared>>) offsets(%arg10 : memref<80xi32, #tpu.memory_space<vmem>>) semaphore(%arg17 : memref<!tpu.dma_semaphore, #tpu.memory_space<semaphore_mem>>) {add = true}
      %dma_wait3A_68 = arith.constant 0 : i32
      %dma_wait3A_69 = tpu.memref_slice %arg9[%dma_wait3A_68] : memref<10000xi32, #tpu.memory_space<vmem>> -> memref<80xi32, #tpu.memory_space<vmem>>
      %dma_wait3A_70 = arith.constant 0 : i32
      %dma_wait3A_71 = arith.constant 0 : i32
      %dma_wait3A_72 = tpu.memref_slice %arg2[%dma_wait3A_70, %dma_wait3A_71] : memref<10000x128xf32, #tpu.memory_space<hbm>> -> memref<10000x128xf32, #tpu.memory_space<hbm>>
      tpu.wait_indirect_dma semaphore(%arg16 : memref<!tpu.dma_semaphore, #tpu.memory_space<semaphore_mem>>) src(%dma_wait3A_72 : memref<10000x128xf32, #tpu.memory_space<hbm>>) dst(%arg13 : memref<80x128xf32, #tpu.memory_space<vmem>>)
      %dma_start3A_73 = arith.constant 0 : i32
      %dma_start3A_74 = arith.constant 0 : i32
      %dma_start3A_75 = tpu.memref_slice %arg14[%dma_start3A_73, %dma_start3A_74] : memref<10240x128xf32, #tpu.memory_space<vmem_shared>> -> memref<10240x128xf32, #tpu.memory_space<vmem_shared>>
      tpu.enqueue_indirect_dma source(%arg13 : memref<80x128xf32, #tpu.memory_space<vmem>>) target(%dma_start3A_75 : memref<10240x128xf32, #tpu.memory_space<vmem_shared>>) offsets(%arg11 : memref<80xi32, #tpu.memory_space<vmem>>) semaphore(%arg18 : memref<!tpu.dma_semaphore, #tpu.memory_space<semaphore_mem>>) {add = true}
      %get3A_76 = arith.constant 0 : index
      %get3A_77 = tpu.vector_load %arg10[%get3A_76] {strides = array<i32>} : memref<80xi32, #tpu.memory_space<vmem>>, vector<16xi32>,
      tpu.vector_store_idx %arg19[%get3A_77], %broadcast_in_dim3A_7 {add = true} : memref<10240xf32, #tpu.memory_space<vmem>>[vector<16xi32>], vector<16xf32>,
      %get3A_78 = arith.constant 16 : index
      %get3A_79 = tpu.vector_load %arg10[%get3A_78] {strides = array<i32>} : memref<80xi32, #tpu.memory_space<vmem>>, vector<16xi32>,
      tpu.vector_store_idx %arg19[%get3A_79], %broadcast_in_dim3A_7 {add = true} : memref<10240xf32, #tpu.memory_space<vmem>>[vector<16xi32>], vector<16xf32>,
      %get3A_80 = arith.constant 32 : index
      %get3A_81 = tpu.vector_load %arg10[%get3A_80] {strides = array<i32>} : memref<80xi32, #tpu.memory_space<vmem>>, vector<16xi32>,
      tpu.vector_store_idx %arg19[%get3A_81], %broadcast_in_dim3A_7 {add = true} : memref<10240xf32, #tpu.memory_space<vmem>>[vector<16xi32>], vector<16xf32>,
      %get3A_82 = arith.constant 48 : index
      %get3A_83 = tpu.vector_load %arg10[%get3A_82] {strides = array<i32>} : memref<80xi32, #tpu.memory_space<vmem>>, vector<16xi32>,
      tpu.vector_store_idx %arg19[%get3A_83], %broadcast_in_dim3A_7 {add = true} : memref<10240xf32, #tpu.memory_space<vmem>>[vector<16xi32>], vector<16xf32>,
      %get3A_84 = arith.constant 64 : index
      %get3A_85 = tpu.vector_load %arg10[%get3A_84] {strides = array<i32>} : memref<80xi32, #tpu.memory_space<vmem>>, vector<16xi32>,
      tpu.vector_store_idx %arg19[%get3A_85], %broadcast_in_dim3A_7 {add = true} : memref<10240xf32, #tpu.memory_space<vmem>>[vector<16xi32>], vector<16xf32>,
      %get3A_86 = arith.constant 0 : index
      %get3A_87 = tpu.vector_load %arg11[%get3A_86] {strides = array<i32>} : memref<80xi32, #tpu.memory_space<vmem>>, vector<16xi32>,
      tpu.vector_store_idx %arg19[%get3A_87], %broadcast_in_dim3A_7 {add = true} : memref<10240xf32, #tpu.memory_space<vmem>>[vector<16xi32>], vector<16xf32>,
      %get3A_88 = arith.constant 16 : index
      %get3A_89 = tpu.vector_load %arg11[%get3A_88] {strides = array<i32>} : memref<80xi32, #tpu.memory_space<vmem>>, vector<16xi32>,
      tpu.vector_store_idx %arg19[%get3A_89], %broadcast_in_dim3A_7 {add = true} : memref<10240xf32, #tpu.memory_space<vmem>>[vector<16xi32>], vector<16xf32>,
      %get3A_90 = arith.constant 32 : index
      %get3A_91 = tpu.vector_load %arg11[%get3A_90] {strides = array<i32>} : memref<80xi32, #tpu.memory_space<vmem>>, vector<16xi32>,
      tpu.vector_store_idx %arg19[%get3A_91], %broadcast_in_dim3A_7 {add = true} : memref<10240xf32, #tpu.memory_space<vmem>>[vector<16xi32>], vector<16xf32>,
      %get3A_92 = arith.constant 48 : index
      %get3A_93 = tpu.vector_load %arg11[%get3A_92] {strides = array<i32>} : memref<80xi32, #tpu.memory_space<vmem>>, vector<16xi32>,
      tpu.vector_store_idx %arg19[%get3A_93], %broadcast_in_dim3A_7 {add = true} : memref<10240xf32, #tpu.memory_space<vmem>>[vector<16xi32>], vector<16xf32>,
      %get3A_94 = arith.constant 64 : index
      %get3A_95 = tpu.vector_load %arg11[%get3A_94] {strides = array<i32>} : memref<80xi32, #tpu.memory_space<vmem>>, vector<16xi32>,
      tpu.vector_store_idx %arg19[%get3A_95], %broadcast_in_dim3A_7 {add = true} : memref<10240xf32, #tpu.memory_space<vmem>>[vector<16xi32>], vector<16xf32>,
      %add3A_96 = arith.constant 1 : i32
      %add3A_97 = arith.addi %scan3A_59, %add3A_96 : i32
      %min3A = arith.constant 61 : i32
      %min3A_98 = arith.minsi %add3A_97, %min3A : i32
      %mul3A_99 = arith.constant 160 : i32
      %mul3A_100 = arith.muli %min3A_98, %mul3A_99 : i32
      %dma_wait3A_101 = arith.constant 0 : i32
      %dma_wait3A_102 = arith.constant 0 : i32
      %dma_wait3A_103 = tpu.memref_slice %arg14[%dma_wait3A_101, %dma_wait3A_102] : memref<10240x128xf32, #tpu.memory_space<vmem_shared>> -> memref<10240x128xf32, #tpu.memory_space<vmem_shared>>
      tpu.wait_indirect_dma semaphore(%arg17 : memref<!tpu.dma_semaphore, #tpu.memory_space<semaphore_mem>>) src(%arg12 : memref<80x128xf32, #tpu.memory_space<vmem>>) dst(%dma_wait3A_103 : memref<10240x128xf32, #tpu.memory_space<vmem_shared>>)
      %add3A_104 = arith.constant 0 : i32
      %add3A_105 = arith.addi %mul3A_100, %add3A_104 : i32
      %add3A_106 = arith.addi %mul3A_6, %add3A_105 : i32
      "tpu.region"() ({
        %run_scoped3A = tpu.sem_alloc : memref<!tpu.dma_semaphore, #tpu.memory_space<semaphore_mem>>
        %dma_start3A_121 = tpu.memref_slice %arg4[%add3A_106] : memref<320000xi32, #tpu.memory_space<hbm>> -> memref<80xi32, #tpu.memory_space<hbm>>
        %dma_start3A_122 = tpu.memref_slice %arg4[%add3A_106] : memref<320000xi32, #tpu.memory_space<hbm>> -> memref<80xi32, #tpu.memory_space<hbm>>
        tpu.enqueue_dma source(%dma_start3A_122 : memref<80xi32, #tpu.memory_space<hbm>>) target(%arg10 : memref<80xi32, #tpu.memory_space<vmem>>) target_semaphore(%run_scoped3A : memref<!tpu.dma_semaphore, #tpu.memory_space<semaphore_mem>>)
        %dma_wait3A_123 = tpu.memref_slice %arg4[%add3A_106] : memref<320000xi32, #tpu.memory_space<hbm>> -> memref<80xi32, #tpu.memory_space<hbm>>
        %dma_wait3A_124 = tpu.memref_slice %arg4[%add3A_106] : memref<320000xi32, #tpu.memory_space<hbm>> -> memref<80xi32, #tpu.memory_space<hbm>>
        tpu.wait_dma2 semaphore(%run_scoped3A : memref<!tpu.dma_semaphore, #tpu.memory_space<semaphore_mem>>) src(%dma_wait3A_124 : memref<80xi32, #tpu.memory_space<hbm>>) dst(%arg10 : memref<80xi32, #tpu.memory_space<vmem>>)
        tpu.yield
      }) : () -> ()
      %dma_start3A_107 = tpu.memref_slice %arg9[%add3A_105] : memref<10000xi32, #tpu.memory_space<vmem>> -> memref<80xi32, #tpu.memory_space<vmem>>
      %dma_start3A_108 = arith.constant 0 : i32
      %dma_start3A_109 = arith.constant 0 : i32
      %dma_start3A_110 = tpu.memref_slice %arg2[%dma_start3A_108, %dma_start3A_109] : memref<10000x128xf32, #tpu.memory_space<hbm>> -> memref<10000x128xf32, #tpu.memory_space<hbm>>
      tpu.enqueue_indirect_dma source(%dma_start3A_110 : memref<10000x128xf32, #tpu.memory_space<hbm>>) target(%arg12 : memref<80x128xf32, #tpu.memory_space<vmem>>) offsets(%dma_start3A_107 : memref<80xi32, #tpu.memory_space<vmem>>) semaphore(%arg15 : memref<!tpu.dma_semaphore, #tpu.memory_space<semaphore_mem>>)
      %dma_wait3A_111 = arith.constant 0 : i32
      %dma_wait3A_112 = arith.constant 0 : i32
      %dma_wait3A_113 = tpu.memref_slice %arg14[%dma_wait3A_111, %dma_wait3A_112] : memref<10240x128xf32, #tpu.memory_space<vmem_shared>> -> memref<10240x128xf32, #tpu.memory_space<vmem_shared>>
      tpu.wait_indirect_dma semaphore(%arg18 : memref<!tpu.dma_semaphore, #tpu.memory_space<semaphore_mem>>) src(%arg13 : memref<80x128xf32, #tpu.memory_space<vmem>>) dst(%dma_wait3A_113 : memref<10240x128xf32, #tpu.memory_space<vmem_shared>>)
      %add3A_114 = arith.constant 80 : i32
      %add3A_115 = arith.addi %mul3A_100, %add3A_114 : i32
      %add3A_116 = arith.addi %mul3A_6, %add3A_115 : i32
      "tpu.region"() ({
        %run_scoped3A = tpu.sem_alloc : memref<!tpu.dma_semaphore, #tpu.memory_space<semaphore_mem>>
        %dma_start3A_121 = tpu.memref_slice %arg4[%add3A_116] : memref<320000xi32, #tpu.memory_space<hbm>> -> memref<80xi32, #tpu.memory_space<hbm>>
        %dma_start3A_122 = tpu.memref_slice %arg4[%add3A_116] : memref<320000xi32, #tpu.memory_space<hbm>> -> memref<80xi32, #tpu.memory_space<hbm>>
        tpu.enqueue_dma source(%dma_start3A_122 : memref<80xi32, #tpu.memory_space<hbm>>) target(%arg11 : memref<80xi32, #tpu.memory_space<vmem>>) target_semaphore(%run_scoped3A : memref<!tpu.dma_semaphore, #tpu.memory_space<semaphore_mem>>)
        %dma_wait3A_123 = tpu.memref_slice %arg4[%add3A_116] : memref<320000xi32, #tpu.memory_space<hbm>> -> memref<80xi32, #tpu.memory_space<hbm>>
        %dma_wait3A_124 = tpu.memref_slice %arg4[%add3A_116] : memref<320000xi32, #tpu.memory_space<hbm>> -> memref<80xi32, #tpu.memory_space<hbm>>
        tpu.wait_dma2 semaphore(%run_scoped3A : memref<!tpu.dma_semaphore, #tpu.memory_space<semaphore_mem>>) src(%dma_wait3A_124 : memref<80xi32, #tpu.memory_space<hbm>>) dst(%arg11 : memref<80xi32, #tpu.memory_space<vmem>>)
        tpu.yield
      }) : () -> ()
      %dma_start3A_117 = tpu.memref_slice %arg9[%add3A_115] : memref<10000xi32, #tpu.memory_space<vmem>> -> memref<80xi32, #tpu.memory_space<vmem>>
      %dma_start3A_118 = arith.constant 0 : i32
      %dma_start3A_119 = arith.constant 0 : i32
      %dma_start3A_120 = tpu.memref_slice %arg2[%dma_start3A_118, %dma_start3A_119] : memref<10000x128xf32, #tpu.memory_space<hbm>> -> memref<10000x128xf32, #tpu.memory_space<hbm>>
      tpu.enqueue_indirect_dma source(%dma_start3A_120 : memref<10000x128xf32, #tpu.memory_space<hbm>>) target(%arg13 : memref<80x128xf32, #tpu.memory_space<vmem>>) offsets(%dma_start3A_117 : memref<80xi32, #tpu.memory_space<vmem>>) semaphore(%arg16 : memref<!tpu.dma_semaphore, #tpu.memory_space<semaphore_mem>>)
    }
    %scan3A_25 = arith.constant 62 : i32
    %dma_wait3A = arith.constant 0 : i32
    %dma_wait3A_26 = tpu.memref_slice %arg9[%dma_wait3A] : memref<10000xi32, #tpu.memory_space<vmem>> -> memref<80xi32, #tpu.memory_space<vmem>>
    %dma_wait3A_27 = arith.constant 0 : i32
    %dma_wait3A_28 = arith.constant 0 : i32
    %dma_wait3A_29 = tpu.memref_slice %arg2[%dma_wait3A_27, %dma_wait3A_28] : memref<10000x128xf32, #tpu.memory_space<hbm>> -> memref<10000x128xf32, #tpu.memory_space<hbm>>
    tpu.wait_indirect_dma semaphore(%arg15 : memref<!tpu.dma_semaphore, #tpu.memory_space<semaphore_mem>>) src(%dma_wait3A_29 : memref<10000x128xf32, #tpu.memory_space<hbm>>) dst(%arg12 : memref<80x128xf32, #tpu.memory_space<vmem>>)
    %dma_wait3A_30 = arith.constant 0 : i32
    %dma_wait3A_31 = tpu.memref_slice %arg9[%dma_wait3A_30] : memref<10000xi32, #tpu.memory_space<vmem>> -> memref<80xi32, #tpu.memory_space<vmem>>
    %dma_wait3A_32 = arith.constant 0 : i32
    %dma_wait3A_33 = arith.constant 0 : i32
    %dma_wait3A_34 = tpu.memref_slice %arg2[%dma_wait3A_32, %dma_wait3A_33] : memref<10000x128xf32, #tpu.memory_space<hbm>> -> memref<10000x128xf32, #tpu.memory_space<hbm>>
    tpu.wait_indirect_dma semaphore(%arg16 : memref<!tpu.dma_semaphore, #tpu.memory_space<semaphore_mem>>) src(%dma_wait3A_34 : memref<10000x128xf32, #tpu.memory_space<hbm>>) dst(%arg13 : memref<80x128xf32, #tpu.memory_space<vmem>>)
    %add3A_35 = arith.constant 9920 : i32
    %add3A_36 = arith.addi %mul3A_6, %add3A_35 : i32
    "tpu.region"() ({
      %run_scoped3A = tpu.sem_alloc : memref<!tpu.dma_semaphore, #tpu.memory_space<semaphore_mem>>
      %dma_start3A_59 = tpu.memref_slice %arg4[%add3A_36] : memref<320000xi32, #tpu.memory_space<hbm>> -> memref<80xi32, #tpu.memory_space<hbm>>
      %dma_start3A_60 = tpu.memref_slice %arg4[%add3A_36] : memref<320000xi32, #tpu.memory_space<hbm>> -> memref<80xi32, #tpu.memory_space<hbm>>
      tpu.enqueue_dma source(%dma_start3A_60 : memref<80xi32, #tpu.memory_space<hbm>>) target(%arg10 : memref<80xi32, #tpu.memory_space<vmem>>) target_semaphore(%run_scoped3A : memref<!tpu.dma_semaphore, #tpu.memory_space<semaphore_mem>>)
      %dma_wait3A_61 = tpu.memref_slice %arg4[%add3A_36] : memref<320000xi32, #tpu.memory_space<hbm>> -> memref<80xi32, #tpu.memory_space<hbm>>
      %dma_wait3A_62 = tpu.memref_slice %arg4[%add3A_36] : memref<320000xi32, #tpu.memory_space<hbm>> -> memref<80xi32, #tpu.memory_space<hbm>>
      tpu.wait_dma2 semaphore(%run_scoped3A : memref<!tpu.dma_semaphore, #tpu.memory_space<semaphore_mem>>) src(%dma_wait3A_62 : memref<80xi32, #tpu.memory_space<hbm>>) dst(%arg10 : memref<80xi32, #tpu.memory_space<vmem>>)
      tpu.yield
    }) : () -> ()
    %dma_start3A_37 = arith.constant 9920 : i32
    %dma_start3A_38 = tpu.memref_slice %arg9[%dma_start3A_37] : memref<10000xi32, #tpu.memory_space<vmem>> -> memref<80xi32, #tpu.memory_space<vmem>>
    %dma_start3A_39 = arith.constant 0 : i32
    %dma_start3A_40 = arith.constant 0 : i32
    %dma_start3A_41 = tpu.memref_slice %arg2[%dma_start3A_39, %dma_start3A_40] : memref<10000x128xf32, #tpu.memory_space<hbm>> -> memref<10000x128xf32, #tpu.memory_space<hbm>>
    tpu.enqueue_indirect_dma source(%dma_start3A_41 : memref<10000x128xf32, #tpu.memory_space<hbm>>) target(%arg12 : memref<80x128xf32, #tpu.memory_space<vmem>>) offsets(%dma_start3A_38 : memref<80xi32, #tpu.memory_space<vmem>>) semaphore(%arg15 : memref<!tpu.dma_semaphore, #tpu.memory_space<semaphore_mem>>)
    %dma_wait3A_42 = arith.constant 0 : i32
    %dma_wait3A_43 = tpu.memref_slice %arg9[%dma_wait3A_42] : memref<10000xi32, #tpu.memory_space<vmem>> -> memref<80xi32, #tpu.memory_space<vmem>>
    %dma_wait3A_44 = arith.constant 0 : i32
    %dma_wait3A_45 = arith.constant 0 : i32
    %dma_wait3A_46 = tpu.memref_slice %arg2[%dma_wait3A_44, %dma_wait3A_45] : memref<10000x128xf32, #tpu.memory_space<hbm>> -> memref<10000x128xf32, #tpu.memory_space<hbm>>
    tpu.wait_indirect_dma semaphore(%arg15 : memref<!tpu.dma_semaphore, #tpu.memory_space<semaphore_mem>>) src(%dma_wait3A_46 : memref<10000x128xf32, #tpu.memory_space<hbm>>) dst(%arg12 : memref<80x128xf32, #tpu.memory_space<vmem>>)
    "tpu.region"() ({
      %run_scoped3A = tpu.sem_alloc : memref<!tpu.dma_semaphore, #tpu.memory_space<semaphore_mem>>
      %dma_start3A_59 = arith.constant 0 : i32
      %dma_start3A_60 = arith.constant 0 : i32
      %dma_start3A_61 = tpu.memref_slice %arg14[%dma_start3A_59, %dma_start3A_60] : memref<10240x128xf32, #tpu.memory_space<vmem_shared>> -> memref<10240x128xf32, #tpu.memory_space<vmem_shared>>
      tpu.enqueue_indirect_dma source(%arg12 : memref<80x128xf32, #tpu.memory_space<vmem>>) target(%dma_start3A_61 : memref<10240x128xf32, #tpu.memory_space<vmem_shared>>) offsets(%arg10 : memref<80xi32, #tpu.memory_space<vmem>>) semaphore(%run_scoped3A : memref<!tpu.dma_semaphore, #tpu.memory_space<semaphore_mem>>) {add = true}
      %dma_wait3A_62 = arith.constant 0 : i32
      %dma_wait3A_63 = arith.constant 0 : i32
      %dma_wait3A_64 = tpu.memref_slice %arg14[%dma_wait3A_62, %dma_wait3A_63] : memref<10240x128xf32, #tpu.memory_space<vmem_shared>> -> memref<10240x128xf32, #tpu.memory_space<vmem_shared>>
      tpu.wait_indirect_dma semaphore(%run_scoped3A : memref<!tpu.dma_semaphore, #tpu.memory_space<semaphore_mem>>) src(%arg12 : memref<80x128xf32, #tpu.memory_space<vmem>>) dst(%dma_wait3A_64 : memref<10240x128xf32, #tpu.memory_space<vmem_shared>>)
      tpu.yield
    }) : () -> ()
    %get3A = arith.constant 0 : index
    %get3A_47 = tpu.vector_load %arg10[%get3A] {strides = array<i32>} : memref<80xi32, #tpu.memory_space<vmem>>, vector<16xi32>,
    tpu.vector_store_idx %arg19[%get3A_47], %broadcast_in_dim3A_7 {add = true} : memref<10240xf32, #tpu.memory_space<vmem>>[vector<16xi32>], vector<16xf32>,
    %get3A_48 = arith.constant 16 : index
    %get3A_49 = tpu.vector_load %arg10[%get3A_48] {strides = array<i32>} : memref<80xi32, #tpu.memory_space<vmem>>, vector<16xi32>,
    tpu.vector_store_idx %arg19[%get3A_49], %broadcast_in_dim3A_7 {add = true} : memref<10240xf32, #tpu.memory_space<vmem>>[vector<16xi32>], vector<16xf32>,
    %get3A_50 = arith.constant 32 : index
    %get3A_51 = tpu.vector_load %arg10[%get3A_50] {strides = array<i32>} : memref<80xi32, #tpu.memory_space<vmem>>, vector<16xi32>,
    tpu.vector_store_idx %arg19[%get3A_51], %broadcast_in_dim3A_7 {add = true} : memref<10240xf32, #tpu.memory_space<vmem>>[vector<16xi32>], vector<16xf32>,
    %get3A_52 = arith.constant 48 : index
    %get3A_53 = tpu.vector_load %arg10[%get3A_52] {strides = array<i32>} : memref<80xi32, #tpu.memory_space<vmem>>, vector<16xi32>,
    tpu.vector_store_idx %arg19[%get3A_53], %broadcast_in_dim3A_7 {add = true} : memref<10240xf32, #tpu.memory_space<vmem>>[vector<16xi32>], vector<16xf32>,
    %get3A_54 = arith.constant 64 : index
    %get3A_55 = tpu.vector_load %arg10[%get3A_54] {strides = array<i32>} : memref<80xi32, #tpu.memory_space<vmem>>, vector<16xi32>,
    tpu.vector_store_idx %arg19[%get3A_55], %broadcast_in_dim3A_7 {add = true} : memref<10240xf32, #tpu.memory_space<vmem>>[vector<16xi32>], vector<16xf32>,
    %barrier3A_56 = arith.constant 0 : index
    tpu.barrier barrier_id(%barrier3A_56)
    "tpu.region"() ({
      %run_scoped3A = tpu.sem_alloc : memref<!tpu.dma_semaphore, #tpu.memory_space<semaphore_mem>>
      %dma_start3A_59 = arith.constant 0 : i32
      %dma_start3A_60 = tpu.memref_slice %arg7[%arg0, %mul3A_2, %dma_start3A_59] : memref<2x10240x128xf32, #tpu.memory_space<hbm>> -> memref<1x640x128xf32, #tpu.memory_space<hbm>>
      %dma_start3A_61 = tpu.memref_squeeze %dma_start3A_60 : memref<1x640x128xf32, #tpu.memory_space<hbm>> -> memref<640x128xf32, #tpu.memory_space<hbm>>
      %dma_start3A_62 = arith.constant 0 : i32
      %dma_start3A_63 = tpu.memref_slice %arg14[%mul3A_2, %dma_start3A_62] : memref<10240x128xf32, #tpu.memory_space<vmem_shared>> -> memref<640x128xf32, #tpu.memory_space<vmem_shared>>
      tpu.enqueue_dma source(%dma_start3A_63 : memref<640x128xf32, #tpu.memory_space<vmem_shared>>) target(%dma_start3A_61 : memref<640x128xf32, #tpu.memory_space<hbm>>) target_semaphore(%run_scoped3A : memref<!tpu.dma_semaphore, #tpu.memory_space<semaphore_mem>>)
      %dma_wait3A_64 = arith.constant 0 : i32
      %dma_wait3A_65 = tpu.memref_slice %arg7[%arg0, %mul3A_2, %dma_wait3A_64] : memref<2x10240x128xf32, #tpu.memory_space<hbm>> -> memref<1x640x128xf32, #tpu.memory_space<hbm>>
      %dma_wait3A_66 = tpu.memref_squeeze %dma_wait3A_65 : memref<1x640x128xf32, #tpu.memory_space<hbm>> -> memref<640x128xf32, #tpu.memory_space<hbm>>
      %dma_wait3A_67 = arith.constant 0 : i32
      %dma_wait3A_68 = tpu.memref_slice %arg14[%mul3A_2, %dma_wait3A_67] : memref<10240x128xf32, #tpu.memory_space<vmem_shared>> -> memref<640x128xf32, #tpu.memory_space<vmem_shared>>
      tpu.wait_dma2 semaphore(%run_scoped3A : memref<!tpu.dma_semaphore, #tpu.memory_space<semaphore_mem>>) src(%dma_wait3A_68 : memref<640x128xf32, #tpu.memory_space<vmem_shared>>) dst(%dma_wait3A_66 : memref<640x128xf32, #tpu.memory_space<hbm>>)
      tpu.yield
    }) : () -> ()
    %mul3A_57 = arith.constant 10240 : i32
    %mul3A_58 = arith.muli %add3A, %mul3A_57 : i32
    "tpu.region"() ({
      %run_scoped3A = tpu.sem_alloc : memref<!tpu.dma_semaphore, #tpu.memory_space<semaphore_mem>>
      %dma_start3A_59 = tpu.memref_slice %arg8[%mul3A_58] : memref<327680xf32, #tpu.memory_space<hbm>> -> memref<10240xf32, #tpu.memory_space<hbm>>
      %dma_start3A_60 = tpu.memref_slice %arg8[%mul3A_58] : memref<327680xf32, #tpu.memory_space<hbm>> -> memref<10240xf32, #tpu.memory_space<hbm>>
      tpu.enqueue_dma source(%arg19 : memref<10240xf32, #tpu.memory_space<vmem>>) target(%dma_start3A_60 : memref<10240xf32, #tpu.memory_space<hbm>>) target_semaphore(%run_scoped3A : memref<!tpu.dma_semaphore, #tpu.memory_space<semaphore_mem>>)
      %dma_wait3A_61 = tpu.memref_slice %arg8[%mul3A_58] : memref<327680xf32, #tpu.memory_space<hbm>> -> memref<10240xf32, #tpu.memory_space<hbm>>
      %dma_wait3A_62 = tpu.memref_slice %arg8[%mul3A_58] : memref<327680xf32, #tpu.memory_space<hbm>> -> memref<10240xf32, #tpu.memory_space<hbm>>
      tpu.wait_dma2 semaphore(%run_scoped3A : memref<!tpu.dma_semaphore, #tpu.memory_space<semaphore_mem>>) src(%arg19 : memref<10240xf32, #tpu.memory_space<vmem>>) dst(%dma_wait3A_62 : memref<10240xf32, #tpu.memory_space<hbm>>)
      tpu.yield
    }) : () -> ()
    return
  }
}

#map = affine_map<(d0, d1) -> (0, 0)>
#map1 = affine_map<(d0, d1) -> (0)>
#map2 = affine_map<(d0, d1) -> (0, 0, 0)>
module attributes {stable_mosaic.version = 14 : i64} {
  func.func @body(%arg0: i32, %arg1: i32, %arg2: memref<10000x128xf32, #tpu.memory_space<hbm>>, %arg3: memref<320000xi32, #tpu.memory_space<hbm>>, %arg4: memref<320000xi32, #tpu.memory_space<hbm>>, %arg5: memref<640x128xf32, #tpu.memory_space<hbm>>, %arg6: memref<10240xf32, #tpu.memory_space<hbm>>, %arg7: memref<2x10240x128xf32, #tpu.memory_space<hbm>>, %arg8: memref<10000xi32, #tpu.memory_space<vmem>>, %arg9: memref<80xi32, #tpu.memory_space<vmem>>, %arg10: memref<80xi32, #tpu.memory_space<vmem>>, %arg11: memref<80xi32, #tpu.memory_space<vmem>>, %arg12: memref<80x128xf32, #tpu.memory_space<vmem>>, %arg13: memref<80x128xf32, #tpu.memory_space<vmem>>, %arg14: memref<80x128xf32, #tpu.memory_space<vmem>>, %arg15: memref<10240x128xf32, #tpu.memory_space<vmem_shared>>, %arg16: memref<!tpu.dma_semaphore, #tpu.memory_space<semaphore_mem>>, %arg17: memref<!tpu.dma_semaphore, #tpu.memory_space<semaphore_mem>>, %arg18: memref<!tpu.dma_semaphore, #tpu.memory_space<semaphore_mem>>, %arg19: memref<!tpu.dma_semaphore, #tpu.memory_space<semaphore_mem>>, %arg20: memref<!tpu.dma_semaphore, #tpu.memory_space<semaphore_mem>>, %arg21: memref<!tpu.dma_semaphore, #tpu.memory_space<semaphore_mem>>) attributes {dimension_semantics = [#tpu.dimension_semantics<core_parallel>, #tpu.dimension_semantics<subcore_parallel>], iteration_bounds = array<i64: 2, 16>, scalar_prefetch = 0 : i64, scratch_operands = 14 : i64, tpu.core_type = #tpu.core_type<sc_vector_subcore>, window_params = [{transform_indices = #map}, {transform_indices = #map1}, {transform_indices = #map1}, {transform_indices = #map}, {transform_indices = #map1}, {transform_indices = #map2}]} {
    %mul3A = arith.constant 16 : i32
    %mul3A_0 = arith.muli %arg0, %mul3A : i32
    %add3A = arith.addi %mul3A_0, %arg1 : i32
    %mul3A_1 = arith.constant 640 : i32
    %mul3A_2 = arith.muli %arg1, %mul3A_1 : i32
    "tpu.region"() ({
      %run_scoped3A = tpu.sem_alloc : memref<!tpu.dma_semaphore, #tpu.memory_space<semaphore_mem>>
      %dma_start3A_72 = arith.constant 0 : i32
      %dma_start3A_73 = tpu.memref_slice %arg15[%mul3A_2, %dma_start3A_72] : memref<10240x128xf32, #tpu.memory_space<vmem_shared>> -> memref<640x128xf32, #tpu.memory_space<vmem_shared>>
      tpu.enqueue_dma source(%arg5 : memref<640x128xf32, #tpu.memory_space<hbm>>) target(%dma_start3A_73 : memref<640x128xf32, #tpu.memory_space<vmem_shared>>) target_semaphore(%run_scoped3A : memref<!tpu.dma_semaphore, #tpu.memory_space<semaphore_mem>>)
      %dma_wait3A_74 = arith.constant 0 : i32
      %dma_wait3A_75 = tpu.memref_slice %arg15[%mul3A_2, %dma_wait3A_74] : memref<10240x128xf32, #tpu.memory_space<vmem_shared>> -> memref<640x128xf32, #tpu.memory_space<vmem_shared>>
      tpu.wait_dma2 semaphore(%run_scoped3A : memref<!tpu.dma_semaphore, #tpu.memory_space<semaphore_mem>>) src(%arg5 : memref<640x128xf32, #tpu.memory_space<hbm>>) dst(%dma_wait3A_75 : memref<640x128xf32, #tpu.memory_space<vmem_shared>>)
      tpu.yield
    }) : () -> ()
    %mul3A_3 = arith.constant 10000 : i32
    %mul3A_4 = arith.muli %add3A, %mul3A_3 : i32
    "tpu.region"() ({
      %run_scoped3A = tpu.sem_alloc : memref<!tpu.dma_semaphore, #tpu.memory_space<semaphore_mem>>
      %dma_start3A_72 = tpu.memref_slice %arg3[%mul3A_4] : memref<320000xi32, #tpu.memory_space<hbm>> -> memref<10000xi32, #tpu.memory_space<hbm>>
      %dma_start3A_73 = tpu.memref_slice %arg3[%mul3A_4] : memref<320000xi32, #tpu.memory_space<hbm>> -> memref<10000xi32, #tpu.memory_space<hbm>>
      tpu.enqueue_dma source(%dma_start3A_73 : memref<10000xi32, #tpu.memory_space<hbm>>) target(%arg8 : memref<10000xi32, #tpu.memory_space<vmem>>) target_semaphore(%run_scoped3A : memref<!tpu.dma_semaphore, #tpu.memory_space<semaphore_mem>>)
      %dma_wait3A_74 = tpu.memref_slice %arg3[%mul3A_4] : memref<320000xi32, #tpu.memory_space<hbm>> -> memref<10000xi32, #tpu.memory_space<hbm>>
      %dma_wait3A_75 = tpu.memref_slice %arg3[%mul3A_4] : memref<320000xi32, #tpu.memory_space<hbm>> -> memref<10000xi32, #tpu.memory_space<hbm>>
      tpu.wait_dma2 semaphore(%run_scoped3A : memref<!tpu.dma_semaphore, #tpu.memory_space<semaphore_mem>>) src(%dma_wait3A_75 : memref<10000xi32, #tpu.memory_space<hbm>>) dst(%arg8 : memref<10000xi32, #tpu.memory_space<vmem>>)
      tpu.yield
    }) : () -> ()
    %barrier3A = arith.constant 0 : index
    tpu.barrier barrier_id(%barrier3A)
    %mul3A_5 = arith.constant 10000 : i32
    %mul3A_6 = arith.muli %add3A, %mul3A_5 : i32
    %broadcast_in_dim3A = arith.constant 1.000000e+00 : f32
    %broadcast_in_dim3A_7 = vector.broadcast %broadcast_in_dim3A : f32 to vector<16xf32>
    %add3A_8 = arith.constant 0 : i32
    %add3A_9 = arith.addi %mul3A_6, %add3A_8 : i32
    "tpu.region"() ({
      %run_scoped3A = tpu.sem_alloc : memref<!tpu.dma_semaphore, #tpu.memory_space<semaphore_mem>>
      %dma_start3A_72 = tpu.memref_slice %arg4[%add3A_9] : memref<320000xi32, #tpu.memory_space<hbm>> -> memref<80xi32, #tpu.memory_space<hbm>>
      %dma_start3A_73 = tpu.memref_slice %arg4[%add3A_9] : memref<320000xi32, #tpu.memory_space<hbm>> -> memref<80xi32, #tpu.memory_space<hbm>>
      tpu.enqueue_dma source(%dma_start3A_73 : memref<80xi32, #tpu.memory_space<hbm>>) target(%arg9 : memref<80xi32, #tpu.memory_space<vmem>>) target_semaphore(%run_scoped3A : memref<!tpu.dma_semaphore, #tpu.memory_space<semaphore_mem>>)
      %dma_wait3A_74 = tpu.memref_slice %arg4[%add3A_9] : memref<320000xi32, #tpu.memory_space<hbm>> -> memref<80xi32, #tpu.memory_space<hbm>>
      %dma_wait3A_75 = tpu.memref_slice %arg4[%add3A_9] : memref<320000xi32, #tpu.memory_space<hbm>> -> memref<80xi32, #tpu.memory_space<hbm>>
      tpu.wait_dma2 semaphore(%run_scoped3A : memref<!tpu.dma_semaphore, #tpu.memory_space<semaphore_mem>>) src(%dma_wait3A_75 : memref<80xi32, #tpu.memory_space<hbm>>) dst(%arg9 : memref<80xi32, #tpu.memory_space<vmem>>)
      tpu.yield
    }) : () -> ()
    %dma_start3A = arith.constant 0 : i32
    %dma_start3A_10 = tpu.memref_slice %arg8[%dma_start3A] : memref<10000xi32, #tpu.memory_space<vmem>> -> memref<80xi32, #tpu.memory_space<vmem>>
    %dma_start3A_11 = arith.constant 0 : i32
    %dma_start3A_12 = arith.constant 0 : i32
    %dma_start3A_13 = tpu.memref_slice %arg2[%dma_start3A_11, %dma_start3A_12] : memref<10000x128xf32, #tpu.memory_space<hbm>> -> memref<10000x128xf32, #tpu.memory_space<hbm>>
    tpu.enqueue_indirect_dma source(%dma_start3A_13 : memref<10000x128xf32, #tpu.memory_space<hbm>>) target(%arg12 : memref<80x128xf32, #tpu.memory_space<vmem>>) offsets(%dma_start3A_10 : memref<80xi32, #tpu.memory_space<vmem>>) semaphore(%arg16 : memref<!tpu.dma_semaphore, #tpu.memory_space<semaphore_mem>>)
    %add3A_14 = arith.constant 80 : i32
    %add3A_15 = arith.addi %mul3A_6, %add3A_14 : i32
    "tpu.region"() ({
      %run_scoped3A = tpu.sem_alloc : memref<!tpu.dma_semaphore, #tpu.memory_space<semaphore_mem>>
      %dma_start3A_72 = tpu.memref_slice %arg4[%add3A_15] : memref<320000xi32, #tpu.memory_space<hbm>> -> memref<80xi32, #tpu.memory_space<hbm>>
      %dma_start3A_73 = tpu.memref_slice %arg4[%add3A_15] : memref<320000xi32, #tpu.memory_space<hbm>> -> memref<80xi32, #tpu.memory_space<hbm>>
      tpu.enqueue_dma source(%dma_start3A_73 : memref<80xi32, #tpu.memory_space<hbm>>) target(%arg10 : memref<80xi32, #tpu.memory_space<vmem>>) target_semaphore(%run_scoped3A : memref<!tpu.dma_semaphore, #tpu.memory_space<semaphore_mem>>)
      %dma_wait3A_74 = tpu.memref_slice %arg4[%add3A_15] : memref<320000xi32, #tpu.memory_space<hbm>> -> memref<80xi32, #tpu.memory_space<hbm>>
      %dma_wait3A_75 = tpu.memref_slice %arg4[%add3A_15] : memref<320000xi32, #tpu.memory_space<hbm>> -> memref<80xi32, #tpu.memory_space<hbm>>
      tpu.wait_dma2 semaphore(%run_scoped3A : memref<!tpu.dma_semaphore, #tpu.memory_space<semaphore_mem>>) src(%dma_wait3A_75 : memref<80xi32, #tpu.memory_space<hbm>>) dst(%arg10 : memref<80xi32, #tpu.memory_space<vmem>>)
      tpu.yield
    }) : () -> ()
    %dma_start3A_16 = arith.constant 80 : i32
    %dma_start3A_17 = tpu.memref_slice %arg8[%dma_start3A_16] : memref<10000xi32, #tpu.memory_space<vmem>> -> memref<80xi32, #tpu.memory_space<vmem>>
    %dma_start3A_18 = arith.constant 0 : i32
    %dma_start3A_19 = arith.constant 0 : i32
    %dma_start3A_20 = tpu.memref_slice %arg2[%dma_start3A_18, %dma_start3A_19] : memref<10000x128xf32, #tpu.memory_space<hbm>> -> memref<10000x128xf32, #tpu.memory_space<hbm>>
    tpu.enqueue_indirect_dma source(%dma_start3A_20 : memref<10000x128xf32, #tpu.memory_space<hbm>>) target(%arg13 : memref<80x128xf32, #tpu.memory_space<vmem>>) offsets(%dma_start3A_17 : memref<80xi32, #tpu.memory_space<vmem>>) semaphore(%arg17 : memref<!tpu.dma_semaphore, #tpu.memory_space<semaphore_mem>>)
    %add3A_21 = arith.constant 160 : i32
    %add3A_22 = arith.addi %mul3A_6, %add3A_21 : i32
    "tpu.region"() ({
      %run_scoped3A = tpu.sem_alloc : memref<!tpu.dma_semaphore, #tpu.memory_space<semaphore_mem>>
      %dma_start3A_72 = tpu.memref_slice %arg4[%add3A_22] : memref<320000xi32, #tpu.memory_space<hbm>> -> memref<80xi32, #tpu.memory_space<hbm>>
      %dma_start3A_73 = tpu.memref_slice %arg4[%add3A_22] : memref<320000xi32, #tpu.memory_space<hbm>> -> memref<80xi32, #tpu.memory_space<hbm>>
      tpu.enqueue_dma source(%dma_start3A_73 : memref<80xi32, #tpu.memory_space<hbm>>) target(%arg11 : memref<80xi32, #tpu.memory_space<vmem>>) target_semaphore(%run_scoped3A : memref<!tpu.dma_semaphore, #tpu.memory_space<semaphore_mem>>)
      %dma_wait3A_74 = tpu.memref_slice %arg4[%add3A_22] : memref<320000xi32, #tpu.memory_space<hbm>> -> memref<80xi32, #tpu.memory_space<hbm>>
      %dma_wait3A_75 = tpu.memref_slice %arg4[%add3A_22] : memref<320000xi32, #tpu.memory_space<hbm>> -> memref<80xi32, #tpu.memory_space<hbm>>
      tpu.wait_dma2 semaphore(%run_scoped3A : memref<!tpu.dma_semaphore, #tpu.memory_space<semaphore_mem>>) src(%dma_wait3A_75 : memref<80xi32, #tpu.memory_space<hbm>>) dst(%arg11 : memref<80xi32, #tpu.memory_space<vmem>>)
      tpu.yield
    }) : () -> ()
    %dma_start3A_23 = arith.constant 160 : i32
    %dma_start3A_24 = tpu.memref_slice %arg8[%dma_start3A_23] : memref<10000xi32, #tpu.memory_space<vmem>> -> memref<80xi32, #tpu.memory_space<vmem>>
    %dma_start3A_25 = arith.constant 0 : i32
    %dma_start3A_26 = arith.constant 0 : i32
    %dma_start3A_27 = tpu.memref_slice %arg2[%dma_start3A_25, %dma_start3A_26] : memref<10000x128xf32, #tpu.memory_space<hbm>> -> memref<10000x128xf32, #tpu.memory_space<hbm>>
    tpu.enqueue_indirect_dma source(%dma_start3A_27 : memref<10000x128xf32, #tpu.memory_space<hbm>>) target(%arg14 : memref<80x128xf32, #tpu.memory_space<vmem>>) offsets(%dma_start3A_24 : memref<80xi32, #tpu.memory_space<vmem>>) semaphore(%arg18 : memref<!tpu.dma_semaphore, #tpu.memory_space<semaphore_mem>>)
    %scan3A = arith.constant 0 : i32
    %scan3A_28 = arith.constant 0 : i32
    %scan3A_29 = arith.constant 41 : i32
    %scan3A_30 = arith.addi %scan3A_28, %scan3A_29 : i32
    %scan3A_31 = arith.constant 1 : i32
    scf.for %scan3A_72 = %scan3A_28 to %scan3A_30 step %scan3A_31  : i32 {
      %dma_wait3A_73 = arith.constant 0 : i32
      %dma_wait3A_74 = tpu.memref_slice %arg8[%dma_wait3A_73] : memref<10000xi32, #tpu.memory_space<vmem>> -> memref<80xi32, #tpu.memory_space<vmem>>
      %dma_wait3A_75 = arith.constant 0 : i32
      %dma_wait3A_76 = arith.constant 0 : i32
      %dma_wait3A_77 = tpu.memref_slice %arg2[%dma_wait3A_75, %dma_wait3A_76] : memref<10000x128xf32, #tpu.memory_space<hbm>> -> memref<10000x128xf32, #tpu.memory_space<hbm>>
      tpu.wait_indirect_dma semaphore(%arg16 : memref<!tpu.dma_semaphore, #tpu.memory_space<semaphore_mem>>) src(%dma_wait3A_77 : memref<10000x128xf32, #tpu.memory_space<hbm>>) dst(%arg12 : memref<80x128xf32, #tpu.memory_space<vmem>>)
      %dma_start3A_78 = arith.constant 0 : i32
      %dma_start3A_79 = arith.constant 0 : i32
      %dma_start3A_80 = tpu.memref_slice %arg15[%dma_start3A_78, %dma_start3A_79] : memref<10240x128xf32, #tpu.memory_space<vmem_shared>> -> memref<10240x128xf32, #tpu.memory_space<vmem_shared>>
      tpu.enqueue_indirect_dma source(%arg12 : memref<80x128xf32, #tpu.memory_space<vmem>>) target(%dma_start3A_80 : memref<10240x128xf32, #tpu.memory_space<vmem_shared>>) offsets(%arg9 : memref<80xi32, #tpu.memory_space<vmem>>) semaphore(%arg19 : memref<!tpu.dma_semaphore, #tpu.memory_space<semaphore_mem>>) {add = true}
      %dma_wait3A_81 = arith.constant 0 : i32
      %dma_wait3A_82 = tpu.memref_slice %arg8[%dma_wait3A_81] : memref<10000xi32, #tpu.memory_space<vmem>> -> memref<80xi32, #tpu.memory_space<vmem>>
      %dma_wait3A_83 = arith.constant 0 : i32
      %dma_wait3A_84 = arith.constant 0 : i32
      %dma_wait3A_85 = tpu.memref_slice %arg2[%dma_wait3A_83, %dma_wait3A_84] : memref<10000x128xf32, #tpu.memory_space<hbm>> -> memref<10000x128xf32, #tpu.memory_space<hbm>>
      tpu.wait_indirect_dma semaphore(%arg17 : memref<!tpu.dma_semaphore, #tpu.memory_space<semaphore_mem>>) src(%dma_wait3A_85 : memref<10000x128xf32, #tpu.memory_space<hbm>>) dst(%arg13 : memref<80x128xf32, #tpu.memory_space<vmem>>)
      %dma_start3A_86 = arith.constant 0 : i32
      %dma_start3A_87 = arith.constant 0 : i32
      %dma_start3A_88 = tpu.memref_slice %arg15[%dma_start3A_86, %dma_start3A_87] : memref<10240x128xf32, #tpu.memory_space<vmem_shared>> -> memref<10240x128xf32, #tpu.memory_space<vmem_shared>>
      tpu.enqueue_indirect_dma source(%arg13 : memref<80x128xf32, #tpu.memory_space<vmem>>) target(%dma_start3A_88 : memref<10240x128xf32, #tpu.memory_space<vmem_shared>>) offsets(%arg10 : memref<80xi32, #tpu.memory_space<vmem>>) semaphore(%arg20 : memref<!tpu.dma_semaphore, #tpu.memory_space<semaphore_mem>>) {add = true}
      %dma_wait3A_89 = arith.constant 0 : i32
      %dma_wait3A_90 = tpu.memref_slice %arg8[%dma_wait3A_89] : memref<10000xi32, #tpu.memory_space<vmem>> -> memref<80xi32, #tpu.memory_space<vmem>>
      %dma_wait3A_91 = arith.constant 0 : i32
      %dma_wait3A_92 = arith.constant 0 : i32
      %dma_wait3A_93 = tpu.memref_slice %arg2[%dma_wait3A_91, %dma_wait3A_92] : memref<10000x128xf32, #tpu.memory_space<hbm>> -> memref<10000x128xf32, #tpu.memory_space<hbm>>
      tpu.wait_indirect_dma semaphore(%arg18 : memref<!tpu.dma_semaphore, #tpu.memory_space<semaphore_mem>>) src(%dma_wait3A_93 : memref<10000x128xf32, #tpu.memory_space<hbm>>) dst(%arg14 : memref<80x128xf32, #tpu.memory_space<vmem>>)
      %dma_start3A_94 = arith.constant 0 : i32
      %dma_start3A_95 = arith.constant 0 : i32
      %dma_start3A_96 = tpu.memref_slice %arg15[%dma_start3A_94, %dma_start3A_95] : memref<10240x128xf32, #tpu.memory_space<vmem_shared>> -> memref<10240x128xf32, #tpu.memory_space<vmem_shared>>
      tpu.enqueue_indirect_dma source(%arg14 : memref<80x128xf32, #tpu.memory_space<vmem>>) target(%dma_start3A_96 : memref<10240x128xf32, #tpu.memory_space<vmem_shared>>) offsets(%arg11 : memref<80xi32, #tpu.memory_space<vmem>>) semaphore(%arg21 : memref<!tpu.dma_semaphore, #tpu.memory_space<semaphore_mem>>) {add = true}
      %add3A_97 = arith.constant 1 : i32
      %add3A_98 = arith.addi %scan3A_72, %add3A_97 : i32
      %min3A = arith.constant 40 : i32
      %min3A_99 = arith.minsi %add3A_98, %min3A : i32
      %mul3A_100 = arith.constant 240 : i32
      %mul3A_101 = arith.muli %min3A_99, %mul3A_100 : i32
      %dma_wait3A_102 = arith.constant 0 : i32
      %dma_wait3A_103 = arith.constant 0 : i32
      %dma_wait3A_104 = tpu.memref_slice %arg15[%dma_wait3A_102, %dma_wait3A_103] : memref<10240x128xf32, #tpu.memory_space<vmem_shared>> -> memref<10240x128xf32, #tpu.memory_space<vmem_shared>>
      tpu.wait_indirect_dma semaphore(%arg19 : memref<!tpu.dma_semaphore, #tpu.memory_space<semaphore_mem>>) src(%arg12 : memref<80x128xf32, #tpu.memory_space<vmem>>) dst(%dma_wait3A_104 : memref<10240x128xf32, #tpu.memory_space<vmem_shared>>)
      %add3A_105 = arith.constant 0 : i32
      %add3A_106 = arith.addi %mul3A_101, %add3A_105 : i32
      %add3A_107 = arith.addi %mul3A_6, %add3A_106 : i32
      "tpu.region"() ({
        %run_scoped3A = tpu.sem_alloc : memref<!tpu.dma_semaphore, #tpu.memory_space<semaphore_mem>>
        %dma_start3A_132 = tpu.memref_slice %arg4[%add3A_107] : memref<320000xi32, #tpu.memory_space<hbm>> -> memref<80xi32, #tpu.memory_space<hbm>>
        %dma_start3A_133 = tpu.memref_slice %arg4[%add3A_107] : memref<320000xi32, #tpu.memory_space<hbm>> -> memref<80xi32, #tpu.memory_space<hbm>>
        tpu.enqueue_dma source(%dma_start3A_133 : memref<80xi32, #tpu.memory_space<hbm>>) target(%arg9 : memref<80xi32, #tpu.memory_space<vmem>>) target_semaphore(%run_scoped3A : memref<!tpu.dma_semaphore, #tpu.memory_space<semaphore_mem>>)
        %dma_wait3A_134 = tpu.memref_slice %arg4[%add3A_107] : memref<320000xi32, #tpu.memory_space<hbm>> -> memref<80xi32, #tpu.memory_space<hbm>>
        %dma_wait3A_135 = tpu.memref_slice %arg4[%add3A_107] : memref<320000xi32, #tpu.memory_space<hbm>> -> memref<80xi32, #tpu.memory_space<hbm>>
        tpu.wait_dma2 semaphore(%run_scoped3A : memref<!tpu.dma_semaphore, #tpu.memory_space<semaphore_mem>>) src(%dma_wait3A_135 : memref<80xi32, #tpu.memory_space<hbm>>) dst(%arg9 : memref<80xi32, #tpu.memory_space<vmem>>)
        tpu.yield
      }) : () -> ()
      %dma_start3A_108 = tpu.memref_slice %arg8[%add3A_106] : memref<10000xi32, #tpu.memory_space<vmem>> -> memref<80xi32, #tpu.memory_space<vmem>>
      %dma_start3A_109 = arith.constant 0 : i32
      %dma_start3A_110 = arith.constant 0 : i32
      %dma_start3A_111 = tpu.memref_slice %arg2[%dma_start3A_109, %dma_start3A_110] : memref<10000x128xf32, #tpu.memory_space<hbm>> -> memref<10000x128xf32, #tpu.memory_space<hbm>>
      tpu.enqueue_indirect_dma source(%dma_start3A_111 : memref<10000x128xf32, #tpu.memory_space<hbm>>) target(%arg12 : memref<80x128xf32, #tpu.memory_space<vmem>>) offsets(%dma_start3A_108 : memref<80xi32, #tpu.memory_space<vmem>>) semaphore(%arg16 : memref<!tpu.dma_semaphore, #tpu.memory_space<semaphore_mem>>)
      %dma_wait3A_112 = arith.constant 0 : i32
      %dma_wait3A_113 = arith.constant 0 : i32
      %dma_wait3A_114 = tpu.memref_slice %arg15[%dma_wait3A_112, %dma_wait3A_113] : memref<10240x128xf32, #tpu.memory_space<vmem_shared>> -> memref<10240x128xf32, #tpu.memory_space<vmem_shared>>
      tpu.wait_indirect_dma semaphore(%arg20 : memref<!tpu.dma_semaphore, #tpu.memory_space<semaphore_mem>>) src(%arg13 : memref<80x128xf32, #tpu.memory_space<vmem>>) dst(%dma_wait3A_114 : memref<10240x128xf32, #tpu.memory_space<vmem_shared>>)
      %add3A_115 = arith.constant 80 : i32
      %add3A_116 = arith.addi %mul3A_101, %add3A_115 : i32
      %add3A_117 = arith.addi %mul3A_6, %add3A_116 : i32
      "tpu.region"() ({
        %run_scoped3A = tpu.sem_alloc : memref<!tpu.dma_semaphore, #tpu.memory_space<semaphore_mem>>
        %dma_start3A_132 = tpu.memref_slice %arg4[%add3A_117] : memref<320000xi32, #tpu.memory_space<hbm>> -> memref<80xi32, #tpu.memory_space<hbm>>
        %dma_start3A_133 = tpu.memref_slice %arg4[%add3A_117] : memref<320000xi32, #tpu.memory_space<hbm>> -> memref<80xi32, #tpu.memory_space<hbm>>
        tpu.enqueue_dma source(%dma_start3A_133 : memref<80xi32, #tpu.memory_space<hbm>>) target(%arg10 : memref<80xi32, #tpu.memory_space<vmem>>) target_semaphore(%run_scoped3A : memref<!tpu.dma_semaphore, #tpu.memory_space<semaphore_mem>>)
        %dma_wait3A_134 = tpu.memref_slice %arg4[%add3A_117] : memref<320000xi32, #tpu.memory_space<hbm>> -> memref<80xi32, #tpu.memory_space<hbm>>
        %dma_wait3A_135 = tpu.memref_slice %arg4[%add3A_117] : memref<320000xi32, #tpu.memory_space<hbm>> -> memref<80xi32, #tpu.memory_space<hbm>>
        tpu.wait_dma2 semaphore(%run_scoped3A : memref<!tpu.dma_semaphore, #tpu.memory_space<semaphore_mem>>) src(%dma_wait3A_135 : memref<80xi32, #tpu.memory_space<hbm>>) dst(%arg10 : memref<80xi32, #tpu.memory_space<vmem>>)
        tpu.yield
      }) : () -> ()
      %dma_start3A_118 = tpu.memref_slice %arg8[%add3A_116] : memref<10000xi32, #tpu.memory_space<vmem>> -> memref<80xi32, #tpu.memory_space<vmem>>
      %dma_start3A_119 = arith.constant 0 : i32
      %dma_start3A_120 = arith.constant 0 : i32
      %dma_start3A_121 = tpu.memref_slice %arg2[%dma_start3A_119, %dma_start3A_120] : memref<10000x128xf32, #tpu.memory_space<hbm>> -> memref<10000x128xf32, #tpu.memory_space<hbm>>
      tpu.enqueue_indirect_dma source(%dma_start3A_121 : memref<10000x128xf32, #tpu.memory_space<hbm>>) target(%arg13 : memref<80x128xf32, #tpu.memory_space<vmem>>) offsets(%dma_start3A_118 : memref<80xi32, #tpu.memory_space<vmem>>) semaphore(%arg17 : memref<!tpu.dma_semaphore, #tpu.memory_space<semaphore_mem>>)
      %dma_wait3A_122 = arith.constant 0 : i32
      %dma_wait3A_123 = arith.constant 0 : i32
      %dma_wait3A_124 = tpu.memref_slice %arg15[%dma_wait3A_122, %dma_wait3A_123] : memref<10240x128xf32, #tpu.memory_space<vmem_shared>> -> memref<10240x128xf32, #tpu.memory_space<vmem_shared>>
      tpu.wait_indirect_dma semaphore(%arg21 : memref<!tpu.dma_semaphore, #tpu.memory_space<semaphore_mem>>) src(%arg14 : memref<80x128xf32, #tpu.memory_space<vmem>>) dst(%dma_wait3A_124 : memref<10240x128xf32, #tpu.memory_space<vmem_shared>>)
      %add3A_125 = arith.constant 160 : i32
      %add3A_126 = arith.addi %mul3A_101, %add3A_125 : i32
      %add3A_127 = arith.addi %mul3A_6, %add3A_126 : i32
      "tpu.region"() ({
        %run_scoped3A = tpu.sem_alloc : memref<!tpu.dma_semaphore, #tpu.memory_space<semaphore_mem>>
        %dma_start3A_132 = tpu.memref_slice %arg4[%add3A_127] : memref<320000xi32, #tpu.memory_space<hbm>> -> memref<80xi32, #tpu.memory_space<hbm>>
        %dma_start3A_133 = tpu.memref_slice %arg4[%add3A_127] : memref<320000xi32, #tpu.memory_space<hbm>> -> memref<80xi32, #tpu.memory_space<hbm>>
        tpu.enqueue_dma source(%dma_start3A_133 : memref<80xi32, #tpu.memory_space<hbm>>) target(%arg11 : memref<80xi32, #tpu.memory_space<vmem>>) target_semaphore(%run_scoped3A : memref<!tpu.dma_semaphore, #tpu.memory_space<semaphore_mem>>)
        %dma_wait3A_134 = tpu.memref_slice %arg4[%add3A_127] : memref<320000xi32, #tpu.memory_space<hbm>> -> memref<80xi32, #tpu.memory_space<hbm>>
        %dma_wait3A_135 = tpu.memref_slice %arg4[%add3A_127] : memref<320000xi32, #tpu.memory_space<hbm>> -> memref<80xi32, #tpu.memory_space<hbm>>
        tpu.wait_dma2 semaphore(%run_scoped3A : memref<!tpu.dma_semaphore, #tpu.memory_space<semaphore_mem>>) src(%dma_wait3A_135 : memref<80xi32, #tpu.memory_space<hbm>>) dst(%arg11 : memref<80xi32, #tpu.memory_space<vmem>>)
        tpu.yield
      }) : () -> ()
      %dma_start3A_128 = tpu.memref_slice %arg8[%add3A_126] : memref<10000xi32, #tpu.memory_space<vmem>> -> memref<80xi32, #tpu.memory_space<vmem>>
      %dma_start3A_129 = arith.constant 0 : i32
      %dma_start3A_130 = arith.constant 0 : i32
      %dma_start3A_131 = tpu.memref_slice %arg2[%dma_start3A_129, %dma_start3A_130] : memref<10000x128xf32, #tpu.memory_space<hbm>> -> memref<10000x128xf32, #tpu.memory_space<hbm>>
      tpu.enqueue_indirect_dma source(%dma_start3A_131 : memref<10000x128xf32, #tpu.memory_space<hbm>>) target(%arg14 : memref<80x128xf32, #tpu.memory_space<vmem>>) offsets(%dma_start3A_128 : memref<80xi32, #tpu.memory_space<vmem>>) semaphore(%arg18 : memref<!tpu.dma_semaphore, #tpu.memory_space<semaphore_mem>>)
    }
    %scan3A_32 = arith.constant 41 : i32
    %dma_wait3A = arith.constant 0 : i32
    %dma_wait3A_33 = tpu.memref_slice %arg8[%dma_wait3A] : memref<10000xi32, #tpu.memory_space<vmem>> -> memref<80xi32, #tpu.memory_space<vmem>>
    %dma_wait3A_34 = arith.constant 0 : i32
    %dma_wait3A_35 = arith.constant 0 : i32
    %dma_wait3A_36 = tpu.memref_slice %arg2[%dma_wait3A_34, %dma_wait3A_35] : memref<10000x128xf32, #tpu.memory_space<hbm>> -> memref<10000x128xf32, #tpu.memory_space<hbm>>
    tpu.wait_indirect_dma semaphore(%arg16 : memref<!tpu.dma_semaphore, #tpu.memory_space<semaphore_mem>>) src(%dma_wait3A_36 : memref<10000x128xf32, #tpu.memory_space<hbm>>) dst(%arg12 : memref<80x128xf32, #tpu.memory_space<vmem>>)
    %dma_wait3A_37 = arith.constant 0 : i32
    %dma_wait3A_38 = tpu.memref_slice %arg8[%dma_wait3A_37] : memref<10000xi32, #tpu.memory_space<vmem>> -> memref<80xi32, #tpu.memory_space<vmem>>
    %dma_wait3A_39 = arith.constant 0 : i32
    %dma_wait3A_40 = arith.constant 0 : i32
    %dma_wait3A_41 = tpu.memref_slice %arg2[%dma_wait3A_39, %dma_wait3A_40] : memref<10000x128xf32, #tpu.memory_space<hbm>> -> memref<10000x128xf32, #tpu.memory_space<hbm>>
    tpu.wait_indirect_dma semaphore(%arg17 : memref<!tpu.dma_semaphore, #tpu.memory_space<semaphore_mem>>) src(%dma_wait3A_41 : memref<10000x128xf32, #tpu.memory_space<hbm>>) dst(%arg13 : memref<80x128xf32, #tpu.memory_space<vmem>>)
    %dma_wait3A_42 = arith.constant 0 : i32
    %dma_wait3A_43 = tpu.memref_slice %arg8[%dma_wait3A_42] : memref<10000xi32, #tpu.memory_space<vmem>> -> memref<80xi32, #tpu.memory_space<vmem>>
    %dma_wait3A_44 = arith.constant 0 : i32
    %dma_wait3A_45 = arith.constant 0 : i32
    %dma_wait3A_46 = tpu.memref_slice %arg2[%dma_wait3A_44, %dma_wait3A_45] : memref<10000x128xf32, #tpu.memory_space<hbm>> -> memref<10000x128xf32, #tpu.memory_space<hbm>>
    tpu.wait_indirect_dma semaphore(%arg18 : memref<!tpu.dma_semaphore, #tpu.memory_space<semaphore_mem>>) src(%dma_wait3A_46 : memref<10000x128xf32, #tpu.memory_space<hbm>>) dst(%arg14 : memref<80x128xf32, #tpu.memory_space<vmem>>)
    %add3A_47 = arith.constant 9840 : i32
    %add3A_48 = arith.addi %mul3A_6, %add3A_47 : i32
    "tpu.region"() ({
      %run_scoped3A = tpu.sem_alloc : memref<!tpu.dma_semaphore, #tpu.memory_space<semaphore_mem>>
      %dma_start3A_72 = tpu.memref_slice %arg4[%add3A_48] : memref<320000xi32, #tpu.memory_space<hbm>> -> memref<80xi32, #tpu.memory_space<hbm>>
      %dma_start3A_73 = tpu.memref_slice %arg4[%add3A_48] : memref<320000xi32, #tpu.memory_space<hbm>> -> memref<80xi32, #tpu.memory_space<hbm>>
      tpu.enqueue_dma source(%dma_start3A_73 : memref<80xi32, #tpu.memory_space<hbm>>) target(%arg9 : memref<80xi32, #tpu.memory_space<vmem>>) target_semaphore(%run_scoped3A : memref<!tpu.dma_semaphore, #tpu.memory_space<semaphore_mem>>)
      %dma_wait3A_74 = tpu.memref_slice %arg4[%add3A_48] : memref<320000xi32, #tpu.memory_space<hbm>> -> memref<80xi32, #tpu.memory_space<hbm>>
      %dma_wait3A_75 = tpu.memref_slice %arg4[%add3A_48] : memref<320000xi32, #tpu.memory_space<hbm>> -> memref<80xi32, #tpu.memory_space<hbm>>
      tpu.wait_dma2 semaphore(%run_scoped3A : memref<!tpu.dma_semaphore, #tpu.memory_space<semaphore_mem>>) src(%dma_wait3A_75 : memref<80xi32, #tpu.memory_space<hbm>>) dst(%arg9 : memref<80xi32, #tpu.memory_space<vmem>>)
      tpu.yield
    }) : () -> ()
    %dma_start3A_49 = arith.constant 9840 : i32
    %dma_start3A_50 = tpu.memref_slice %arg8[%dma_start3A_49] : memref<10000xi32, #tpu.memory_space<vmem>> -> memref<80xi32, #tpu.memory_space<vmem>>
    %dma_start3A_51 = arith.constant 0 : i32
    %dma_start3A_52 = arith.constant 0 : i32
    %dma_start3A_53 = tpu.memref_slice %arg2[%dma_start3A_51, %dma_start3A_52] : memref<10000x128xf32, #tpu.memory_space<hbm>> -> memref<10000x128xf32, #tpu.memory_space<hbm>>
    tpu.enqueue_indirect_dma source(%dma_start3A_53 : memref<10000x128xf32, #tpu.memory_space<hbm>>) target(%arg12 : memref<80x128xf32, #tpu.memory_space<vmem>>) offsets(%dma_start3A_50 : memref<80xi32, #tpu.memory_space<vmem>>) semaphore(%arg16 : memref<!tpu.dma_semaphore, #tpu.memory_space<semaphore_mem>>)
    %dma_wait3A_54 = arith.constant 0 : i32
    %dma_wait3A_55 = tpu.memref_slice %arg8[%dma_wait3A_54] : memref<10000xi32, #tpu.memory_space<vmem>> -> memref<80xi32, #tpu.memory_space<vmem>>
    %dma_wait3A_56 = arith.constant 0 : i32
    %dma_wait3A_57 = arith.constant 0 : i32
    %dma_wait3A_58 = tpu.memref_slice %arg2[%dma_wait3A_56, %dma_wait3A_57] : memref<10000x128xf32, #tpu.memory_space<hbm>> -> memref<10000x128xf32, #tpu.memory_space<hbm>>
    tpu.wait_indirect_dma semaphore(%arg16 : memref<!tpu.dma_semaphore, #tpu.memory_space<semaphore_mem>>) src(%dma_wait3A_58 : memref<10000x128xf32, #tpu.memory_space<hbm>>) dst(%arg12 : memref<80x128xf32, #tpu.memory_space<vmem>>)
    "tpu.region"() ({
      %run_scoped3A = tpu.sem_alloc : memref<!tpu.dma_semaphore, #tpu.memory_space<semaphore_mem>>
      %dma_start3A_72 = arith.constant 0 : i32
      %dma_start3A_73 = arith.constant 0 : i32
      %dma_start3A_74 = tpu.memref_slice %arg15[%dma_start3A_72, %dma_start3A_73] : memref<10240x128xf32, #tpu.memory_space<vmem_shared>> -> memref<10240x128xf32, #tpu.memory_space<vmem_shared>>
      tpu.enqueue_indirect_dma source(%arg12 : memref<80x128xf32, #tpu.memory_space<vmem>>) target(%dma_start3A_74 : memref<10240x128xf32, #tpu.memory_space<vmem_shared>>) offsets(%arg9 : memref<80xi32, #tpu.memory_space<vmem>>) semaphore(%run_scoped3A : memref<!tpu.dma_semaphore, #tpu.memory_space<semaphore_mem>>) {add = true}
      %dma_wait3A_75 = arith.constant 0 : i32
      %dma_wait3A_76 = arith.constant 0 : i32
      %dma_wait3A_77 = tpu.memref_slice %arg15[%dma_wait3A_75, %dma_wait3A_76] : memref<10240x128xf32, #tpu.memory_space<vmem_shared>> -> memref<10240x128xf32, #tpu.memory_space<vmem_shared>>
      tpu.wait_indirect_dma semaphore(%run_scoped3A : memref<!tpu.dma_semaphore, #tpu.memory_space<semaphore_mem>>) src(%arg12 : memref<80x128xf32, #tpu.memory_space<vmem>>) dst(%dma_wait3A_77 : memref<10240x128xf32, #tpu.memory_space<vmem_shared>>)
      tpu.yield
    }) : () -> ()
    %add3A_59 = arith.constant 9920 : i32
    %add3A_60 = arith.addi %mul3A_6, %add3A_59 : i32
    "tpu.region"() ({
      %run_scoped3A = tpu.sem_alloc : memref<!tpu.dma_semaphore, #tpu.memory_space<semaphore_mem>>
      %dma_start3A_72 = tpu.memref_slice %arg4[%add3A_60] : memref<320000xi32, #tpu.memory_space<hbm>> -> memref<80xi32, #tpu.memory_space<hbm>>
      %dma_start3A_73 = tpu.memref_slice %arg4[%add3A_60] : memref<320000xi32, #tpu.memory_space<hbm>> -> memref<80xi32, #tpu.memory_space<hbm>>
      tpu.enqueue_dma source(%dma_start3A_73 : memref<80xi32, #tpu.memory_space<hbm>>) target(%arg9 : memref<80xi32, #tpu.memory_space<vmem>>) target_semaphore(%run_scoped3A : memref<!tpu.dma_semaphore, #tpu.memory_space<semaphore_mem>>)
      %dma_wait3A_74 = tpu.memref_slice %arg4[%add3A_60] : memref<320000xi32, #tpu.memory_space<hbm>> -> memref<80xi32, #tpu.memory_space<hbm>>
      %dma_wait3A_75 = tpu.memref_slice %arg4[%add3A_60] : memref<320000xi32, #tpu.memory_space<hbm>> -> memref<80xi32, #tpu.memory_space<hbm>>
      tpu.wait_dma2 semaphore(%run_scoped3A : memref<!tpu.dma_semaphore, #tpu.memory_space<semaphore_mem>>) src(%dma_wait3A_75 : memref<80xi32, #tpu.memory_space<hbm>>) dst(%arg9 : memref<80xi32, #tpu.memory_space<vmem>>)
      tpu.yield
    }) : () -> ()
    %dma_start3A_61 = arith.constant 9920 : i32
    %dma_start3A_62 = tpu.memref_slice %arg8[%dma_start3A_61] : memref<10000xi32, #tpu.memory_space<vmem>> -> memref<80xi32, #tpu.memory_space<vmem>>
    %dma_start3A_63 = arith.constant 0 : i32
    %dma_start3A_64 = arith.constant 0 : i32
    %dma_start3A_65 = tpu.memref_slice %arg2[%dma_start3A_63, %dma_start3A_64] : memref<10000x128xf32, #tpu.memory_space<hbm>> -> memref<10000x128xf32, #tpu.memory_space<hbm>>
    tpu.enqueue_indirect_dma source(%dma_start3A_65 : memref<10000x128xf32, #tpu.memory_space<hbm>>) target(%arg12 : memref<80x128xf32, #tpu.memory_space<vmem>>) offsets(%dma_start3A_62 : memref<80xi32, #tpu.memory_space<vmem>>) semaphore(%arg16 : memref<!tpu.dma_semaphore, #tpu.memory_space<semaphore_mem>>)
    %dma_wait3A_66 = arith.constant 0 : i32
    %dma_wait3A_67 = tpu.memref_slice %arg8[%dma_wait3A_66] : memref<10000xi32, #tpu.memory_space<vmem>> -> memref<80xi32, #tpu.memory_space<vmem>>
    %dma_wait3A_68 = arith.constant 0 : i32
    %dma_wait3A_69 = arith.constant 0 : i32
    %dma_wait3A_70 = tpu.memref_slice %arg2[%dma_wait3A_68, %dma_wait3A_69] : memref<10000x128xf32, #tpu.memory_space<hbm>> -> memref<10000x128xf32, #tpu.memory_space<hbm>>
    tpu.wait_indirect_dma semaphore(%arg16 : memref<!tpu.dma_semaphore, #tpu.memory_space<semaphore_mem>>) src(%dma_wait3A_70 : memref<10000x128xf32, #tpu.memory_space<hbm>>) dst(%arg12 : memref<80x128xf32, #tpu.memory_space<vmem>>)
    "tpu.region"() ({
      %run_scoped3A = tpu.sem_alloc : memref<!tpu.dma_semaphore, #tpu.memory_space<semaphore_mem>>
      %dma_start3A_72 = arith.constant 0 : i32
      %dma_start3A_73 = arith.constant 0 : i32
      %dma_start3A_74 = tpu.memref_slice %arg15[%dma_start3A_72, %dma_start3A_73] : memref<10240x128xf32, #tpu.memory_space<vmem_shared>> -> memref<10240x128xf32, #tpu.memory_space<vmem_shared>>
      tpu.enqueue_indirect_dma source(%arg12 : memref<80x128xf32, #tpu.memory_space<vmem>>) target(%dma_start3A_74 : memref<10240x128xf32, #tpu.memory_space<vmem_shared>>) offsets(%arg9 : memref<80xi32, #tpu.memory_space<vmem>>) semaphore(%run_scoped3A : memref<!tpu.dma_semaphore, #tpu.memory_space<semaphore_mem>>) {add = true}
      %dma_wait3A_75 = arith.constant 0 : i32
      %dma_wait3A_76 = arith.constant 0 : i32
      %dma_wait3A_77 = tpu.memref_slice %arg15[%dma_wait3A_75, %dma_wait3A_76] : memref<10240x128xf32, #tpu.memory_space<vmem_shared>> -> memref<10240x128xf32, #tpu.memory_space<vmem_shared>>
      tpu.wait_indirect_dma semaphore(%run_scoped3A : memref<!tpu.dma_semaphore, #tpu.memory_space<semaphore_mem>>) src(%arg12 : memref<80x128xf32, #tpu.memory_space<vmem>>) dst(%dma_wait3A_77 : memref<10240x128xf32, #tpu.memory_space<vmem_shared>>)
      tpu.yield
    }) : () -> ()
    %barrier3A_71 = arith.constant 0 : index
    tpu.barrier barrier_id(%barrier3A_71)
    "tpu.region"() ({
      %run_scoped3A = tpu.sem_alloc : memref<!tpu.dma_semaphore, #tpu.memory_space<semaphore_mem>>
      %dma_start3A_72 = arith.constant 0 : i32
      %dma_start3A_73 = tpu.memref_slice %arg7[%arg0, %mul3A_2, %dma_start3A_72] : memref<2x10240x128xf32, #tpu.memory_space<hbm>> -> memref<1x640x128xf32, #tpu.memory_space<hbm>>
      %dma_start3A_74 = tpu.memref_squeeze %dma_start3A_73 : memref<1x640x128xf32, #tpu.memory_space<hbm>> -> memref<640x128xf32, #tpu.memory_space<hbm>>
      %dma_start3A_75 = arith.constant 0 : i32
      %dma_start3A_76 = tpu.memref_slice %arg15[%mul3A_2, %dma_start3A_75] : memref<10240x128xf32, #tpu.memory_space<vmem_shared>> -> memref<640x128xf32, #tpu.memory_space<vmem_shared>>
      tpu.enqueue_dma source(%dma_start3A_76 : memref<640x128xf32, #tpu.memory_space<vmem_shared>>) target(%dma_start3A_74 : memref<640x128xf32, #tpu.memory_space<hbm>>) target_semaphore(%run_scoped3A : memref<!tpu.dma_semaphore, #tpu.memory_space<semaphore_mem>>)
      %dma_wait3A_77 = arith.constant 0 : i32
      %dma_wait3A_78 = tpu.memref_slice %arg7[%arg0, %mul3A_2, %dma_wait3A_77] : memref<2x10240x128xf32, #tpu.memory_space<hbm>> -> memref<1x640x128xf32, #tpu.memory_space<hbm>>
      %dma_wait3A_79 = tpu.memref_squeeze %dma_wait3A_78 : memref<1x640x128xf32, #tpu.memory_space<hbm>> -> memref<640x128xf32, #tpu.memory_space<hbm>>
      %dma_wait3A_80 = arith.constant 0 : i32
      %dma_wait3A_81 = tpu.memref_slice %arg15[%mul3A_2, %dma_wait3A_80] : memref<10240x128xf32, #tpu.memory_space<vmem_shared>> -> memref<640x128xf32, #tpu.memory_space<vmem_shared>>
      tpu.wait_dma2 semaphore(%run_scoped3A : memref<!tpu.dma_semaphore, #tpu.memory_space<semaphore_mem>>) src(%dma_wait3A_81 : memref<640x128xf32, #tpu.memory_space<vmem_shared>>) dst(%dma_wait3A_79 : memref<640x128xf32, #tpu.memory_space<hbm>>)
      tpu.yield
    }) : () -> ()
    return
  }
}

module attributes {stable_mosaic.version = 14 : i64} {
  func.func @body(%arg0: i32, %arg1: memref<2x1000x128xf32, #tpu.memory_space<vmem>>, %arg2: memref<1000x1xf32, #tpu.memory_space<vmem>>, %arg3: memref<1000x128xf32, #tpu.memory_space<vmem>>, %arg4: memref<128x128xf32, #tpu.memory_space<vmem>>, %arg5: memref<128x128xf32, #tpu.memory_space<vmem>>, %arg6: memref<1x128xf32, #tpu.memory_space<vmem>>, %arg7: memref<1000x128xf32, #tpu.memory_space<vmem>>, %arg8: memref<1000x128xf32, #tpu.memory_space<vmem>>) attributes {dimension_semantics = [#tpu.dimension_semantics<arbitrary>], iteration_bounds = array<i64: 10>, scalar_prefetch = 0 : i64, scratch_operands = 0 : i64, tpu.core_type = #tpu.core_type<tc>, window_params = [{transform_indices = @transform_0, window_bounds = array<i64: 2, 1000, 128>}, {transform_indices = @transform_1, window_bounds = array<i64: 1000, 1>}, {transform_indices = @transform_2, window_bounds = array<i64: 1000, 128>}, {pipeline_mode = #tpu.pipeline_mode<synchronous>, transform_indices = @transform_3, window_bounds = array<i64: 128, 128>}, {pipeline_mode = #tpu.pipeline_mode<synchronous>, transform_indices = @transform_4, window_bounds = array<i64: 128, 128>}, {pipeline_mode = #tpu.pipeline_mode<synchronous>, transform_indices = @transform_5, window_bounds = array<i64: 1, 128>}, {transform_indices = @transform_6, window_bounds = array<i64: 1000, 128>}, {transform_indices = @transform_7, window_bounds = array<i64: 1000, 128>}]} {
    %get3A = arith.constant 0 : index
    %get3A_0 = arith.constant 0 : index
    %get3A_1 = arith.constant 0 : index
    %get3A_2 = vector.load %arg1[%get3A, %get3A_0, %get3A_1] : memref<2x1000x128xf32, #tpu.memory_space<vmem>>, vector<1x1000x128xf32>
    %get3A_3 = vector.shape_cast %get3A_2 : vector<1x1000x128xf32> to vector<1000x128xf32>
    %get3A_4 = arith.constant 1 : index
    %get3A_5 = arith.constant 0 : index
    %get3A_6 = arith.constant 0 : index
    %get3A_7 = vector.load %arg1[%get3A_4, %get3A_5, %get3A_6] : memref<2x1000x128xf32, #tpu.memory_space<vmem>>, vector<1x1000x128xf32>
    %get3A_8 = vector.shape_cast %get3A_7 : vector<1x1000x128xf32> to vector<1000x128xf32>
    %add3A = arith.addf %get3A_3, %get3A_8 : vector<1000x128xf32>
    %get3A_9 = arith.constant 0 : index
    %get3A_10 = arith.constant 0 : index
    %get3A_11 = vector.load %arg2[%get3A_9, %get3A_10] : memref<1000x1xf32, #tpu.memory_space<vmem>>, vector<1000x1xf32>
    %mul3A = vector.broadcast %get3A_11 : vector<1000x1xf32> to vector<1000x128xf32>
    %mul3A_12 = arith.mulf %add3A, %mul3A : vector<1000x128xf32>
    %get3A_13 = arith.constant 0 : index
    %get3A_14 = arith.constant 0 : index
    %get3A_15 = vector.load %arg3[%get3A_13, %get3A_14] : memref<1000x128xf32, #tpu.memory_space<vmem>>, vector<1000x128xf32>
    %add3A_16 = arith.addf %mul3A_12, %get3A_15 : vector<1000x128xf32>
    %max3A = arith.constant 0.000000e+00 : f32
    %max3A_17 = vector.broadcast %max3A : f32 to vector<1000x128xf32>
    %max3A_18 = arith.maximumf %add3A_16, %max3A_17 : vector<1000x128xf32>
    %get3A_19 = arith.constant 0 : index
    %get3A_20 = arith.constant 0 : index
    %get3A_21 = vector.load %arg4[%get3A_19, %get3A_20] : memref<128x128xf32, #tpu.memory_space<vmem>>, vector<128x128xf32>
    %dot_general3A = arith.constant dense<0.000000e+00> : vector<1000x128xf32>
    %dot_general3A_22 = tpu.matmul %max3A_18, %get3A_21, %dot_general3A {dimension_numbers = #tpu.dot_dimension_numbers<[1], [0], [0], [1], [0, 0, 1, 1], [], []>, transpose_lhs_hint = false} : vector<1000x128xf32>, vector<128x128xf32>, vector<1000x128xf32> -> vector<1000x128xf32>
    %swap3A = arith.constant 0 : index
    %swap3A_23 = arith.constant 0 : index
    %swap3A_24 = vector.load %arg7[%swap3A, %swap3A_23] : memref<1000x128xf32, #tpu.memory_space<vmem>>, vector<1000x128xf32>
    tpu.vector_store %arg7[%swap3A, %swap3A_23], %dot_general3A_22 {strides = array<i32>} : memref<1000x128xf32, #tpu.memory_space<vmem>>, vector<1000x128xf32>,
    %get3A_25 = arith.constant 0 : index
    %get3A_26 = arith.constant 0 : index
    %get3A_27 = vector.load %arg5[%get3A_25, %get3A_26] : memref<128x128xf32, #tpu.memory_space<vmem>>, vector<128x128xf32>
    %dot_general3A_28 = arith.constant dense<0.000000e+00> : vector<1000x128xf32>
    %dot_general3A_29 = tpu.matmul %max3A_18, %get3A_27, %dot_general3A_28 {dimension_numbers = #tpu.dot_dimension_numbers<[1], [0], [0], [1], [0, 0, 1, 1], [], []>, transpose_lhs_hint = false} : vector<1000x128xf32>, vector<128x128xf32>, vector<1000x128xf32> -> vector<1000x128xf32>
    %get3A_30 = arith.constant 0 : index
    %get3A_31 = arith.constant 0 : index
    %get3A_32 = vector.load %arg6[%get3A_30, %get3A_31] : memref<1x128xf32, #tpu.memory_space<vmem>>, vector<1x128xf32>
    %add3A_33 = vector.broadcast %get3A_32 : vector<1x128xf32> to vector<1000x128xf32>
    %add3A_34 = arith.addf %dot_general3A_29, %add3A_33 : vector<1000x128xf32>
    %swap3A_35 = arith.constant 0 : index
    %swap3A_36 = arith.constant 0 : index
    %swap3A_37 = vector.load %arg8[%swap3A_35, %swap3A_36] : memref<1000x128xf32, #tpu.memory_space<vmem>>, vector<1000x128xf32>
    tpu.vector_store %arg8[%swap3A_35, %swap3A_36], %add3A_34 {strides = array<i32>} : memref<1000x128xf32, #tpu.memory_space<vmem>>, vector<1000x128xf32>,
    return
  }
  func.func @transform_0(%arg0: i32) -> (i32, i32, i32) {
    %c0_i32 = arith.constant 0 : i32
    %c0_i32_0 = arith.constant 0 : i32
    %c0_i32_1 = arith.constant 0 : i32
    return %c0_i32, %arg0, %c0_i32_0 : i32, i32, i32
  }
  func.func @transform_1(%arg0: i32) -> (i32, i32) {
    %c0_i32 = arith.constant 0 : i32
    %c0_i32_0 = arith.constant 0 : i32
    return %arg0, %c0_i32 : i32, i32
  }
  func.func @transform_2(%arg0: i32) -> (i32, i32) {
    %c0_i32 = arith.constant 0 : i32
    %c0_i32_0 = arith.constant 0 : i32
    return %arg0, %c0_i32 : i32, i32
  }
  func.func @transform_3(%arg0: i32) -> (i32, i32) {
    %c0_i32 = arith.constant 0 : i32
    %c0_i32_0 = arith.constant 0 : i32
    %c0_i32_1 = arith.constant 0 : i32
    return %c0_i32, %c0_i32_0 : i32, i32
  }
  func.func @transform_4(%arg0: i32) -> (i32, i32) {
    %c0_i32 = arith.constant 0 : i32
    %c0_i32_0 = arith.constant 0 : i32
    %c0_i32_1 = arith.constant 0 : i32
    return %c0_i32, %c0_i32_0 : i32, i32
  }
  func.func @transform_5(%arg0: i32) -> (i32, i32) {
    %c0_i32 = arith.constant 0 : i32
    %c0_i32_0 = arith.constant 0 : i32
    %c0_i32_1 = arith.constant 0 : i32
    return %c0_i32, %c0_i32_0 : i32, i32
  }
  func.func @transform_6(%arg0: i32) -> (i32, i32) {
    %c0_i32 = arith.constant 0 : i32
    %c0_i32_0 = arith.constant 0 : i32
    return %arg0, %c0_i32 : i32, i32
  }
  func.func @transform_7(%arg0: i32) -> (i32, i32) {
    %c0_i32 = arith.constant 0 : i32
    %c0_i32_0 = arith.constant 0 : i32
    return %arg0, %c0_i32 : i32, i32
  }
}

module attributes {stable_mosaic.version = 14 : i64} {
  func.func @body(%arg0: i32, %arg1: memref<1000x128xf32, #tpu.memory_space<vmem>>, %arg2: memref<128x128xf32, #tpu.memory_space<vmem>>, %arg3: memref<128x128xf32, #tpu.memory_space<vmem>>, %arg4: memref<1x128xf32, #tpu.memory_space<vmem>>, %arg5: memref<1000x128xf32, #tpu.memory_space<vmem>>, %arg6: memref<1000x128xf32, #tpu.memory_space<vmem>>) attributes {dimension_semantics = [#tpu.dimension_semantics<arbitrary>], iteration_bounds = array<i64: 10>, scalar_prefetch = 0 : i64, scratch_operands = 0 : i64, tpu.core_type = #tpu.core_type<tc>, window_params = [{transform_indices = @transform_0, window_bounds = array<i64: 1000, 128>}, {pipeline_mode = #tpu.pipeline_mode<synchronous>, transform_indices = @transform_1, window_bounds = array<i64: 128, 128>}, {pipeline_mode = #tpu.pipeline_mode<synchronous>, transform_indices = @transform_2, window_bounds = array<i64: 128, 128>}, {pipeline_mode = #tpu.pipeline_mode<synchronous>, transform_indices = @transform_3, window_bounds = array<i64: 1, 128>}, {transform_indices = @transform_4, window_bounds = array<i64: 1000, 128>}, {transform_indices = @transform_5, window_bounds = array<i64: 1000, 128>}]} {
    %get3A = arith.constant 0 : index
    %get3A_0 = arith.constant 0 : index
    %get3A_1 = vector.load %arg1[%get3A, %get3A_0] : memref<1000x128xf32, #tpu.memory_space<vmem>>, vector<1000x128xf32>
    %get3A_2 = arith.constant 0 : index
    %get3A_3 = arith.constant 0 : index
    %get3A_4 = vector.load %arg2[%get3A_2, %get3A_3] : memref<128x128xf32, #tpu.memory_space<vmem>>, vector<128x128xf32>
    %dot_general3A = arith.constant dense<0.000000e+00> : vector<1000x128xf32>
    %dot_general3A_5 = tpu.matmul %get3A_1, %get3A_4, %dot_general3A {dimension_numbers = #tpu.dot_dimension_numbers<[1], [0], [0], [1], [0, 0, 1, 1], [], []>, transpose_lhs_hint = false} : vector<1000x128xf32>, vector<128x128xf32>, vector<1000x128xf32> -> vector<1000x128xf32>
    %swap3A = arith.constant 0 : index
    %swap3A_6 = arith.constant 0 : index
    %swap3A_7 = vector.load %arg5[%swap3A, %swap3A_6] : memref<1000x128xf32, #tpu.memory_space<vmem>>, vector<1000x128xf32>
    tpu.vector_store %arg5[%swap3A, %swap3A_6], %dot_general3A_5 {strides = array<i32>} : memref<1000x128xf32, #tpu.memory_space<vmem>>, vector<1000x128xf32>,
    %get3A_8 = arith.constant 0 : index
    %get3A_9 = arith.constant 0 : index
    %get3A_10 = vector.load %arg3[%get3A_8, %get3A_9] : memref<128x128xf32, #tpu.memory_space<vmem>>, vector<128x128xf32>
    %dot_general3A_11 = arith.constant dense<0.000000e+00> : vector<1000x128xf32>
    %dot_general3A_12 = tpu.matmul %get3A_1, %get3A_10, %dot_general3A_11 {dimension_numbers = #tpu.dot_dimension_numbers<[1], [0], [0], [1], [0, 0, 1, 1], [], []>, transpose_lhs_hint = false} : vector<1000x128xf32>, vector<128x128xf32>, vector<1000x128xf32> -> vector<1000x128xf32>
    %get3A_13 = arith.constant 0 : index
    %get3A_14 = arith.constant 0 : index
    %get3A_15 = vector.load %arg4[%get3A_13, %get3A_14] : memref<1x128xf32, #tpu.memory_space<vmem>>, vector<1x128xf32>
    %add3A = vector.broadcast %get3A_15 : vector<1x128xf32> to vector<1000x128xf32>
    %add3A_16 = arith.addf %dot_general3A_12, %add3A : vector<1000x128xf32>
    %swap3A_17 = arith.constant 0 : index
    %swap3A_18 = arith.constant 0 : index
    %swap3A_19 = vector.load %arg6[%swap3A_17, %swap3A_18] : memref<1000x128xf32, #tpu.memory_space<vmem>>, vector<1000x128xf32>
    tpu.vector_store %arg6[%swap3A_17, %swap3A_18], %add3A_16 {strides = array<i32>} : memref<1000x128xf32, #tpu.memory_space<vmem>>, vector<1000x128xf32>,
    return
  }
  func.func @transform_0(%arg0: i32) -> (i32, i32) {
    %c0_i32 = arith.constant 0 : i32
    %c0_i32_0 = arith.constant 0 : i32
    return %arg0, %c0_i32 : i32, i32
  }
  func.func @transform_1(%arg0: i32) -> (i32, i32) {
    %c0_i32 = arith.constant 0 : i32
    %c0_i32_0 = arith.constant 0 : i32
    %c0_i32_1 = arith.constant 0 : i32
    return %c0_i32, %c0_i32_0 : i32, i32
  }
  func.func @transform_2(%arg0: i32) -> (i32, i32) {
    %c0_i32 = arith.constant 0 : i32
    %c0_i32_0 = arith.constant 0 : i32
    %c0_i32_1 = arith.constant 0 : i32
    return %c0_i32, %c0_i32_0 : i32, i32
  }
  func.func @transform_3(%arg0: i32) -> (i32, i32) {
    %c0_i32 = arith.constant 0 : i32
    %c0_i32_0 = arith.constant 0 : i32
    %c0_i32_1 = arith.constant 0 : i32
    return %c0_i32, %c0_i32_0 : i32, i32
  }
  func.func @transform_4(%arg0: i32) -> (i32, i32) {
    %c0_i32 = arith.constant 0 : i32
    %c0_i32_0 = arith.constant 0 : i32
    return %arg0, %c0_i32 : i32, i32
  }
  func.func @transform_5(%arg0: i32) -> (i32, i32) {
    %c0_i32 = arith.constant 0 : i32
    %c0_i32_0 = arith.constant 0 : i32
    return %arg0, %c0_i32 : i32, i32
  }
}

module attributes {stable_mosaic.version = 14 : i64} {
  func.func @body(%arg0: i32, %arg1: memref<2x1000x128xf32, #tpu.memory_space<vmem>>, %arg2: memref<1000x1xf32, #tpu.memory_space<vmem>>, %arg3: memref<1000x128xf32, #tpu.memory_space<vmem>>, %arg4: memref<128x64xf32, #tpu.memory_space<vmem>>, %arg5: memref<128x64xf32, #tpu.memory_space<vmem>>, %arg6: memref<1x64xf32, #tpu.memory_space<vmem>>, %arg7: memref<1000x128xf32, #tpu.memory_space<vmem>>, %arg8: memref<1000x64xf32, #tpu.memory_space<vmem>>) attributes {dimension_semantics = [#tpu.dimension_semantics<arbitrary>], iteration_bounds = array<i64: 10>, scalar_prefetch = 0 : i64, scratch_operands = 0 : i64, tpu.core_type = #tpu.core_type<tc>, window_params = [{transform_indices = @transform_0, window_bounds = array<i64: 2, 1000, 128>}, {transform_indices = @transform_1, window_bounds = array<i64: 1000, 1>}, {transform_indices = @transform_2, window_bounds = array<i64: 1000, 128>}, {pipeline_mode = #tpu.pipeline_mode<synchronous>, transform_indices = @transform_3, window_bounds = array<i64: 128, 64>}, {pipeline_mode = #tpu.pipeline_mode<synchronous>, transform_indices = @transform_4, window_bounds = array<i64: 128, 64>}, {pipeline_mode = #tpu.pipeline_mode<synchronous>, transform_indices = @transform_5, window_bounds = array<i64: 1, 64>}, {transform_indices = @transform_6, window_bounds = array<i64: 1000, 128>}, {transform_indices = @transform_7, window_bounds = array<i64: 1000, 64>}]} {
    %get3A = arith.constant 0 : index
    %get3A_0 = arith.constant 0 : index
    %get3A_1 = arith.constant 0 : index
    %get3A_2 = vector.load %arg1[%get3A, %get3A_0, %get3A_1] : memref<2x1000x128xf32, #tpu.memory_space<vmem>>, vector<1x1000x128xf32>
    %get3A_3 = vector.shape_cast %get3A_2 : vector<1x1000x128xf32> to vector<1000x128xf32>
    %get3A_4 = arith.constant 1 : index
    %get3A_5 = arith.constant 0 : index
    %get3A_6 = arith.constant 0 : index
    %get3A_7 = vector.load %arg1[%get3A_4, %get3A_5, %get3A_6] : memref<2x1000x128xf32, #tpu.memory_space<vmem>>, vector<1x1000x128xf32>
    %get3A_8 = vector.shape_cast %get3A_7 : vector<1x1000x128xf32> to vector<1000x128xf32>
    %add3A = arith.addf %get3A_3, %get3A_8 : vector<1000x128xf32>
    %get3A_9 = arith.constant 0 : index
    %get3A_10 = arith.constant 0 : index
    %get3A_11 = vector.load %arg2[%get3A_9, %get3A_10] : memref<1000x1xf32, #tpu.memory_space<vmem>>, vector<1000x1xf32>
    %mul3A = vector.broadcast %get3A_11 : vector<1000x1xf32> to vector<1000x128xf32>
    %mul3A_12 = arith.mulf %add3A, %mul3A : vector<1000x128xf32>
    %get3A_13 = arith.constant 0 : index
    %get3A_14 = arith.constant 0 : index
    %get3A_15 = vector.load %arg3[%get3A_13, %get3A_14] : memref<1000x128xf32, #tpu.memory_space<vmem>>, vector<1000x128xf32>
    %add3A_16 = arith.addf %mul3A_12, %get3A_15 : vector<1000x128xf32>
    %max3A = arith.constant 0.000000e+00 : f32
    %max3A_17 = vector.broadcast %max3A : f32 to vector<1000x128xf32>
    %max3A_18 = arith.maximumf %add3A_16, %max3A_17 : vector<1000x128xf32>
    %swap3A = arith.constant 0 : index
    %swap3A_19 = arith.constant 0 : index
    %swap3A_20 = vector.load %arg7[%swap3A, %swap3A_19] : memref<1000x128xf32, #tpu.memory_space<vmem>>, vector<1000x128xf32>
    tpu.vector_store %arg7[%swap3A, %swap3A_19], %max3A_18 {strides = array<i32>} : memref<1000x128xf32, #tpu.memory_space<vmem>>, vector<1000x128xf32>,
    %get3A_21 = arith.constant 0 : index
    %get3A_22 = arith.constant 0 : index
    %get3A_23 = vector.load %arg5[%get3A_21, %get3A_22] : memref<128x64xf32, #tpu.memory_space<vmem>>, vector<128x64xf32>
    %dot_general3A = arith.constant dense<0.000000e+00> : vector<1000x64xf32>
    %dot_general3A_24 = tpu.matmul %max3A_18, %get3A_23, %dot_general3A {dimension_numbers = #tpu.dot_dimension_numbers<[1], [0], [0], [1], [0, 0, 1, 1], [], []>, transpose_lhs_hint = false} : vector<1000x128xf32>, vector<128x64xf32>, vector<1000x64xf32> -> vector<1000x64xf32>
    %get3A_25 = arith.constant 0 : index
    %get3A_26 = arith.constant 0 : index
    %get3A_27 = vector.load %arg6[%get3A_25, %get3A_26] : memref<1x64xf32, #tpu.memory_space<vmem>>, vector<1x64xf32>
    %add3A_28 = vector.broadcast %get3A_27 : vector<1x64xf32> to vector<1000x64xf32>
    %add3A_29 = arith.addf %dot_general3A_24, %add3A_28 : vector<1000x64xf32>
    %swap3A_30 = arith.constant 0 : index
    %swap3A_31 = arith.constant 0 : index
    %swap3A_32 = vector.load %arg8[%swap3A_30, %swap3A_31] : memref<1000x64xf32, #tpu.memory_space<vmem>>, vector<1000x64xf32>
    tpu.vector_store %arg8[%swap3A_30, %swap3A_31], %add3A_29 {strides = array<i32>} : memref<1000x64xf32, #tpu.memory_space<vmem>>, vector<1000x64xf32>,
    return
  }
  func.func @transform_0(%arg0: i32) -> (i32, i32, i32) {
    %c0_i32 = arith.constant 0 : i32
    %c0_i32_0 = arith.constant 0 : i32
    %c0_i32_1 = arith.constant 0 : i32
    return %c0_i32, %arg0, %c0_i32_0 : i32, i32, i32
  }
  func.func @transform_1(%arg0: i32) -> (i32, i32) {
    %c0_i32 = arith.constant 0 : i32
    %c0_i32_0 = arith.constant 0 : i32
    return %arg0, %c0_i32 : i32, i32
  }
  func.func @transform_2(%arg0: i32) -> (i32, i32) {
    %c0_i32 = arith.constant 0 : i32
    %c0_i32_0 = arith.constant 0 : i32
    return %arg0, %c0_i32 : i32, i32
  }
  func.func @transform_3(%arg0: i32) -> (i32, i32) {
    %c0_i32 = arith.constant 0 : i32
    %c0_i32_0 = arith.constant 0 : i32
    %c0_i32_1 = arith.constant 0 : i32
    return %c0_i32, %c0_i32_0 : i32, i32
  }
  func.func @transform_4(%arg0: i32) -> (i32, i32) {
    %c0_i32 = arith.constant 0 : i32
    %c0_i32_0 = arith.constant 0 : i32
    %c0_i32_1 = arith.constant 0 : i32
    return %c0_i32, %c0_i32_0 : i32, i32
  }
  func.func @transform_5(%arg0: i32) -> (i32, i32) {
    %c0_i32 = arith.constant 0 : i32
    %c0_i32_0 = arith.constant 0 : i32
    %c0_i32_1 = arith.constant 0 : i32
    return %c0_i32, %c0_i32_0 : i32, i32
  }
  func.func @transform_6(%arg0: i32) -> (i32, i32) {
    %c0_i32 = arith.constant 0 : i32
    %c0_i32_0 = arith.constant 0 : i32
    return %arg0, %c0_i32 : i32, i32
  }
  func.func @transform_7(%arg0: i32) -> (i32, i32) {
    %c0_i32 = arith.constant 0 : i32
    %c0_i32_0 = arith.constant 0 : i32
    return %arg0, %c0_i32 : i32, i32
  }
}

module attributes {stable_mosaic.version = 14 : i64} {
  func.func @body(%arg0: i32, %arg1: memref<2x1000x128xf32, #tpu.memory_space<vmem>>, %arg2: memref<1000x1xf32, #tpu.memory_space<vmem>>, %arg3: memref<1000x64xf32, #tpu.memory_space<vmem>>, %arg4: memref<128x64xf32, #tpu.memory_space<vmem>>, %arg5: memref<1000x64xf32, #tpu.memory_space<vmem>>) attributes {dimension_semantics = [#tpu.dimension_semantics<arbitrary>], iteration_bounds = array<i64: 10>, scalar_prefetch = 0 : i64, scratch_operands = 0 : i64, tpu.core_type = #tpu.core_type<tc>, window_params = [{transform_indices = @transform_0, window_bounds = array<i64: 2, 1000, 128>}, {transform_indices = @transform_1, window_bounds = array<i64: 1000, 1>}, {transform_indices = @transform_2, window_bounds = array<i64: 1000, 64>}, {pipeline_mode = #tpu.pipeline_mode<synchronous>, transform_indices = @transform_3, window_bounds = array<i64: 128, 64>}, {transform_indices = @transform_4, window_bounds = array<i64: 1000, 64>}]} {
    %get3A = arith.constant 0 : index
    %get3A_0 = arith.constant 0 : index
    %get3A_1 = arith.constant 0 : index
    %get3A_2 = vector.load %arg1[%get3A, %get3A_0, %get3A_1] : memref<2x1000x128xf32, #tpu.memory_space<vmem>>, vector<1x1000x128xf32>
    %get3A_3 = vector.shape_cast %get3A_2 : vector<1x1000x128xf32> to vector<1000x128xf32>
    %get3A_4 = arith.constant 1 : index
    %get3A_5 = arith.constant 0 : index
    %get3A_6 = arith.constant 0 : index
    %get3A_7 = vector.load %arg1[%get3A_4, %get3A_5, %get3A_6] : memref<2x1000x128xf32, #tpu.memory_space<vmem>>, vector<1x1000x128xf32>
    %get3A_8 = vector.shape_cast %get3A_7 : vector<1x1000x128xf32> to vector<1000x128xf32>
    %add3A = arith.addf %get3A_3, %get3A_8 : vector<1000x128xf32>
    %get3A_9 = arith.constant 0 : index
    %get3A_10 = arith.constant 0 : index
    %get3A_11 = vector.load %arg2[%get3A_9, %get3A_10] : memref<1000x1xf32, #tpu.memory_space<vmem>>, vector<1000x1xf32>
    %mul3A = vector.broadcast %get3A_11 : vector<1000x1xf32> to vector<1000x128xf32>
    %mul3A_12 = arith.mulf %add3A, %mul3A : vector<1000x128xf32>
    %get3A_13 = arith.constant 0 : index
    %get3A_14 = arith.constant 0 : index
    %get3A_15 = vector.load %arg4[%get3A_13, %get3A_14] : memref<128x64xf32, #tpu.memory_space<vmem>>, vector<128x64xf32>
    %dot_general3A = arith.constant dense<0.000000e+00> : vector<1000x64xf32>
    %dot_general3A_16 = tpu.matmul %mul3A_12, %get3A_15, %dot_general3A {dimension_numbers = #tpu.dot_dimension_numbers<[1], [0], [0], [1], [0, 0, 1, 1], [], []>, transpose_lhs_hint = false} : vector<1000x128xf32>, vector<128x64xf32>, vector<1000x64xf32> -> vector<1000x64xf32>
    %get3A_17 = arith.constant 0 : index
    %get3A_18 = arith.constant 0 : index
    %get3A_19 = vector.load %arg3[%get3A_17, %get3A_18] : memref<1000x64xf32, #tpu.memory_space<vmem>>, vector<1000x64xf32>
    %add3A_20 = arith.addf %dot_general3A_16, %get3A_19 : vector<1000x64xf32>
    %swap3A = arith.constant 0 : index
    %swap3A_21 = arith.constant 0 : index
    %swap3A_22 = vector.load %arg5[%swap3A, %swap3A_21] : memref<1000x64xf32, #tpu.memory_space<vmem>>, vector<1000x64xf32>
    tpu.vector_store %arg5[%swap3A, %swap3A_21], %add3A_20 {strides = array<i32>} : memref<1000x64xf32, #tpu.memory_space<vmem>>, vector<1000x64xf32>,
    return
  }
  func.func @transform_0(%arg0: i32) -> (i32, i32, i32) {
    %c0_i32 = arith.constant 0 : i32
    %c0_i32_0 = arith.constant 0 : i32
    %c0_i32_1 = arith.constant 0 : i32
    return %c0_i32, %arg0, %c0_i32_0 : i32, i32, i32
  }
  func.func @transform_1(%arg0: i32) -> (i32, i32) {
    %c0_i32 = arith.constant 0 : i32
    %c0_i32_0 = arith.constant 0 : i32
    return %arg0, %c0_i32 : i32, i32
  }
  func.func @transform_2(%arg0: i32) -> (i32, i32) {
    %c0_i32 = arith.constant 0 : i32
    %c0_i32_0 = arith.constant 0 : i32
    return %arg0, %c0_i32 : i32, i32
  }
  func.func @transform_3(%arg0: i32) -> (i32, i32) {
    %c0_i32 = arith.constant 0 : i32
    %c0_i32_0 = arith.constant 0 : i32
    %c0_i32_1 = arith.constant 0 : i32
    return %c0_i32, %c0_i32_0 : i32, i32
  }
  func.func @transform_4(%arg0: i32) -> (i32, i32) {
    %c0_i32 = arith.constant 0 : i32
    %c0_i32_0 = arith.constant 0 : i32
    return %arg0, %c0_i32 : i32, i32
  }
}

</mosaic_0001>

<sc_bundles>
// kernel: kernel.10.cloned.1.call-start
scs
__scs_entry_jumppad:
0x0: {  	(pc) =	sbr.rel $0x88, $3  }
0x1: {  	(tag) =	ssettag $0x0;
	lr =	simm.s32 $0x1  }
0x2: {  	[smem:$0x3F96] =	sst lr;
	_ =	strace $0xD0000000  }
0x3: {  	_ = 	snop  }
0x4: {  	_ = 	snop  }
0x5: {  	_ = 	snop  }
0x6: {  	_ = 	snop  }
0x7: {  	_ = 	snop  }
__scs_overlays_trampoline_lowered:
0x8: {  	[smem:$0x3FA5] =	sst s0  }
0x9: {  	[smem:$0x3FA6] =	sst s1  }
0xa: {  	[smem:$0x3FA7] =	sst s2  }
0xb: {  	[smem:$0x3FA8] =	sst s3  }
0xc: {  	[smem:$0x3FA9] =	sst s4  }
0xd: {  	[smem:$0x3FAA] =	sst s5  }
0xe: {  	[smem:$0x3FAB] =	sst s6  }
0xf: {  	[smem:$0x3FAC] =	sst s7  }
0x10: {  	[smem:$0x3FAD] =	sst s8  }
0x11: {  	[smem:$0x3FAE] =	sst s9;
	s0 =	simm.s32 @!p0 $0x0  }
0x12: {  	s1 =	sld [smem:$0x3F94];
	s0 =	simm.s32 @p0 $0x1  }
0x13: {  	[smem:$0x3FAF] =	sst s0;
	s0 =	simm.s32 @!p1 $0x0  }
0x14: {  	s2 =	sld [smem:$0x3F93];
	s0 =	simm.s32 @p1 $0x1  }
0x15: {  	[smem:$0x3FB0] =	sst s0;
	s0 =	simm.s32 @!p2 $0x0  }
0x16: {  	s3 =	sld [smem:$0x3FDB];
	s0 =	simm.s32 @p2 $0x1  }
0x17: {  	s4 =	simm.s32 $0x1BF5;
	[smem:$0x3FB2] =	sst s0  }
0x18: {  	s0 =	sld [smem:$0x3F95];
	_ =	swait.ge [sflag:s4], $0x0  }
0x19: {  	s7 =	sld [smem:$0x3F96]  }
0x1a: {  	s8 =	sadd.s32 $0xFFFFE003, lr  }
0x1b: {  	s9 =	sadd.s32 $0xFFFFFEF7, lr;
	s5 =	simm.s32 $0xFFFFFFFF;
	p2 =	slt.u32 s8, $0xFFFFF086  }
0x1c: {  	p1 =	slt.u32 s9, $0xF7A;
	s5 =	simm.s32 @!p2 $0x0  }
0x1d: {  	s5 =	simm.s32 @p1 $0x1;
	p0 =	seq.s32 s7, s2  }
0x1e: {  	s7 =	smul.u32 @!p0 $0xF7A, s2;
	p2 =	seq.s32 @!p0 s5, $0x0  }
0x1f: {  	s9 =	smul.u32 $0xF7A, s1;
	s8 =	simm.s32 @!p0 $0x1BF5;
	p2 =	por !p2, p0  }
0x20: {  	[sflag:s8] =	ssyncset.s32 @!p0 $0xFFFFF086;
	s6 =	sadd.s32 @!p0 s3, s7;
	s7 =	simm.s32 @!p0 $0x108  }
0x21: {  	s3 =	sadd.s32 s3, s9;
	s6 =	sadd.s32 @!p0 $0x88, s6;
	s7 =	simm.s32 @p2 $0x1082  }
0x22: {  	[simem:s7], [sflag:s8] =	dma.local @!p0 [hbm:s6], $0xF7A  }
0x23: {  	s9 =	sor.u32 $0xD0000000, s2;
	s6 =	simm.s32 $0x108;
	_ =	swait.ge @!p0 [sflag:s8], $0x0  }
0x24: {  	s3 =	sadd.s32 $0x88, s3;
	s6 =	simm.s32 @!p1 $0x1082;
	[sflag:s4] =	ssyncset.s32 $0xFFFFF086  }
0x25: {  	[simem:s6], [sflag:s4] =	dma.local [hbm:s3], $0xF7A  }
0x26: {  	[smem:$0x3F96] =	sst s1;
	(tag) =	ssettag s2;
	_ =	strace s9  }
0x27: {  	s1 =	sld [smem:$0x3FA6]  }
0x28: {  	s2 =	sld [smem:$0x3FA7]  }
0x29: {  	s4 =	sld [smem:$0x3FA9]  }
0x2a: {  	p0 =	seq.s32 s5, $0x0;
	s5 =	sld [smem:$0x3FAA]  }
0x2b: {  	s6 =	sld [smem:$0x3FAB]  }
0x2c: {  	s7 =	sld [smem:$0x3FAC]  }
0x2d: {  	s3 =	simm.s32 $0x108;
	s8 =	sld [smem:$0x3FAD]  }
0x2e: {  	s3 =	simm.s32 @!p0 $0x1082;
	s9 =	sld [smem:$0x3FAE]  }
0x2f: {  	lr =	sadd.s32 s0, s3;
	s0 =	sld [smem:$0x3FA5]  }
0x30: {  	s3 =	sld [smem:$0x3FA8]  }
0x31: {  	[smem:$0x3FB1] =	sst s10  }
0x32: {  	s10 =	sld [smem:$0x3FAF];
	_ =	sdelay $0x3  }
0x33: {  	p0 =	seq.s32 s10, $0x1;
	s10 =	sld [smem:$0x3FB1];
	_ =	sdelay $0x3  }
0x34: {  	[smem:$0x3FB1] =	sst s10  }
0x35: {  	s10 =	sld [smem:$0x3FB0];
	_ =	sdelay $0x3  }
0x36: {  	p1 =	seq.s32 s10, $0x1;
	s10 =	sld [smem:$0x3FB1];
	_ =	sdelay $0x3  }
0x37: {  	[smem:$0x3FB1] =	sst s10  }
0x38: {  	s10 =	sld [smem:$0x3FB2]  }
0x39: {  	_ = 	snop;
	(pc) =	sbr.ind lr, $3  }
0x3a: {  	_ = 	snop  }
0x3b: {  	_ = 	snop  }
0x3c: {  	p2 =	seq.s32 s10, $0x1;
	s10 =	sld [smem:$0x3FB1]  }
0x3d: {  	_ =	shalt  }
0x3e: {  	_ =	shalt  }
0x3f: {  	_ =	shalt  }
0x40: {  	_ =	shalt  }
0x41: {  	_ =	shalt  }
0x42: {  	_ =	shalt  }
0x43: {  	_ =	shalt  }
0x44: {  	_ =	shalt  }
0x45: {  	_ =	shalt  }
0x46: {  	_ =	shalt  }
0x47: {  	_ =	shalt  }
0x48: {  	_ =	shalt  }
0x49: {  	_ =	shalt  }
0x4a: {  	_ =	shalt  }
0x4b: {  	_ =	shalt  }
0x4c: {  	_ =	shalt  }
0x4d: {  	_ =	shalt  }
0x4e: {  	_ =	shalt  }
0x4f: {  	_ =	shalt  }
0x50: {  	_ =	shalt  }
0x51: {  	_ =	shalt  }
0x52: {  	_ =	shalt  }
0x53: {  	_ =	shalt  }
0x54: {  	_ =	shalt  }
0x55: {  	_ =	shalt  }
0x56: {  	_ =	shalt  }
0x57: {  	_ =	shalt  }
0x58: {  	_ =	shalt  }
0x59: {  	_ =	shalt  }
0x5a: {  	_ =	shalt  }
0x5b: {  	_ =	shalt  }
0x5c: {  	_ =	shalt  }
0x5d: {  	_ =	shalt  }
0x5e: {  	_ =	shalt  }
0x5f: {  	_ =	shalt  }
0x60: {  	_ =	shalt  }
0x61: {  	_ =	shalt  }
0x62: {  	_ =	shalt  }
0x63: {  	_ =	shalt  }
0x64: {  	_ =	shalt  }
0x65: {  	_ =	shalt  }
0x66: {  	_ =	shalt  }
0x67: {  	_ =	shalt  }
0x68: {  	_ =	shalt  }
0x69: {  	_ =	shalt  }
0x6a: {  	_ =	shalt  }
0x6b: {  	_ =	shalt  }
0x6c: {  	_ =	shalt  }
0x6d: {  	_ =	shalt  }
0x6e: {  	_ =	shalt  }
0x6f: {  	_ =	shalt  }
0x70: {  	_ =	shalt  }
0x71: {  	_ =	shalt  }
0x72: {  	_ =	shalt  }
0x73: {  	_ =	shalt  }
0x74: {  	_ =	shalt  }
0x75: {  	_ =	shalt  }
0x76: {  	_ =	shalt  }
0x77: {  	_ =	shalt  }
0x78: {  	_ =	shalt  }
0x79: {  	_ =	shalt  }
0x7a: {  	_ =	shalt  }
0x7b: {  	_ =	shalt  }
0x7c: {  	_ =	shalt  }
0x7d: {  	_ =	shalt  }
0x7e: {  	_ =	shalt  }
0x7f: {  	_ =	shalt  }
0x80: {  	_ =	shalt  }
0x81: {  	_ =	shalt  }
0x82: {  	_ =	shalt  }
0x83: {  	_ =	shalt  }
0x84: {  	_ =	shalt  }
0x85: {  	_ =	shalt  }
0x86: {  	_ =	shalt  }
0x87: {  	_ =	shalt  }
.Lfunc_end0:
.L_simem_size_0:
called_computation_lowered:
.L_overlay_start_0:
0x88: {  	s2 =	sld [smem:$0x3FD9]  }
0x89: {  	s3 =	sld [smem:$0x3FFE];
	_ =	sdelay $0x1  }
0x8a: {  	s1 =	srdreg.scid  }
0x8b: {  	s0 =	sand.u32 $0x1, s1  }
0x8c: {  	s17 =	sshll.u32 s0, $0xA;
	s2 =	sadd.s32 s3, s2  }
0x8d: {  	s2 =	sadd.s32 s2, s17  }
0x8e: {  	[smem:$0x3FBD] =	sst s2  }
0x8f: {  	_ = 	snop  }
0x90: {  	s2 =	sld [smem:$0x3FD0];
	(tm) =	ssettm $0x1  }
0x91: {  	s18 =	sld [smem:$0x3FFB];
	_ =	sdelay $0x3  }
0x92: {  	_ =	strace s18  }
0x93: {  	s3 =	sld [smem:$0x3FFC];
	_ =	sdelay $0x3  }
0x94: {  	_ =	strace s3  }
0x95: {  	s3 =	sld [smem:$0x3FFD];
	_ =	sdelay $0x3  }
0x96: {  	_ =	strace s3  }
0x97: {  	_ =	strace $0x8FFFFFFF  }
0x98: {  	s19 =	sld [smem:$0x3FDB];
	_ =	sdelay $0x1  }
0x99: {  	s4 =	simm.s32 $_scs_section_size  }
0x9a: {  	s5 =	simm.s32 $_size__tile_overlayer_lowered;
	s6 =	simm.s32 $_tile_overlayer_lowered  }
0x9b: {  	s22 =	simm.s32 $0x1BFF;
	s21 =	sshll.u32 s6, $0x1;
	s3 =	sadd.s32 s4, s19  }
0x9c: {  	s7 =	simm.s32 $0x0;
	s20 =	sshll.u32 s5, $0x1;
	s5 =	sadd.s32 s21, s3  }
0x9d: {  	[timem:s7], [sflag:s22] =	dma.local [hbm:s5], s20  }
0x9e: {  	_ =	swait.ge [sflag:s22], s20  }
0x9f: {  	s4 =	ssub.s32 $0x0, s20;
	[sflag:s22] =	ssyncset.done $0x0  }
0xa0: {  	[sflag:s22] =	ssyncadd.s32 s4;
	_ =	sdelay $0x1  }
0xa1: {  	s23 =	simm.s32 $0x1B8B  }
0xa2: {  	_ =	swait.ge [sflag:s23], $0x1  }
0xa3: {  	[sflag:s23] =	ssyncset.done $0x0  }
0xa4: {  	s25 =	simm.s32 $0x1B8E;
	s24 =	sld [smem:$0x3FFE];
	[sflag:s23] =	ssyncadd.s32 $0xFFFFFFFF  }
0xa5: {  	s26 =	simm.s32 $execute0_lowered;
	[smem:$0x3FD2] =	sst s25  }
0xa6: {  	s5 =	sshll.u32 s26, $0x1;
	_ =	strace $0x80000046;
	[dreg:$0x1] =	wrdreg $0xFFFFFFFF  }
0xa7: {  	s28 =	simm.s32 $_size_execute0_lowered;
	s3 =	sadd.s32 s3, s5;
	[dreg:$0x0] =	wrdreg $0x0  }
0xa8: {  	s5 =	sshll.u32 s28, $0x1;
	[dreg:$0x2] =	wrdreg s3  }
0xa9: {  	[dreg:$0x3] =	wrdreg s5  }
0xaa: {  	[dreg:$0x4] =	wrdreg $0xC0  }
0xab: {  	_ =	task [dreg:s7], $0x5FFFF  }
0xac: {  	[dreg:$0x1] =	wrdreg $0xFFFFFFFF  }
0xad: {  	[dreg:$0x0] =	wrdreg $0x60  }
0xae: {  	[dreg:$0x2] =	wrdreg s24  }
0xaf: {  	[dreg:$0x3] =	wrdreg s2  }
0xb0: {  	[dreg:$0x4] =	wrdreg $0x78800  }
0xb1: {  	[dreg:$0x5] =	wrdreg $0x9  }
0xb2: {  	_ =	task.clear_ibuf [dreg:s7], $0x6FFFF;
	_ =	strace $0x90000046  }
0xb3: {  	s29 =	simm.s32 $0x9;
	_ =	strace $0x80000048  }
0xb4: {  	_ =	swait.ge [sflag:s29], $0x1  }
0xb5: {  	[sflag:s29] =	ssyncadd.s32 $0xFFFFFFFF  }
0xb6: {  	_ =	strace $0x90000048  }
0xb7: {  	_ =	sfence  }
0xb8: {  	s30 =	sld [smem:$0x0];
	_ =	sdelay $0x2  }
0xb9: {  	s31 =	sshll.u32 s1, $0xD;
	s1 =	sshrl.u32 s1, $0x2  }
0xba: {  	s3 =	sand.u32 $0x4000, s31;
	s1 =	sadd.s32 s1, s30  }
0xbb: {  	s0 =	sor.u32 s3, s0;
	s1 =	sshll.u32 s1, $0x11  }
0xbc: {  	s0 =	sor.u32 s1, s0  }
0xbd: {  	s0 =	sadd.s32 $0x8F2B, s0  }
0xbe: {  	[sflag:s0] =	ssyncadd.remote.s32 $0x1  }
0xbf: {  	_ =	sfence.sel $0xFFFF  }
0xc0: {  	[dreg:$0x0] =	wrdreg $0xFFFFFFFF;
	(pc) =	sbr.abs _section_cstart, $3  }
0xc1: {  	[dreg:$0x1] =	wrdreg $0xFFFFFFFF  }
0xc2: {  	_ =	task.clear_ibuf [dreg:s7], $0x2FFFF;
	_ =	strace $0x9FFFFFFF  }
0xc3: {  	(tm) =	ssettm $0x7FFFFFFF  }
tec
execute0_lowered:
.L_overlay_start_1:
0x0: {  	(tag) =	ssettag $0x1  }
0x1: {  	s0 =	srdreg.scid;
	s1 =	rddreg [dreg:$0x0]  }
0x2: {  	s15 =	rddreg [dreg:$0x1];
	s24 =	stileid.u32  }
0x3: {  	s2 =	rddreg [dreg:$0x2];
	s19 =	simm.s32 $0x1B880;
	s20 =	simm.s32 $0x2780  }
0x4: {  	s21 =	simm.s32 $0x50;
	s22 =	simm.s32 $0x2880;
	s23 =	simm.s32 $0x2800  }
0x5: {  	s28 =	simm.s32 $0x3;
	s29 =	simm.s32 $0x4;
	s31 =	simm.s32 $0x0  }
0x6: {  	s9 =	sand.u32 $0x1, s0;
	s5 =	sadd.s32 $0x16800, s1;
	s14 =	smul.u32 $0x14000, s24  }
0x7: {  	s6 =	sadd.s32 $0x2C00, s1;
	s7 =	sadd.s32 $0x3E000, s1;
	s16 =	smul.u32 $0x50000, s24  }
0x8: {  	s8 =	sadd.s32 $0x3DA00, s1;
	s26 =	sshll.u32 s24, $0x6;
	s3 =	sshll.u32 s9, $0x4  }
0x9: {  	s12 =	smul.u32 $0x140000, s9;
	s9 =	ssub.s32 $0x2, s9;
	s10 =	sor.u32 s24, s3  }
0xa: {  	s3 =	simm.s32 $0x0;
	s25 =	sshrl.u32 s9, $0x1;
	s16 =	sshrl.u32 s16, $0x2  }
0xb: {  	s24 =	simm.s32 $0x5080;
	s4 =	smul.u32 $0x2710, s10;
	[smem:$0x7FF] =	sst s3  }
0xc: {  	s12 =	sadd.s32 s14, s12;
	s17 =	ssub.s32 s9, s25;
	s18 =	sadd.s32 s16, s2  }
0xd: {  	s30 =	smul.u32 $0x500, s10;
	s10 =	sor.u32 $0x1C05, s26;
	s25 =	simm.s32 $0x1  }
0xe: {  	s26 =	simm.s32 $0x2;
	_ =	strace $0x80000047;
	s12 =	sshrl.u32 s12, $0x3  }
0xf: {  	s16 =	smax.u32 s17, $0x1;
	s17 =	sshrl.u32 s18, $0x3;
	s11 =	sshrl.u32 s4, $0x3  }
0x10: {  	s18 =	simm.s32 $0x5;
	s15 =	sadd.s32 s15, s30;
	s13 =	sadd.s32 s11, s1  }
0x11: {  	s1 =	sadd.s32 s12, s1;
	s9 =	sadd.s32 s6, s11;
	s11 =	sadd.s32 $0xCA00, s13  }
0x12: {  	v0 =	vimm.f32 $1.000000000e+00;
	s12 =	sadd.s32 $0xA, s9;
	s13 =	sadd.s32 $0x4D8, s9;
	s14 =	sadd.s32 $0x40800, s1  }
.LBB2_1:
0x13: {  	[spmem:s17], [sflag:s10] =	dma.local [hbm:s7], $0x2800  }
0x14: {  	_ =	swait.ge [sflag:s18], $0x2800  }
0x15: {  	[sflag:s18] =	ssyncset.done $0x0  }
0x16: {  	[sflag:s18] =	ssyncadd.s32 $0xFFFFD800  }
0x17: {  	[tilespmem:s3], [sflag:$0x5] =	stream.linear.gather [hbm4b:s11+s3], $0x2710, $0x38;
	[tilespmem:$0x1E080] =	vst v63  }
0x18: {  	_ =	swait.ge [sflag:s18], $0x2710  }
0x19: {  	[sflag:s18] =	ssyncset.done $0x0  }
0x1a: {  	[sflag:s18] =	ssyncadd.s32 $0xFFFFD8F0  }
0x1b: {  	[tilespmem:s19], [sflag:$0x5] =	stream.linear.gather [hbm4b:s8+s3], $0x2800, $0x38;
	[tilespmem:$0x1E080] =	vst v63  }
0x1c: {  	_ =	swait.ge [sflag:s18], $0x2800  }
0x1d: {  	[sflag:s18] =	ssyncset.done $0x0  }
0x1e: {  	[sflag:s18] =	ssyncadd.s32 $0xFFFFD800  }
0x1f: {  	[bflag:$0x0] =	sbarrier.arrive $0xFFFF  }
0x20: {  	[tilespmem:s20], [sflag:$0x5] =	stream.linear.gather [hbm4b:s9+s3], $0x50, $0x38;
	[tilespmem:$0x1E080] =	vst v63  }
0x21: {  	_ =	swait.ge [sflag:s18], $0x50  }
0x22: {  	[sflag:s18] =	ssyncset.done $0x0  }
0x23: {  	[sflag:s18] =	ssyncadd.s32 $0xFFFFFFB0  }
0x24: {  	[tilespmem:s22], [sflag:$0x1] =	stream.indirect.gather [hbm4b:s5+s21], $0x80, s3, s21, $0xb8;
	[tilespmem:$0x1E080] =	vst v63  }
0x25: {  	_ = 	snop  }
0x26: {  	[tilespmem:s23], [sflag:$0x5] =	stream.linear.gather [hbm4b:s12+s3], $0x50, $0x38;
	[tilespmem:$0x1E080] =	vst v63  }
0x27: {  	_ =	swait.ge [sflag:s18], $0x50  }
0x28: {  	[sflag:s18] =	ssyncset.done $0x0  }
0x29: {  	s1 =	simm.s32 $0x1;
	[sflag:s18] =	ssyncadd.s32 $0xFFFFFFB0  }
0x2a: {  	[tilespmem:s24], [sflag:$0x2] =	stream.indirect.gather [hbm4b:s5+s21], $0x80, s21, s21, $0xb8;
	[tilespmem:$0x1E080] =	vst v63  }
.LBB2_2:
0x2b: {  	_ =	swait.ge [sflag:s25], $0x2800  }
0x2c: {  	[sflag:s25] =	ssyncset.done $0x0  }
0x2d: {  	[sflag:s25] =	ssyncadd.s32 $0xFFFFD800  }
0x2e: {  	[spmem:s2] =	stream.indirect.scatter.add.f32 [tilespmem:s22], [sflag:$0x3], $0x80, s20, s21, $0xb8;
	[tilespmem:$0x1E080] =	vst v63  }
0x2f: {  	_ =	swait.ge [sflag:s26], $0x2800  }
0x30: {  	[sflag:s26] =	ssyncset.done $0x0  }
0x31: {  	[sflag:s26] =	ssyncadd.s32 $0xFFFFD800  }
0x32: {  	[spmem:s2] =	stream.indirect.scatter.add.f32 [tilespmem:s24], [sflag:$0x4], $0x80, s23, s21, $0xb8;
	[tilespmem:$0x1E080] =	vst v63  }
0x33: {  	v1 =	vld [tilespmem:$0x2780];
	_ =	sdelay $0x7  }
0x34: {  	[tilespmem:v1+s19+$0x0] =	vst.idx.add.f32.msk $0xffff, v0  }
0x35: {  	v1 =	vld [tilespmem:$0x2790];
	_ =	sdelay $0x7  }
0x36: {  	[tilespmem:v1+s19+$0x0] =	vst.idx.add.f32.msk $0xffff, v0  }
0x37: {  	v1 =	vld [tilespmem:$0x27A0];
	_ =	sdelay $0x7  }
0x38: {  	[tilespmem:v1+s19+$0x0] =	vst.idx.add.f32.msk $0xffff, v0  }
0x39: {  	v1 =	vld [tilespmem:$0x27B0];
	_ =	sdelay $0x7  }
0x3a: {  	[tilespmem:v1+s19+$0x0] =	vst.idx.add.f32.msk $0xffff, v0  }
0x3b: {  	v1 =	vld [tilespmem:$0x27C0];
	_ =	sdelay $0x7  }
0x3c: {  	[tilespmem:v1+s19+$0x0] =	vst.idx.add.f32.msk $0xffff, v0  }
0x3d: {  	v1 =	vld [tilespmem:$0x2800];
	_ =	sdelay $0x7  }
0x3e: {  	[tilespmem:v1+s19+$0x0] =	vst.idx.add.f32.msk $0xffff, v0  }
0x3f: {  	v1 =	vld [tilespmem:$0x2810];
	_ =	sdelay $0x7  }
0x40: {  	[tilespmem:v1+s19+$0x0] =	vst.idx.add.f32.msk $0xffff, v0  }
0x41: {  	v1 =	vld [tilespmem:$0x2820];
	_ =	sdelay $0x7  }
0x42: {  	[tilespmem:v1+s19+$0x0] =	vst.idx.add.f32.msk $0xffff, v0  }
0x43: {  	v1 =	vld [tilespmem:$0x2830];
	_ =	sdelay $0x7  }
0x44: {  	[tilespmem:v1+s19+$0x0] =	vst.idx.add.f32.msk $0xffff, v0  }
0x45: {  	v1 =	vld [tilespmem:$0x2840];
	_ =	sdelay $0x5  }
0x46: {  	s0 =	smin.u32 s1, $0x3D  }
0x47: {  	s0 =	smul.u32 $0xA0, s0  }
0x48: {  	[tilespmem:v1+s19+$0x0] =	vst.idx.add.f32.msk $0xffff, v0  }
0x49: {  	s30 =	sadd.s32 s4, s0;
	_ =	swait.ge [sflag:s28], $0x2800  }
0x4a: {  	s30 =	sshrl.u32 s30, $0x3;
	[sflag:s28] =	ssyncset.done $0x0  }
0x4b: {  	s30 =	sadd.s32 s6, s30;
	[sflag:s28] =	ssyncadd.s32 $0xFFFFD800  }
0x4c: {  	[tilespmem:s20], [sflag:$0x5] =	stream.linear.gather [hbm4b:s30+s3], $0x50, $0x38;
	[tilespmem:$0x1E080] =	vst v63  }
0x4d: {  	_ =	swait.ge [sflag:s18], $0x50  }
0x4e: {  	[sflag:s18] =	ssyncset.done $0x0  }
0x4f: {  	[sflag:s18] =	ssyncadd.s32 $0xFFFFFFB0  }
0x50: {  	[tilespmem:s22], [sflag:$0x1] =	stream.indirect.gather [hbm4b:s5+s21], $0x80, s0, s21, $0xb8;
	[tilespmem:$0x1E080] =	vst v63  }
0x51: {  	s0 =	sadd.s32 $0x50, s0  }
0x52: {  	_ =	swait.ge [sflag:s29], $0x2800;
	s30 =	sadd.s32 s4, s0  }
0x53: {  	[sflag:s29] =	ssyncset.done $0x0;
	s30 =	sshrl.u32 s30, $0x3  }
0x54: {  	p0 =	sne.s32 s1, $0x3E;
	[sflag:s29] =	ssyncadd.s32 $0xFFFFD800;
	s30 =	sadd.s32 s6, s30  }
0x55: {  	[tilespmem:s23], [sflag:$0x5] =	stream.linear.gather [hbm4b:s30+s3], $0x50, $0x38;
	[tilespmem:$0x1E080] =	vst v63  }
.Ltmp0:
0x56: {  	_ = 	snop;
	(pc) =	sbr.rel @p0 .LBB2_2-.Ltmp0, $4  }
0x57: {  	_ =	swait.ge [sflag:s18], $0x50  }
0x58: {  	[sflag:s18] =	ssyncset.done $0x0  }
0x59: {  	s1 =	sadd.s32 $0x1, s1;
	[sflag:s18] =	ssyncadd.s32 $0xFFFFFFB0  }
0x5a: {  	[tilespmem:s24], [sflag:$0x2] =	stream.indirect.gather [hbm4b:s5+s21], $0x80, s0, s21, $0xb8;
	[tilespmem:$0x1E080] =	vst v63  }
0x5b: {  	_ =	swait.ge [sflag:s25], $0x2800  }
0x5c: {  	[sflag:s25] =	ssyncset.done $0x0  }
0x5d: {  	[sflag:s25] =	ssyncadd.s32 $0xFFFFD800  }
0x5e: {  	_ =	swait.ge [sflag:s26], $0x2800  }
0x5f: {  	[sflag:s26] =	ssyncset.done $0x0  }
0x60: {  	[sflag:s26] =	ssyncadd.s32 $0xFFFFD800  }
0x61: {  	[tilespmem:s20], [sflag:$0x5] =	stream.linear.gather [hbm4b:s13+s3], $0x50, $0x38;
	[tilespmem:$0x1E080] =	vst v63  }
0x62: {  	_ =	swait.ge [sflag:s18], $0x50  }
0x63: {  	[sflag:s18] =	ssyncset.done $0x0  }
0x64: {  	s0 =	simm.s32 $0x26C0;
	[sflag:s18] =	ssyncadd.s32 $0xFFFFFFB0  }
0x65: {  	[tilespmem:s22], [sflag:$0x1] =	stream.indirect.gather [hbm4b:s5+s21], $0x80, s0, s21, $0xb8;
	[tilespmem:$0x1E080] =	vst v63  }
0x66: {  	_ =	swait.ge [sflag:s25], $0x2800  }
0x67: {  	[sflag:s25] =	ssyncset.done $0x0  }
0x68: {  	[sflag:s25] =	ssyncadd.s32 $0xFFFFD800  }
0x69: {  	[spmem:s2] =	stream.indirect.scatter.add.f32 [tilespmem:s22], [sflag:$0x5], $0x80, s20, s21, $0xb8;
	[tilespmem:$0x1E080] =	vst v63  }
0x6a: {  	_ =	swait.ge [sflag:s18], $0x2800  }
0x6b: {  	[sflag:s18] =	ssyncset.done $0x0  }
0x6c: {  	[sflag:s18] =	ssyncadd.s32 $0xFFFFD800  }
0x6d: {  	v1 =	vld [tilespmem:$0x2780];
	_ =	sdelay $0x7  }
0x6e: {  	[tilespmem:v1+s19+$0x0] =	vst.idx.add.f32.msk $0xffff, v0  }
0x6f: {  	v1 =	vld [tilespmem:$0x2790];
	_ =	sdelay $0x7  }
0x70: {  	[tilespmem:v1+s19+$0x0] =	vst.idx.add.f32.msk $0xffff, v0  }
0x71: {  	v1 =	vld [tilespmem:$0x27A0];
	_ =	sdelay $0x7  }
0x72: {  	[tilespmem:v1+s19+$0x0] =	vst.idx.add.f32.msk $0xffff, v0  }
0x73: {  	v1 =	vld [tilespmem:$0x27B0];
	_ =	sdelay $0x7  }
0x74: {  	[tilespmem:v1+s19+$0x0] =	vst.idx.add.f32.msk $0xffff, v0  }
0x75: {  	v1 =	vld [tilespmem:$0x27C0];
	_ =	sdelay $0x7  }
0x76: {  	[tilespmem:v1+s19+$0x0] =	vst.idx.add.f32.msk $0xffff, v0  }
0x77: {  	[bflag:$0x0] =	sbarrier.arrive $0xFFFF  }
0x78: {  	[hbm:s14], [sflag:s10] =	dma.local [spmem:s17], $0x2800  }
0x79: {  	s31 =	sadd.s32 $0x1, s31;
	_ =	swait.ge [sflag:s18], $0x2800  }
0x7a: {  	p0 =	sne.s32 s31, s16;
	[sflag:s18] =	ssyncset.done $0x0  }
.Ltmp1:
0x7b: {  	[sflag:s18] =	ssyncadd.s32 $0xFFFFD800;
	(pc) =	sbr.rel @p0 .LBB2_1-.Ltmp1, $4  }
0x7c: {  	[hbm4b:s15+s3] =	stream.linear.scatter [tilespmem:s19], [sflag:$0x5], $0x2800, $0x38;
	[tilespmem:$0x1E080] =	vst v63  }
0x7d: {  	_ =	swait.ge [sflag:s18], $0x2800  }
0x7e: {  	[sflag:s18] =	ssyncset.done $0x0  }
0x7f: {  	[sflag:s18] =	ssyncadd.s32 $0xFFFFD800  }
0x80: {  	_ =	sfence.sel $0x180000  }
0x81: {  	[bflag:$0x0] =	sbarrier.arrive $0xFFFF  }
0x82: {  	_ =	strace $0x90000047  }
0x83: {  	s0 =	stileid.u32;
	[bflag:$0x2] =	sbarrier.arrive $0xFFFF  }
0x84: {  	p0 =	sne.s32 s0, $0x0;
	s0 =	rddreg [dreg:$0x3]  }
0x85: {  	s0 =	sadd.s32 @!p0 $0x100000, s0  }
0x86: {  	[sflag:s0] =	ssyncadd.tile.s32 @!p0 $0x1;
	_ =	shalt  }
.Lfunc_end2:
_tile_overlayer_lowered:
.L_overlay_start_2:
0x87: {  	(tag) =	ssettag $0x2  }
0x88: {  	s0 =	rddreg [dreg:$0x0];
	s2 =	stileid.u32  }
0x89: {  	s1 =	rddreg [dreg:$0x1];
	p0 =	sne.s32 s2, $0x0  }
0x8a: {  	s3 =	rddreg [dreg:$0x2];
	[bflag:$0x3] =	sbarrier.arrive $0xFFFF;
	s2 =	simm.s32 @!p0 $0x1C05  }
0x8b: {  	[timem:s3], [sflag:s2] =	dma.local @!p0 [hbm:s0], s1  }
0x8c: {  	s0 =	simm.s32 @!p0 $0x5  }
0x8d: {  	_ =	swait.ge @!p0 [sflag:s0], s1  }
0x8e: {  	s1 =	ssub.s32 @!p0 $0x0, s1;
	[sflag:s0] =	ssyncset.done @!p0 $0x0  }
0x8f: {  	[sflag:s0] =	ssyncadd.s32 @!p0 s1  }
0x90: {  	[bflag:$0x3] =	sbarrier.arrive $0xFFFF  }
0x91: {  	_ =	shalt  }

// kernel: kernel.13.cloned.1.call-start
scs
__scs_entry_jumppad:
0x0: {  	(pc) =	sbr.rel $0x88, $3  }
0x1: {  	(tag) =	ssettag $0x0;
	lr =	simm.s32 $0x1  }
0x2: {  	[smem:$0x3F96] =	sst lr;
	_ =	strace $0xD0000000  }
0x3: {  	_ = 	snop  }
0x4: {  	_ = 	snop  }
0x5: {  	_ = 	snop  }
0x6: {  	_ = 	snop  }
0x7: {  	_ = 	snop  }
__scs_overlays_trampoline_lowered:
0x8: {  	[smem:$0x3FA5] =	sst s0  }
0x9: {  	[smem:$0x3FA6] =	sst s1  }
0xa: {  	[smem:$0x3FA7] =	sst s2  }
0xb: {  	[smem:$0x3FA8] =	sst s3  }
0xc: {  	[smem:$0x3FA9] =	sst s4  }
0xd: {  	[smem:$0x3FAA] =	sst s5  }
0xe: {  	[smem:$0x3FAB] =	sst s6  }
0xf: {  	[smem:$0x3FAC] =	sst s7  }
0x10: {  	[smem:$0x3FAD] =	sst s8  }
0x11: {  	[smem:$0x3FAE] =	sst s9;
	s0 =	simm.s32 @!p0 $0x0  }
0x12: {  	s1 =	sld [smem:$0x3F94];
	s0 =	simm.s32 @p0 $0x1  }
0x13: {  	[smem:$0x3FAF] =	sst s0;
	s0 =	simm.s32 @!p1 $0x0  }
0x14: {  	s2 =	sld [smem:$0x3F93];
	s0 =	simm.s32 @p1 $0x1  }
0x15: {  	[smem:$0x3FB0] =	sst s0;
	s0 =	simm.s32 @!p2 $0x0  }
0x16: {  	s3 =	sld [smem:$0x3FDB];
	s0 =	simm.s32 @p2 $0x1  }
0x17: {  	s4 =	simm.s32 $0x1BF5;
	[smem:$0x3FB2] =	sst s0  }
0x18: {  	s0 =	sld [smem:$0x3F95];
	_ =	swait.ge [sflag:s4], $0x0  }
0x19: {  	s7 =	sld [smem:$0x3F96]  }
0x1a: {  	s8 =	sadd.s32 $0xFFFFE003, lr  }
0x1b: {  	s9 =	sadd.s32 $0xFFFFFEF7, lr;
	s5 =	simm.s32 $0xFFFFFFFF;
	p2 =	slt.u32 s8, $0xFFFFF086  }
0x1c: {  	p1 =	slt.u32 s9, $0xF7A;
	s5 =	simm.s32 @!p2 $0x0  }
0x1d: {  	s5 =	simm.s32 @p1 $0x1;
	p0 =	seq.s32 s7, s2  }
0x1e: {  	s7 =	smul.u32 @!p0 $0xF7A, s2;
	p2 =	seq.s32 @!p0 s5, $0x0  }
0x1f: {  	s9 =	smul.u32 $0xF7A, s1;
	s8 =	simm.s32 @!p0 $0x1BF5;
	p2 =	por !p2, p0  }
0x20: {  	[sflag:s8] =	ssyncset.s32 @!p0 $0xFFFFF086;
	s6 =	sadd.s32 @!p0 s3, s7;
	s7 =	simm.s32 @!p0 $0x108  }
0x21: {  	s3 =	sadd.s32 s3, s9;
	s6 =	sadd.s32 @!p0 $0x88, s6;
	s7 =	simm.s32 @p2 $0x1082  }
0x22: {  	[simem:s7], [sflag:s8] =	dma.local @!p0 [hbm:s6], $0xF7A  }
0x23: {  	s9 =	sor.u32 $0xD0000000, s2;
	s6 =	simm.s32 $0x108;
	_ =	swait.ge @!p0 [sflag:s8], $0x0  }
0x24: {  	s3 =	sadd.s32 $0x88, s3;
	s6 =	simm.s32 @!p1 $0x1082;
	[sflag:s4] =	ssyncset.s32 $0xFFFFF086  }
0x25: {  	[simem:s6], [sflag:s4] =	dma.local [hbm:s3], $0xF7A  }
0x26: {  	[smem:$0x3F96] =	sst s1;
	(tag) =	ssettag s2;
	_ =	strace s9  }
0x27: {  	s1 =	sld [smem:$0x3FA6]  }
0x28: {  	s2 =	sld [smem:$0x3FA7]  }
0x29: {  	s4 =	sld [smem:$0x3FA9]  }
0x2a: {  	p0 =	seq.s32 s5, $0x0;
	s5 =	sld [smem:$0x3FAA]  }
0x2b: {  	s6 =	sld [smem:$0x3FAB]  }
0x2c: {  	s7 =	sld [smem:$0x3FAC]  }
0x2d: {  	s3 =	simm.s32 $0x108;
	s8 =	sld [smem:$0x3FAD]  }
0x2e: {  	s3 =	simm.s32 @!p0 $0x1082;
	s9 =	sld [smem:$0x3FAE]  }
0x2f: {  	lr =	sadd.s32 s0, s3;
	s0 =	sld [smem:$0x3FA5]  }
0x30: {  	s3 =	sld [smem:$0x3FA8]  }
0x31: {  	[smem:$0x3FB1] =	sst s10  }
0x32: {  	s10 =	sld [smem:$0x3FAF];
	_ =	sdelay $0x3  }
0x33: {  	p0 =	seq.s32 s10, $0x1;
	s10 =	sld [smem:$0x3FB1];
	_ =	sdelay $0x3  }
0x34: {  	[smem:$0x3FB1] =	sst s10  }
0x35: {  	s10 =	sld [smem:$0x3FB0];
	_ =	sdelay $0x3  }
0x36: {  	p1 =	seq.s32 s10, $0x1;
	s10 =	sld [smem:$0x3FB1];
	_ =	sdelay $0x3  }
0x37: {  	[smem:$0x3FB1] =	sst s10  }
0x38: {  	s10 =	sld [smem:$0x3FB2]  }
0x39: {  	_ = 	snop;
	(pc) =	sbr.ind lr, $3  }
0x3a: {  	_ = 	snop  }
0x3b: {  	_ = 	snop  }
0x3c: {  	p2 =	seq.s32 s10, $0x1;
	s10 =	sld [smem:$0x3FB1]  }
0x3d: {  	_ =	shalt  }
0x3e: {  	_ =	shalt  }
0x3f: {  	_ =	shalt  }
0x40: {  	_ =	shalt  }
0x41: {  	_ =	shalt  }
0x42: {  	_ =	shalt  }
0x43: {  	_ =	shalt  }
0x44: {  	_ =	shalt  }
0x45: {  	_ =	shalt  }
0x46: {  	_ =	shalt  }
0x47: {  	_ =	shalt  }
0x48: {  	_ =	shalt  }
0x49: {  	_ =	shalt  }
0x4a: {  	_ =	shalt  }
0x4b: {  	_ =	shalt  }
0x4c: {  	_ =	shalt  }
0x4d: {  	_ =	shalt  }
0x4e: {  	_ =	shalt  }
0x4f: {  	_ =	shalt  }
0x50: {  	_ =	shalt  }
0x51: {  	_ =	shalt  }
0x52: {  	_ =	shalt  }
0x53: {  	_ =	shalt  }
0x54: {  	_ =	shalt  }
0x55: {  	_ =	shalt  }
0x56: {  	_ =	shalt  }
0x57: {  	_ =	shalt  }
0x58: {  	_ =	shalt  }
0x59: {  	_ =	shalt  }
0x5a: {  	_ =	shalt  }
0x5b: {  	_ =	shalt  }
0x5c: {  	_ =	shalt  }
0x5d: {  	_ =	shalt  }
0x5e: {  	_ =	shalt  }
0x5f: {  	_ =	shalt  }
0x60: {  	_ =	shalt  }
0x61: {  	_ =	shalt  }
0x62: {  	_ =	shalt  }
0x63: {  	_ =	shalt  }
0x64: {  	_ =	shalt  }
0x65: {  	_ =	shalt  }
0x66: {  	_ =	shalt  }
0x67: {  	_ =	shalt  }
0x68: {  	_ =	shalt  }
0x69: {  	_ =	shalt  }
0x6a: {  	_ =	shalt  }
0x6b: {  	_ =	shalt  }
0x6c: {  	_ =	shalt  }
0x6d: {  	_ =	shalt  }
0x6e: {  	_ =	shalt  }
0x6f: {  	_ =	shalt  }
0x70: {  	_ =	shalt  }
0x71: {  	_ =	shalt  }
0x72: {  	_ =	shalt  }
0x73: {  	_ =	shalt  }
0x74: {  	_ =	shalt  }
0x75: {  	_ =	shalt  }
0x76: {  	_ =	shalt  }
0x77: {  	_ =	shalt  }
0x78: {  	_ =	shalt  }
0x79: {  	_ =	shalt  }
0x7a: {  	_ =	shalt  }
0x7b: {  	_ =	shalt  }
0x7c: {  	_ =	shalt  }
0x7d: {  	_ =	shalt  }
0x7e: {  	_ =	shalt  }
0x7f: {  	_ =	shalt  }
0x80: {  	_ =	shalt  }
0x81: {  	_ =	shalt  }
0x82: {  	_ =	shalt  }
0x83: {  	_ =	shalt  }
0x84: {  	_ =	shalt  }
0x85: {  	_ =	shalt  }
0x86: {  	_ =	shalt  }
0x87: {  	_ =	shalt  }
.Lfunc_end0:
.L_simem_size_0:
called_computation.1_lowered:
.L_overlay_start_0:
0x88: {  	s2 =	sld [smem:$0x3FD9]  }
0x89: {  	s3 =	sld [smem:$0x3FFE];
	_ =	sdelay $0x1  }
0x8a: {  	s1 =	srdreg.scid  }
0x8b: {  	s0 =	sand.u32 $0x1, s1  }
0x8c: {  	s17 =	sshll.u32 s0, $0xA;
	s2 =	sadd.s32 s3, s2  }
0x8d: {  	s2 =	sadd.s32 s2, s17  }
0x8e: {  	[smem:$0x3FBD] =	sst s2  }
0x8f: {  	_ = 	snop  }
0x90: {  	s2 =	sld [smem:$0x3FD0];
	(tm) =	ssettm $0x1  }
0x91: {  	s18 =	sld [smem:$0x3FFB];
	_ =	sdelay $0x3  }
0x92: {  	_ =	strace s18  }
0x93: {  	s3 =	sld [smem:$0x3FFC];
	_ =	sdelay $0x3  }
0x94: {  	_ =	strace s3  }
0x95: {  	s3 =	sld [smem:$0x3FFD];
	_ =	sdelay $0x3  }
0x96: {  	_ =	strace s3  }
0x97: {  	_ =	strace $0x8FFFFFFF  }
0x98: {  	s19 =	sld [smem:$0x3FDB];
	_ =	sdelay $0x1  }
0x99: {  	s4 =	simm.s32 $_scs_section_size  }
0x9a: {  	s5 =	simm.s32 $_size__tile_overlayer_lowered;
	s6 =	simm.s32 $_tile_overlayer_lowered  }
0x9b: {  	s22 =	simm.s32 $0x1BFF;
	s21 =	sshll.u32 s6, $0x1;
	s3 =	sadd.s32 s4, s19  }
0x9c: {  	s7 =	simm.s32 $0x0;
	s20 =	sshll.u32 s5, $0x1;
	s5 =	sadd.s32 s21, s3  }
0x9d: {  	[timem:s7], [sflag:s22] =	dma.local [hbm:s5], s20  }
0x9e: {  	_ =	swait.ge [sflag:s22], s20  }
0x9f: {  	s4 =	ssub.s32 $0x0, s20;
	[sflag:s22] =	ssyncset.done $0x0  }
0xa0: {  	[sflag:s22] =	ssyncadd.s32 s4;
	_ =	sdelay $0x1  }
0xa1: {  	s23 =	simm.s32 $0x1B8B  }
0xa2: {  	_ =	swait.ge [sflag:s23], $0x1  }
0xa3: {  	[sflag:s23] =	ssyncset.done $0x0  }
0xa4: {  	s25 =	simm.s32 $0x1B8E;
	s24 =	sld [smem:$0x3FFE];
	[sflag:s23] =	ssyncadd.s32 $0xFFFFFFFF  }
0xa5: {  	s26 =	simm.s32 $execute0_lowered;
	[smem:$0x3FD2] =	sst s25  }
0xa6: {  	s5 =	sshll.u32 s26, $0x1;
	_ =	strace $0x80000049;
	[dreg:$0x1] =	wrdreg $0xFFFFFFFF  }
0xa7: {  	s28 =	simm.s32 $_size_execute0_lowered;
	s3 =	sadd.s32 s3, s5;
	[dreg:$0x0] =	wrdreg $0x0  }
0xa8: {  	s5 =	sshll.u32 s28, $0x1;
	[dreg:$0x2] =	wrdreg s3  }
0xa9: {  	[dreg:$0x3] =	wrdreg s5  }
0xaa: {  	[dreg:$0x4] =	wrdreg $0xC0  }
0xab: {  	_ =	task [dreg:s7], $0x5FFFF  }
0xac: {  	[dreg:$0x1] =	wrdreg $0xFFFFFFFF  }
0xad: {  	[dreg:$0x0] =	wrdreg $0x60  }
0xae: {  	[dreg:$0x2] =	wrdreg s2  }
0xaf: {  	[dreg:$0x3] =	wrdreg s24  }
0xb0: {  	[dreg:$0x4] =	wrdreg $0x9  }
0xb1: {  	_ =	task.clear_ibuf [dreg:s7], $0x5FFFF;
	_ =	strace $0x90000049  }
0xb2: {  	s29 =	simm.s32 $0x9;
	_ =	strace $0x8000004B  }
0xb3: {  	_ =	swait.ge [sflag:s29], $0x1  }
0xb4: {  	[sflag:s29] =	ssyncadd.s32 $0xFFFFFFFF  }
0xb5: {  	_ =	strace $0x9000004B  }
0xb6: {  	_ =	sfence  }
0xb7: {  	s30 =	sld [smem:$0x0];
	_ =	sdelay $0x2  }
0xb8: {  	s31 =	sshll.u32 s1, $0xD;
	s1 =	sshrl.u32 s1, $0x2  }
0xb9: {  	s3 =	sand.u32 $0x4000, s31;
	s1 =	sadd.s32 s1, s30  }
0xba: {  	s0 =	sor.u32 s3, s0;
	s1 =	sshll.u32 s1, $0x11  }
0xbb: {  	s0 =	sor.u32 s1, s0  }
0xbc: {  	s0 =	sadd.s32 $0x8F2B, s0  }
0xbd: {  	[sflag:s0] =	ssyncadd.remote.s32 $0x1  }
0xbe: {  	_ =	sfence.sel $0xFFFF  }
0xbf: {  	[dreg:$0x0] =	wrdreg $0xFFFFFFFF;
	(pc) =	sbr.abs _section_cstart, $3  }
0xc0: {  	[dreg:$0x1] =	wrdreg $0xFFFFFFFF  }
0xc1: {  	_ =	task.clear_ibuf [dreg:s7], $0x2FFFF;
	_ =	strace $0x9FFFFFFF  }
0xc2: {  	(tm) =	ssettm $0x7FFFFFFF  }
0xc3: {  	_ =	shalt  }
tec
execute0_lowered:
.L_overlay_start_1:
0x0: {  	(tag) =	ssettag $0x1  }
0x1: {  	s0 =	srdreg.scid;
	s2 =	rddreg [dreg:$0x0]  }
0x2: {  	s5 =	rddreg [dreg:$0x1];
	s1 =	stileid.u32;
	s4 =	sand.u32 $0x1, s0  }
0x3: {  	s3 =	simm.s32 $0x0;
	s9 =	smul.u32 $0x140, s1;
	s6 =	sshll.u32 s4, $0x4  }
0x4: {  	s10 =	simm.s32 $0x0;
	s8 =	smul.u32 $0x1400, s4;
	s6 =	sor.u32 s1, s6  }
0x5: {  	[smem:$0x7FF] =	sst s3;
	s7 =	ssub.s32 $0x2, s4;
	s6 =	smul.u32 $0x140, s6  }
0x6: {  	s0 =	rddreg [dreg:$0x2];
	_ =	strace $0x8000004A;
	s31 =	sshrl.u32 s7, $0x1  }
0x7: {  	s30 =	sshrl.u32 s6, $0x3;
	s6 =	ssub.s32 s7, s31;
	s7 =	sadd.s32 s9, s8  }
0x8: {  	s8 =	simm.s32 $0x1;
	s9 =	simm.s32 $0x180;
	s5 =	sadd.s32 s30, s5  }
0x9: {  	s4 =	sadd.s32 s2, s30;
	s6 =	smax.u32 s6, $0x1;
	s5 =	sadd.s32 $0x16800, s5  }
.LBB2_1:
0xa: {  	[tilespmem:s3], [sflag:$0x1] =	stream.linear.gather [hbm4b:s4+s3], $0x140, $0x38;
	[tilespmem:$0x300] =	vst v63  }
0xb: {  	_ =	swait.ge [sflag:s8], $0x140  }
0xc: {  	[sflag:s8] =	ssyncset.done $0x0  }
0xd: {  	s11 =	simm.s32 $0x2800;
	[sflag:s8] =	ssyncadd.s32 $0xFFFFFEC0  }
.LBB2_2:
0xe: {  	s12 =	sadd.s32 s11, s7  }
0xf: {  	s12 =	sshrl.u32 s12, $0x3  }
0x10: {  	s12 =	sadd.s32 s2, s12  }
0x11: {  	[tilespmem:s9], [sflag:$0x1] =	stream.linear.gather [hbm4b:s12+s3], $0x140, $0x38;
	[tilespmem:$0x300] =	vst v63  }
0x12: {  	_ =	swait.ge [sflag:s8], $0x140  }
0x13: {  	[sflag:s8] =	ssyncset.done $0x0  }
0x14: {  	[sflag:s8] =	ssyncadd.s32 $0xFFFFFEC0  }
0x15: {  	v0 =	vld [tilespmem:$0x0]  }
0x16: {  	v1 =	vld [tilespmem:$0x180]  }
0x17: {  	v2 =	vld [tilespmem:$0x10]  }
0x18: {  	v4 =	vld [tilespmem:$0x190]  }
0x19: {  	v5 =	vld [tilespmem:$0x20]  }
0x1a: {  	v6 =	vld [tilespmem:$0x1A0]  }
0x1b: {  	v7 =	vld [tilespmem:$0x30]  }
0x1c: {  	v8 =	vld [tilespmem:$0x1B0]  }
0x1d: {  	v9 =	vld [tilespmem:$0x40]  }
0x1e: {  	v10 =	vld [tilespmem:$0x1C0]  }
0x1f: {  	v11 =	vld [tilespmem:$0x50]  }
0x20: {  	v12 =	vld [tilespmem:$0x1D0]  }
0x21: {  	v13 =	vld [tilespmem:$0x60]  }
0x22: {  	v14 =	vld [tilespmem:$0x1E0]  }
0x23: {  	v15 =	vld [tilespmem:$0x70]  }
0x24: {  	v16 =	vld [tilespmem:$0x1F0]  }
0x25: {  	v17 =	vld [tilespmem:$0x80]  }
0x26: {  	v18 =	vld [tilespmem:$0x200]  }
0x27: {  	v19 =	vld [tilespmem:$0x90]  }
0x28: {  	v20 =	vld [tilespmem:$0x210]  }
0x29: {  	v21 =	vld [tilespmem:$0xA0]  }
0x2a: {  	v22 =	vld [tilespmem:$0x220]  }
0x2b: {  	v23 =	vld [tilespmem:$0xB0]  }
0x2c: {  	v24 =	vld [tilespmem:$0x230]  }
0x2d: {  	v25 =	vld [tilespmem:$0xC0]  }
0x2e: {  	v26 =	vld [tilespmem:$0xF0];
	v3 =	vadd.f32 v1, v0  }
0x2f: {  	v27 =	vld [tilespmem:$0x270];
	v4 =	vadd.f32 v4, v2  }
0x30: {  	v28 =	vld [tilespmem:$0x100];
	v6 =	vadd.f32 v6, v5;
	[tilespmem:$0x0] =	vst v3  }
0x31: {  	v29 =	vld [tilespmem:$0x280];
	v7 =	vadd.f32 v8, v7;
	[tilespmem:$0x10] =	vst v4  }
0x32: {  	v60 =	vld [tilespmem:$0x290];
	v9 =	vadd.f32 v10, v9;
	[tilespmem:$0x20] =	vst v6  }
0x33: {  	v0 =	vld [tilespmem:$0x240];
	v10 =	vadd.f32 v12, v11;
	[tilespmem:$0x30] =	vst v7  }
0x34: {  	v1 =	vld [tilespmem:$0xD0];
	v12 =	vadd.f32 v14, v13;
	[tilespmem:$0x40] =	vst v9  }
0x35: {  	v2 =	vld [tilespmem:$0x250];
	v14 =	vadd.f32 v16, v15;
	[tilespmem:$0x50] =	vst v10  }
0x36: {  	v5 =	vld [tilespmem:$0xE0];
	v16 =	vadd.f32 v18, v17;
	[tilespmem:$0x60] =	vst v12  }
0x37: {  	v8 =	vld [tilespmem:$0x260];
	v18 =	vadd.f32 v20, v19;
	[tilespmem:$0x70] =	vst v14  }
0x38: {  	v61 =	vld [tilespmem:$0x120];
	v19 =	vadd.f32 v22, v21;
	[tilespmem:$0x80] =	vst v16  }
0x39: {  	v62 =	vld [tilespmem:$0x130];
	v17 =	vadd.f32 v24, v23;
	[tilespmem:$0x90] =	vst v18  }
0x3a: {  	v20 =	vld [tilespmem:$0x110];
	[tilespmem:$0xA0] =	vst v19;
	v15 =	vadd.f32 v0, v25  }
0x3b: {  	[tilespmem:$0xB0] =	vst v17;
	v0 =	vld [tilespmem:$0x2A0];
	v13 =	vadd.f32 v2, v1  }
0x3c: {  	v63 =	vld [tilespmem:$0x2B0];
	v11 =	vadd.f32 v8, v5;
	[tilespmem:$0xC0] =	vst v15  }
0x3d: {  	v8 =	vadd.f32 v27, v26;
	[tilespmem:$0xD0] =	vst v13  }
0x3e: {  	p0 =	sne.s32 s11, $0x4D800;
	v5 =	vadd.f32 v29, v28;
	[tilespmem:$0xE0] =	vst v11  }
.Ltmp0:
0x3f: {  	v2 =	vadd.f32 v60, v20;
	[tilespmem:$0xF0] =	vst v8;
	(pc) =	sbr.rel @p0 .LBB2_2-.Ltmp0, $4  }
0x40: {  	[tilespmem:$0x100] =	vst v5;
	v1 =	vadd.f32 v0, v61  }
0x41: {  	[tilespmem:$0x110] =	vst v2;
	v0 =	vadd.f32 v63, v62  }
0x42: {  	[tilespmem:$0x120] =	vst v1  }
0x43: {  	s11 =	sadd.s32 $0x2800, s11;
	[tilespmem:$0x130] =	vst v0  }
0x44: {  	v3 =	vmax.f32 v3, $1.000000000e+00  }
0x45: {  	v28 =	vmax.f32 v4, $1.000000000e+00;
	(erf) = vrcp.f32 v3  }
0x46: {  	v29 =	vmax.f32 v6, $1.000000000e+00;
	(erf) = vrcp.f32 v28  }
0x47: {  	v30 =	vmax.f32 v7, $1.000000000e+00;
	(erf) = vrcp.f32 v29  }
0x48: {  	v31 =	vmax.f32 v9, $1.000000000e+00;
	(erf) = vrcp.f32 v30  }
0x49: {  	v32 =	vmax.f32 v10, $1.000000000e+00;
	(erf) = vrcp.f32 v31  }
0x4a: {  	v33 =	vmax.f32 v12, $1.000000000e+00;
	(erf) = vrcp.f32 v32  }
0x4b: {  	v34 =	vmax.f32 v14, $1.000000000e+00;
	(erf) = vrcp.f32 v33  }
0x4c: {  	v35 =	vmax.f32 v16, $1.000000000e+00;
	(erf) = vrcp.f32 v34  }
0x4d: {  	v36 =	vmax.f32 v18, $1.000000000e+00;
	(erf) = vrcp.f32 v35  }
0x4e: {  	v38 =	vmax.f32 v19, $1.000000000e+00;
	v37 =	vpop (erf);
	(erf) = vrcp.f32 v36  }
0x4f: {  	v40 =	vmax.f32 v17, $1.000000000e+00;
	[tilespmem:$0x0] =	vst v37;
	v39 =	vpop (erf);
	(erf) = vrcp.f32 v38  }
0x50: {  	v42 =	vmax.f32 v15, $1.000000000e+00;
	[tilespmem:$0x10] =	vst v39;
	v41 =	vpop (erf);
	(erf) = vrcp.f32 v40  }
0x51: {  	v44 =	vmax.f32 v13, $1.000000000e+00;
	[tilespmem:$0x20] =	vst v41;
	v43 =	vpop (erf);
	(erf) = vrcp.f32 v42  }
0x52: {  	v46 =	vmax.f32 v11, $1.000000000e+00;
	[tilespmem:$0x30] =	vst v43;
	v45 =	vpop (erf);
	(erf) = vrcp.f32 v44  }
0x53: {  	v48 =	vmax.f32 v8, $1.000000000e+00;
	[tilespmem:$0x40] =	vst v45;
	v47 =	vpop (erf);
	(erf) = vrcp.f32 v46  }
0x54: {  	v50 =	vmax.f32 v5, $1.000000000e+00;
	[tilespmem:$0x50] =	vst v47;
	v49 =	vpop (erf);
	(erf) = vrcp.f32 v48  }
0x55: {  	v2 =	vmax.f32 v2, $1.000000000e+00;
	[tilespmem:$0x60] =	vst v49;
	v51 =	vpop (erf);
	(erf) = vrcp.f32 v50  }
0x56: {  	v1 =	vmax.f32 v1, $1.000000000e+00;
	[tilespmem:$0x70] =	vst v51;
	v52 =	vpop (erf);
	(erf) = vrcp.f32 v2  }
0x57: {  	v0 =	vmax.f32 v0, $1.000000000e+00;
	[tilespmem:$0x80] =	vst v52;
	v53 =	vpop (erf);
	(erf) = vrcp.f32 v1  }
0x58: {  	[tilespmem:$0x90] =	vst v53;
	v54 =	vpop (erf);
	(erf) = vrcp.f32 v0  }
0x59: {  	v55 =	vpop (erf);
	[tilespmem:$0xA0] =	vst v54  }
0x5a: {  	v56 =	vpop (erf);
	[tilespmem:$0xB0] =	vst v55  }
0x5b: {  	v57 =	vpop (erf);
	[tilespmem:$0xC0] =	vst v56  }
0x5c: {  	v58 =	vpop (erf);
	[tilespmem:$0xD0] =	vst v57  }
0x5d: {  	v59 =	vpop (erf);
	[tilespmem:$0xE0] =	vst v58  }
0x5e: {  	v60 =	vpop (erf);
	[tilespmem:$0xF0] =	vst v59  }
0x5f: {  	v61 =	vpop (erf);
	[tilespmem:$0x100] =	vst v60  }
0x60: {  	s10 =	sadd.s32 $0x1, s10;
	v62 =	vpop (erf);
	[tilespmem:$0x110] =	vst v61  }
0x61: {  	p0 =	sne.s32 s10, s6;
	[tilespmem:$0x120] =	vst v62;
	v63 =	vpop (erf)  }
.Ltmp1:
0x62: {  	[tilespmem:$0x130] =	vst v63;
	(pc) =	sbr.rel @p0 .LBB2_1-.Ltmp1, $4  }
0x63: {  	[hbm4b:s5+s3] =	stream.linear.scatter [tilespmem:s3], [sflag:$0x1], $0x140, $0x38;
	[tilespmem:$0x300] =	vst v63  }
0x64: {  	_ =	swait.ge [sflag:s8], $0x140  }
0x65: {  	[sflag:s8] =	ssyncset.done $0x0  }
0x66: {  	[sflag:s8] =	ssyncadd.s32 $0xFFFFFEC0  }
0x67: {  	_ =	sfence.sel $0x180000  }
0x68: {  	[bflag:$0x0] =	sbarrier.arrive $0xFFFF  }
0x69: {  	p0 =	sne.s32 s1, $0x0;
	_ =	strace $0x9000004A  }
0x6a: {  	s0 =	sadd.s32 @!p0 $0x100000, s0;
	[bflag:$0x2] =	sbarrier.arrive $0xFFFF  }
0x6b: {  	[sflag:s0] =	ssyncadd.tile.s32 @!p0 $0x1;
	_ =	shalt  }
.Lfunc_end2:
_tile_overlayer_lowered:
.L_overlay_start_2:
0x6c: {  	(tag) =	ssettag $0x2  }
0x6d: {  	s0 =	rddreg [dreg:$0x0];
	s2 =	stileid.u32  }
0x6e: {  	s1 =	rddreg [dreg:$0x1];
	p0 =	sne.s32 s2, $0x0  }
0x6f: {  	s3 =	rddreg [dreg:$0x2];
	[bflag:$0x3] =	sbarrier.arrive $0xFFFF;
	s2 =	simm.s32 @!p0 $0x1C01  }
0x70: {  	[timem:s3], [sflag:s2] =	dma.local @!p0 [hbm:s0], s1  }
0x71: {  	s0 =	simm.s32 @!p0 $0x1  }
0x72: {  	_ =	swait.ge @!p0 [sflag:s0], s1  }
0x73: {  	s1 =	ssub.s32 @!p0 $0x0, s1;
	[sflag:s0] =	ssyncset.done @!p0 $0x0  }
0x74: {  	[sflag:s0] =	ssyncadd.s32 @!p0 s1  }
0x75: {  	[bflag:$0x3] =	sbarrier.arrive $0xFFFF  }
0x76: {  	_ =	shalt  }

// kernel: kernel.16.cloned.1.call-start
scs
__scs_entry_jumppad:
0x0: {  	(pc) =	sbr.rel $0x88, $3  }
0x1: {  	(tag) =	ssettag $0x0;
	lr =	simm.s32 $0x1  }
0x2: {  	[smem:$0x3F96] =	sst lr;
	_ =	strace $0xD0000000  }
0x3: {  	_ = 	snop  }
0x4: {  	_ = 	snop  }
0x5: {  	_ = 	snop  }
0x6: {  	_ = 	snop  }
0x7: {  	_ = 	snop  }
__scs_overlays_trampoline_lowered:
0x8: {  	[smem:$0x3FA5] =	sst s0  }
0x9: {  	[smem:$0x3FA6] =	sst s1  }
0xa: {  	[smem:$0x3FA7] =	sst s2  }
0xb: {  	[smem:$0x3FA8] =	sst s3  }
0xc: {  	[smem:$0x3FA9] =	sst s4  }
0xd: {  	[smem:$0x3FAA] =	sst s5  }
0xe: {  	[smem:$0x3FAB] =	sst s6  }
0xf: {  	[smem:$0x3FAC] =	sst s7  }
0x10: {  	[smem:$0x3FAD] =	sst s8  }
0x11: {  	[smem:$0x3FAE] =	sst s9;
	s0 =	simm.s32 @!p0 $0x0  }
0x12: {  	s1 =	sld [smem:$0x3F94];
	s0 =	simm.s32 @p0 $0x1  }
0x13: {  	[smem:$0x3FAF] =	sst s0;
	s0 =	simm.s32 @!p1 $0x0  }
0x14: {  	s2 =	sld [smem:$0x3F93];
	s0 =	simm.s32 @p1 $0x1  }
0x15: {  	[smem:$0x3FB0] =	sst s0;
	s0 =	simm.s32 @!p2 $0x0  }
0x16: {  	s3 =	sld [smem:$0x3FDB];
	s0 =	simm.s32 @p2 $0x1  }
0x17: {  	s4 =	simm.s32 $0x1BF5;
	[smem:$0x3FB2] =	sst s0  }
0x18: {  	s0 =	sld [smem:$0x3F95];
	_ =	swait.ge [sflag:s4], $0x0  }
0x19: {  	s7 =	sld [smem:$0x3F96]  }
0x1a: {  	s8 =	sadd.s32 $0xFFFFE003, lr  }
0x1b: {  	s9 =	sadd.s32 $0xFFFFFEF7, lr;
	s5 =	simm.s32 $0xFFFFFFFF;
	p2 =	slt.u32 s8, $0xFFFFF086  }
0x1c: {  	p1 =	slt.u32 s9, $0xF7A;
	s5 =	simm.s32 @!p2 $0x0  }
0x1d: {  	s5 =	simm.s32 @p1 $0x1;
	p0 =	seq.s32 s7, s2  }
0x1e: {  	s7 =	smul.u32 @!p0 $0xF7A, s2;
	p2 =	seq.s32 @!p0 s5, $0x0  }
0x1f: {  	s9 =	smul.u32 $0xF7A, s1;
	s8 =	simm.s32 @!p0 $0x1BF5;
	p2 =	por !p2, p0  }
0x20: {  	[sflag:s8] =	ssyncset.s32 @!p0 $0xFFFFF086;
	s6 =	sadd.s32 @!p0 s3, s7;
	s7 =	simm.s32 @!p0 $0x108  }
0x21: {  	s3 =	sadd.s32 s3, s9;
	s6 =	sadd.s32 @!p0 $0x88, s6;
	s7 =	simm.s32 @p2 $0x1082  }
0x22: {  	[simem:s7], [sflag:s8] =	dma.local @!p0 [hbm:s6], $0xF7A  }
0x23: {  	s9 =	sor.u32 $0xD0000000, s2;
	s6 =	simm.s32 $0x108;
	_ =	swait.ge @!p0 [sflag:s8], $0x0  }
0x24: {  	s3 =	sadd.s32 $0x88, s3;
	s6 =	simm.s32 @!p1 $0x1082;
	[sflag:s4] =	ssyncset.s32 $0xFFFFF086  }
0x25: {  	[simem:s6], [sflag:s4] =	dma.local [hbm:s3], $0xF7A  }
0x26: {  	[smem:$0x3F96] =	sst s1;
	(tag) =	ssettag s2;
	_ =	strace s9  }
0x27: {  	s1 =	sld [smem:$0x3FA6]  }
0x28: {  	s2 =	sld [smem:$0x3FA7]  }
0x29: {  	s4 =	sld [smem:$0x3FA9]  }
0x2a: {  	p0 =	seq.s32 s5, $0x0;
	s5 =	sld [smem:$0x3FAA]  }
0x2b: {  	s6 =	sld [smem:$0x3FAB]  }
0x2c: {  	s7 =	sld [smem:$0x3FAC]  }
0x2d: {  	s3 =	simm.s32 $0x108;
	s8 =	sld [smem:$0x3FAD]  }
0x2e: {  	s3 =	simm.s32 @!p0 $0x1082;
	s9 =	sld [smem:$0x3FAE]  }
0x2f: {  	lr =	sadd.s32 s0, s3;
	s0 =	sld [smem:$0x3FA5]  }
0x30: {  	s3 =	sld [smem:$0x3FA8]  }
0x31: {  	[smem:$0x3FB1] =	sst s10  }
0x32: {  	s10 =	sld [smem:$0x3FAF];
	_ =	sdelay $0x3  }
0x33: {  	p0 =	seq.s32 s10, $0x1;
	s10 =	sld [smem:$0x3FB1];
	_ =	sdelay $0x3  }
0x34: {  	[smem:$0x3FB1] =	sst s10  }
0x35: {  	s10 =	sld [smem:$0x3FB0];
	_ =	sdelay $0x3  }
0x36: {  	p1 =	seq.s32 s10, $0x1;
	s10 =	sld [smem:$0x3FB1];
	_ =	sdelay $0x3  }
0x37: {  	[smem:$0x3FB1] =	sst s10  }
0x38: {  	s10 =	sld [smem:$0x3FB2]  }
0x39: {  	_ = 	snop;
	(pc) =	sbr.ind lr, $3  }
0x3a: {  	_ = 	snop  }
0x3b: {  	_ = 	snop  }
0x3c: {  	p2 =	seq.s32 s10, $0x1;
	s10 =	sld [smem:$0x3FB1]  }
0x3d: {  	_ =	shalt  }
0x3e: {  	_ =	shalt  }
0x3f: {  	_ =	shalt  }
0x40: {  	_ =	shalt  }
0x41: {  	_ =	shalt  }
0x42: {  	_ =	shalt  }
0x43: {  	_ =	shalt  }
0x44: {  	_ =	shalt  }
0x45: {  	_ =	shalt  }
0x46: {  	_ =	shalt  }
0x47: {  	_ =	shalt  }
0x48: {  	_ =	shalt  }
0x49: {  	_ =	shalt  }
0x4a: {  	_ =	shalt  }
0x4b: {  	_ =	shalt  }
0x4c: {  	_ =	shalt  }
0x4d: {  	_ =	shalt  }
0x4e: {  	_ =	shalt  }
0x4f: {  	_ =	shalt  }
0x50: {  	_ =	shalt  }
0x51: {  	_ =	shalt  }
0x52: {  	_ =	shalt  }
0x53: {  	_ =	shalt  }
0x54: {  	_ =	shalt  }
0x55: {  	_ =	shalt  }
0x56: {  	_ =	shalt  }
0x57: {  	_ =	shalt  }
0x58: {  	_ =	shalt  }
0x59: {  	_ =	shalt  }
0x5a: {  	_ =	shalt  }
0x5b: {  	_ =	shalt  }
0x5c: {  	_ =	shalt  }
0x5d: {  	_ =	shalt  }
0x5e: {  	_ =	shalt  }
0x5f: {  	_ =	shalt  }
0x60: {  	_ =	shalt  }
0x61: {  	_ =	shalt  }
0x62: {  	_ =	shalt  }
0x63: {  	_ =	shalt  }
0x64: {  	_ =	shalt  }
0x65: {  	_ =	shalt  }
0x66: {  	_ =	shalt  }
0x67: {  	_ =	shalt  }
0x68: {  	_ =	shalt  }
0x69: {  	_ =	shalt  }
0x6a: {  	_ =	shalt  }
0x6b: {  	_ =	shalt  }
0x6c: {  	_ =	shalt  }
0x6d: {  	_ =	shalt  }
0x6e: {  	_ =	shalt  }
0x6f: {  	_ =	shalt  }
0x70: {  	_ =	shalt  }
0x71: {  	_ =	shalt  }
0x72: {  	_ =	shalt  }
0x73: {  	_ =	shalt  }
0x74: {  	_ =	shalt  }
0x75: {  	_ =	shalt  }
0x76: {  	_ =	shalt  }
0x77: {  	_ =	shalt  }
0x78: {  	_ =	shalt  }
0x79: {  	_ =	shalt  }
0x7a: {  	_ =	shalt  }
0x7b: {  	_ =	shalt  }
0x7c: {  	_ =	shalt  }
0x7d: {  	_ =	shalt  }
0x7e: {  	_ =	shalt  }
0x7f: {  	_ =	shalt  }
0x80: {  	_ =	shalt  }
0x81: {  	_ =	shalt  }
0x82: {  	_ =	shalt  }
0x83: {  	_ =	shalt  }
0x84: {  	_ =	shalt  }
0x85: {  	_ =	shalt  }
0x86: {  	_ =	shalt  }
0x87: {  	_ =	shalt  }
.Lfunc_end0:
.L_simem_size_0:
called_computation.2_lowered:
.L_overlay_start_0:
0x88: {  	s2 =	sld [smem:$0x3FD9]  }
0x89: {  	s3 =	sld [smem:$0x3FFE];
	_ =	sdelay $0x1  }
0x8a: {  	s1 =	srdreg.scid  }
0x8b: {  	s0 =	sand.u32 $0x1, s1  }
0x8c: {  	s16 =	sshll.u32 s0, $0xA;
	s2 =	sadd.s32 s3, s2  }
0x8d: {  	s2 =	sadd.s32 s2, s16  }
0x8e: {  	[smem:$0x3FBD] =	sst s2  }
0x8f: {  	_ = 	snop  }
0x90: {  	(tm) =	ssettm $0x1  }
0x91: {  	s17 =	sld [smem:$0x3FFB];
	_ =	sdelay $0x3  }
0x92: {  	_ =	strace s17  }
0x93: {  	s2 =	sld [smem:$0x3FFC];
	_ =	sdelay $0x3  }
0x94: {  	_ =	strace s2  }
0x95: {  	s2 =	sld [smem:$0x3FFD];
	_ =	sdelay $0x3  }
0x96: {  	_ =	strace s2  }
0x97: {  	_ =	strace $0x8FFFFFFF  }
0x98: {  	s18 =	sld [smem:$0x3FDB];
	_ =	sdelay $0x1  }
0x99: {  	s19 =	simm.s32 $_scs_section_size  }
0x9a: {  	s4 =	simm.s32 $_size__tile_overlayer_lowered;
	s5 =	simm.s32 $_tile_overlayer_lowered  }
0x9b: {  	s22 =	simm.s32 $0x1BFF;
	s21 =	sshll.u32 s5, $0x1;
	s2 =	sadd.s32 s19, s18  }
0x9c: {  	s6 =	simm.s32 $0x0;
	s20 =	sshll.u32 s4, $0x1;
	s4 =	sadd.s32 s21, s2  }
0x9d: {  	[timem:s6], [sflag:s22] =	dma.local [hbm:s4], s20  }
0x9e: {  	_ =	swait.ge [sflag:s22], s20  }
0x9f: {  	s3 =	ssub.s32 $0x0, s20;
	[sflag:s22] =	ssyncset.done $0x0  }
0xa0: {  	[sflag:s22] =	ssyncadd.s32 s3;
	_ =	sdelay $0x1  }
0xa1: {  	s23 =	simm.s32 $0x1B8B  }
0xa2: {  	_ =	swait.ge [sflag:s23], $0x1  }
0xa3: {  	[sflag:s23] =	ssyncset.done $0x0  }
0xa4: {  	s25 =	simm.s32 $0x1B8E;
	s24 =	sld [smem:$0x3FFE];
	[sflag:s23] =	ssyncadd.s32 $0xFFFFFFFF  }
0xa5: {  	s26 =	simm.s32 $execute0_lowered;
	[smem:$0x3FD2] =	sst s25  }
0xa6: {  	s4 =	sshll.u32 s26, $0x1;
	_ =	strace $0x8000004C;
	[dreg:$0x1] =	wrdreg $0xFFFFFFFF  }
0xa7: {  	s28 =	simm.s32 $_size_execute0_lowered;
	s2 =	sadd.s32 s2, s4;
	[dreg:$0x0] =	wrdreg $0x0  }
0xa8: {  	s4 =	sshll.u32 s28, $0x1;
	[dreg:$0x2] =	wrdreg s2  }
0xa9: {  	[dreg:$0x3] =	wrdreg s4  }
0xaa: {  	[dreg:$0x4] =	wrdreg $0xC0  }
0xab: {  	_ =	task [dreg:s6], $0x5FFFF  }
0xac: {  	[dreg:$0x1] =	wrdreg $0xFFFFFFFF  }
0xad: {  	[dreg:$0x0] =	wrdreg $0x60  }
0xae: {  	[dreg:$0x2] =	wrdreg s24  }
0xaf: {  	[dreg:$0x3] =	wrdreg $0xA1000  }
0xb0: {  	[dreg:$0x4] =	wrdreg $0x9  }
0xb1: {  	_ =	task.clear_ibuf [dreg:s6], $0x5FFFF;
	_ =	strace $0x9000004C  }
0xb2: {  	s29 =	simm.s32 $0x9;
	_ =	strace $0x8000004E  }
0xb3: {  	_ =	swait.ge [sflag:s29], $0x1  }
0xb4: {  	[sflag:s29] =	ssyncadd.s32 $0xFFFFFFFF  }
0xb5: {  	_ =	strace $0x9000004E  }
0xb6: {  	_ =	sfence  }
0xb7: {  	s30 =	sld [smem:$0x0];
	_ =	sdelay $0x2  }
0xb8: {  	s31 =	sshll.u32 s1, $0xD;
	s1 =	sshrl.u32 s1, $0x2  }
0xb9: {  	s3 =	sand.u32 $0x4000, s31;
	s1 =	sadd.s32 s1, s30  }
0xba: {  	s0 =	sor.u32 s3, s0;
	s1 =	sshll.u32 s1, $0x11  }
0xbb: {  	s0 =	sor.u32 s1, s0  }
0xbc: {  	s0 =	sadd.s32 $0x8F2B, s0  }
0xbd: {  	[sflag:s0] =	ssyncadd.remote.s32 $0x1  }
0xbe: {  	_ =	sfence.sel $0xFFFF  }
0xbf: {  	[dreg:$0x0] =	wrdreg $0xFFFFFFFF;
	(pc) =	sbr.abs _section_cstart, $3  }
0xc0: {  	[dreg:$0x1] =	wrdreg $0xFFFFFFFF  }
0xc1: {  	_ =	task.clear_ibuf [dreg:s6], $0x2FFFF;
	_ =	strace $0x9FFFFFFF  }
0xc2: {  	(tm) =	ssettm $0x7FFFFFFF  }
0xc3: {  	_ =	shalt  }
tec
execute0_lowered:
.L_overlay_start_1:
0x0: {  	(tag) =	ssettag $0x1  }
0x1: {  	s0 =	srdreg.scid  }
0x2: {  	s1 =	rddreg [dreg:$0x0];
	s12 =	stileid.u32  }
0x3: {  	s2 =	rddreg [dreg:$0x1];
	s18 =	simm.s32 $0x7;
	s19 =	simm.s32 $0x2780  }
0x4: {  	s20 =	simm.s32 $0x50;
	s28 =	simm.s32 $0x1;
	s29 =	simm.s32 $0x2  }
0x5: {  	s30 =	simm.s32 $0x3;
	s31 =	simm.s32 $0x4;
	s0 =	sand.u32 $0x1, s0  }
0x6: {  	s9 =	smul.u32 $0x14000, s12;
	s5 =	sadd.s32 $0x16800, s1;
	s6 =	sadd.s32 $0x2C00, s1  }
0x7: {  	s21 =	smul.u32 $0x50000, s12;
	s11 =	sadd.s32 $0x3E000, s1;
	s24 =	sshll.u32 s12, $0x6  }
0x8: {  	s3 =	sshll.u32 s0, $0x4;
	s7 =	smul.u32 $0x140000, s0;
	s0 =	ssub.s32 $0x2, s0  }
0x9: {  	s4 =	sor.u32 s12, s3;
	s3 =	simm.s32 $0x0;
	s22 =	sshrl.u32 s0, $0x1  }
0xa: {  	s23 =	sshrl.u32 s21, $0x2;
	s21 =	simm.s32 $0x2900;
	s4 =	smul.u32 $0x2710, s4  }
0xb: {  	[smem:$0x7FF] =	sst s3;
	s7 =	sadd.s32 s9, s7;
	s0 =	ssub.s32 s0, s22  }
0xc: {  	s9 =	sor.u32 $0x1C07, s24;
	s22 =	simm.s32 $0x2800;
	s24 =	simm.s32 $0x2880  }
0xd: {  	_ =	strace $0x8000004D;
	[dreg:$0x3] =	wrdreg s11;
	s7 =	sshrl.u32 s7, $0x3  }
0xe: {  	s16 =	smax.u32 s0, $0x1;
	s0 =	simm.s32 $0x6;
	s8 =	sshrl.u32 s4, $0x3  }
0xf: {  	s10 =	sadd.s32 s8, s1;
	s1 =	sadd.s32 s7, s1;
	s7 =	sadd.s32 s23, s2  }
0x10: {  	s8 =	sadd.s32 s6, s8;
	s23 =	simm.s32 $0x5100;
	s10 =	sadd.s32 $0xCA00, s10  }
0x11: {  	s25 =	sadd.s32 $0xA, s8;
	s26 =	sadd.s32 $0x14, s8;
	s13 =	sadd.s32 $0x4CE, s8  }
0x12: {  	s14 =	sadd.s32 $0x4D8, s8;
	s15 =	sadd.s32 $0x40800, s1;
	[dreg:$0x4] =	wrdreg s10  }
0x13: {  	s17 =	sshrl.u32 s7, $0x3;
	s1 =	simm.s32 $0x5;
	[dreg:$0x5] =	wrdreg s25  }
0x14: {  	[dreg:$0x6] =	wrdreg s26;
	s26 =	simm.s32 $0x7900;
	s25 =	simm.s32 $0x0  }
.LBB2_1:
0x15: {  	s7 =	rddreg [dreg:$0x3]  }
0x16: {  	[spmem:s17], [sflag:s9] =	dma.local [hbm:s7], $0x2800  }
0x17: {  	_ =	swait.ge [sflag:s18], $0x2800  }
0x18: {  	[sflag:s18] =	ssyncset.done $0x0  }
0x19: {  	s10 =	rddreg [dreg:$0x4];
	[sflag:s18] =	ssyncadd.s32 $0xFFFFD800  }
0x1a: {  	[tilespmem:s3], [sflag:$0x7] =	stream.linear.gather [hbm4b:s10+s3], $0x2710, $0x38;
	[tilespmem:$0x1E100] =	vst v63  }
0x1b: {  	_ =	swait.ge [sflag:s18], $0x2710  }
0x1c: {  	[sflag:s18] =	ssyncset.done $0x0  }
0x1d: {  	[sflag:s18] =	ssyncadd.s32 $0xFFFFD8F0  }
0x1e: {  	[bflag:$0x0] =	sbarrier.arrive $0xFFFF  }
0x1f: {  	[tilespmem:s19], [sflag:$0x7] =	stream.linear.gather [hbm4b:s8+s3], $0x50, $0x38;
	[tilespmem:$0x1E100] =	vst v63  }
0x20: {  	_ =	swait.ge [sflag:s18], $0x50  }
0x21: {  	[sflag:s18] =	ssyncset.done $0x0  }
0x22: {  	[sflag:s18] =	ssyncadd.s32 $0xFFFFFFB0  }
0x23: {  	[tilespmem:s21], [sflag:$0x1] =	stream.indirect.gather [hbm4b:s5+s20], $0x80, s3, s20, $0xb8;
	[tilespmem:$0x1E100] =	vst v63  }
0x24: {  	s11 =	rddreg [dreg:$0x5]  }
0x25: {  	[tilespmem:s22], [sflag:$0x7] =	stream.linear.gather [hbm4b:s11+s3], $0x50, $0x38;
	[tilespmem:$0x1E100] =	vst v63  }
0x26: {  	_ =	swait.ge [sflag:s18], $0x50  }
0x27: {  	[sflag:s18] =	ssyncset.done $0x0  }
0x28: {  	[sflag:s18] =	ssyncadd.s32 $0xFFFFFFB0  }
0x29: {  	[tilespmem:s23], [sflag:$0x2] =	stream.indirect.gather [hbm4b:s5+s20], $0x80, s20, s20, $0xb8;
	[tilespmem:$0x1E100] =	vst v63  }
0x2a: {  	s12 =	rddreg [dreg:$0x6]  }
0x2b: {  	[tilespmem:s24], [sflag:$0x7] =	stream.linear.gather [hbm4b:s12+s3], $0x50, $0x38;
	[tilespmem:$0x1E100] =	vst v63  }
0x2c: {  	_ =	swait.ge [sflag:s18], $0x50  }
0x2d: {  	[sflag:s18] =	ssyncset.done $0x0  }
0x2e: {  	s10 =	simm.s32 $0xA0;
	[sflag:s18] =	ssyncadd.s32 $0xFFFFFFB0  }
0x2f: {  	[tilespmem:s26], [sflag:$0x3] =	stream.indirect.gather [hbm4b:s5+s20], $0x80, s10, s20, $0xb8;
	[tilespmem:$0x1E100] =	vst v63  }
0x30: {  	_ =	swait.ge [sflag:s28], $0x2800  }
0x31: {  	[sflag:s28] =	ssyncset.done $0x0  }
0x32: {  	[sflag:s28] =	ssyncadd.s32 $0xFFFFD800  }
0x33: {  	[spmem:s2] =	stream.indirect.scatter.add.f32 [tilespmem:s21], [sflag:$0x4], $0x80, s19, s20, $0xb8;
	[tilespmem:$0x1E100] =	vst v63  }
0x34: {  	_ =	swait.ge [sflag:s29], $0x2800  }
0x35: {  	[sflag:s29] =	ssyncset.done $0x0  }
0x36: {  	[sflag:s29] =	ssyncadd.s32 $0xFFFFD800  }
0x37: {  	[spmem:s2] =	stream.indirect.scatter.add.f32 [tilespmem:s23], [sflag:$0x5], $0x80, s22, s20, $0xb8;
	[tilespmem:$0x1E100] =	vst v63  }
0x38: {  	_ =	swait.ge [sflag:s30], $0x2800  }
0x39: {  	s11 =	smin.u32 s28, $0x28;
	[sflag:s30] =	ssyncset.done $0x0  }
0x3a: {  	s7 =	smul.u32 $0xF0, s11;
	[sflag:s30] =	ssyncadd.s32 $0xFFFFD800  }
0x3b: {  	[spmem:s2] =	stream.indirect.scatter.add.f32 [tilespmem:s26], [sflag:$0x6], $0x80, s24, s20, $0xb8;
	[tilespmem:$0x1E100] =	vst v63  }
0x3c: {  	s10 =	sadd.s32 s4, s7;
	_ =	swait.ge [sflag:s31], $0x2800  }
0x3d: {  	s10 =	sshrl.u32 s10, $0x3;
	[sflag:s31] =	ssyncset.done $0x0  }
0x3e: {  	s10 =	sadd.s32 s6, s10;
	[sflag:s31] =	ssyncadd.s32 $0xFFFFD800  }
0x3f: {  	[tilespmem:s19], [sflag:$0x7] =	stream.linear.gather [hbm4b:s10+s3], $0x50, $0x38;
	[tilespmem:$0x1E100] =	vst v63  }
0x40: {  	_ =	swait.ge [sflag:s18], $0x50  }
0x41: {  	[sflag:s18] =	ssyncset.done $0x0  }
0x42: {  	s11 =	sadd.s32 $0x50, s7;
	[sflag:s18] =	ssyncadd.s32 $0xFFFFFFB0  }
0x43: {  	[tilespmem:s21], [sflag:$0x1] =	stream.indirect.gather [hbm4b:s5+s20], $0x80, s7, s20, $0xb8;
	[tilespmem:$0x1E100] =	vst v63  }
0x44: {  	s12 =	sadd.s32 s4, s11;
	_ =	swait.ge [sflag:s1], $0x2800  }
0x45: {  	s10 =	sshrl.u32 s12, $0x3;
	[sflag:s1] =	ssyncset.done $0x0  }
0x46: {  	s10 =	sadd.s32 s6, s10;
	[sflag:s1] =	ssyncadd.s32 $0xFFFFD800  }
0x47: {  	[tilespmem:s22], [sflag:$0x7] =	stream.linear.gather [hbm4b:s10+s3], $0x50, $0x38;
	[tilespmem:$0x1E100] =	vst v63  }
0x48: {  	_ =	swait.ge [sflag:s18], $0x50  }
0x49: {  	[sflag:s18] =	ssyncset.done $0x0  }
0x4a: {  	s10 =	sadd.s32 $0xA0, s7;
	[sflag:s18] =	ssyncadd.s32 $0xFFFFFFB0  }
0x4b: {  	[tilespmem:s23], [sflag:$0x2] =	stream.indirect.gather [hbm4b:s5+s20], $0x80, s11, s20, $0xb8;
	[tilespmem:$0x1E100] =	vst v63  }
0x4c: {  	s7 =	sadd.s32 s4, s10;
	_ =	swait.ge [sflag:s0], $0x2800  }
0x4d: {  	s7 =	sshrl.u32 s7, $0x3;
	[sflag:s0] =	ssyncset.done $0x0  }
0x4e: {  	s7 =	sadd.s32 s6, s7;
	[sflag:s0] =	ssyncadd.s32 $0xFFFFD800  }
0x4f: {  	[tilespmem:s24], [sflag:$0x7] =	stream.linear.gather [hbm4b:s7+s3], $0x50, $0x38;
	[tilespmem:$0x1E100] =	vst v63  }
0x50: {  	_ =	swait.ge [sflag:s18], $0x50  }
0x51: {  	[sflag:s18] =	ssyncset.done $0x0  }
0x52: {  	s7 =	simm.s32 $0x2;
	[sflag:s18] =	ssyncadd.s32 $0xFFFFFFB0  }
.LBB2_2:
0x53: {  	[tilespmem:s26], [sflag:$0x3] =	stream.indirect.gather [hbm4b:s5+s20], $0x80, s10, s20, $0xb8;
	[tilespmem:$0x1E100] =	vst v63  }
0x54: {  	s10 =	smov.u32 s7  }
0x55: {  	p0 =	sne.s32 s7, $0x29;
	s7 =	sadd.s32 $0x1, s7;
	_ =	swait.ge [sflag:s28], $0x2800  }
0x56: {  	[sflag:s28] =	ssyncset.done $0x0  }
0x57: {  	[sflag:s28] =	ssyncadd.s32 $0xFFFFD800  }
0x58: {  	[spmem:s2] =	stream.indirect.scatter.add.f32 [tilespmem:s21], [sflag:$0x4], $0x80, s19, s20, $0xb8;
	[tilespmem:$0x1E100] =	vst v63  }
0x59: {  	_ =	swait.ge [sflag:s29], $0x2800  }
0x5a: {  	[sflag:s29] =	ssyncset.done $0x0  }
0x5b: {  	[sflag:s29] =	ssyncadd.s32 $0xFFFFD800  }
0x5c: {  	[spmem:s2] =	stream.indirect.scatter.add.f32 [tilespmem:s23], [sflag:$0x5], $0x80, s22, s20, $0xb8;
	[tilespmem:$0x1E100] =	vst v63  }
0x5d: {  	_ =	swait.ge [sflag:s30], $0x2800  }
0x5e: {  	s10 =	smin.u32 s10, $0x28;
	[sflag:s30] =	ssyncset.done $0x0  }
0x5f: {  	s10 =	smul.u32 $0xF0, s10;
	[sflag:s30] =	ssyncadd.s32 $0xFFFFD800  }
0x60: {  	[spmem:s2] =	stream.indirect.scatter.add.f32 [tilespmem:s26], [sflag:$0x6], $0x80, s24, s20, $0xb8;
	[tilespmem:$0x1E100] =	vst v63  }
0x61: {  	s11 =	sadd.s32 s4, s10;
	_ =	swait.ge [sflag:s31], $0x2800  }
0x62: {  	s11 =	sshrl.u32 s11, $0x3;
	[sflag:s31] =	ssyncset.done $0x0  }
0x63: {  	s11 =	sadd.s32 s6, s11;
	[sflag:s31] =	ssyncadd.s32 $0xFFFFD800  }
0x64: {  	[tilespmem:s19], [sflag:$0x7] =	stream.linear.gather [hbm4b:s11+s3], $0x50, $0x38;
	[tilespmem:$0x1E100] =	vst v63  }
0x65: {  	_ =	swait.ge [sflag:s18], $0x50  }
0x66: {  	[sflag:s18] =	ssyncset.done $0x0  }
0x67: {  	s11 =	sadd.s32 $0x50, s10;
	[sflag:s18] =	ssyncadd.s32 $0xFFFFFFB0  }
0x68: {  	[tilespmem:s21], [sflag:$0x1] =	stream.indirect.gather [hbm4b:s5+s20], $0x80, s10, s20, $0xb8;
	[tilespmem:$0x1E100] =	vst v63  }
0x69: {  	s12 =	sadd.s32 s4, s11;
	_ =	swait.ge [sflag:s1], $0x2800  }
0x6a: {  	s12 =	sshrl.u32 s12, $0x3;
	[sflag:s1] =	ssyncset.done $0x0  }
0x6b: {  	s12 =	sadd.s32 s6, s12;
	[sflag:s1] =	ssyncadd.s32 $0xFFFFD800  }
0x6c: {  	[tilespmem:s22], [sflag:$0x7] =	stream.linear.gather [hbm4b:s12+s3], $0x50, $0x38;
	[tilespmem:$0x1E100] =	vst v63  }
0x6d: {  	_ =	swait.ge [sflag:s18], $0x50  }
0x6e: {  	[sflag:s18] =	ssyncset.done $0x0  }
0x6f: {  	s10 =	sadd.s32 $0xA0, s10;
	[sflag:s18] =	ssyncadd.s32 $0xFFFFFFB0  }
0x70: {  	[tilespmem:s23], [sflag:$0x2] =	stream.indirect.gather [hbm4b:s5+s20], $0x80, s11, s20, $0xb8;
	[tilespmem:$0x1E100] =	vst v63  }
0x71: {  	s11 =	sadd.s32 s4, s10;
	_ =	swait.ge [sflag:s0], $0x2800  }
0x72: {  	s11 =	sshrl.u32 s11, $0x3;
	[sflag:s0] =	ssyncset.done $0x0  }
.Ltmp0:
0x73: {  	s11 =	sadd.s32 s6, s11;
	[sflag:s0] =	ssyncadd.s32 $0xFFFFD800;
	(pc) =	sbr.rel @p0 .LBB2_2-.Ltmp0, $4  }
0x74: {  	[tilespmem:s24], [sflag:$0x7] =	stream.linear.gather [hbm4b:s11+s3], $0x50, $0x38;
	[tilespmem:$0x1E100] =	vst v63  }
0x75: {  	_ =	swait.ge [sflag:s18], $0x50  }
0x76: {  	[sflag:s18] =	ssyncset.done $0x0  }
0x77: {  	[sflag:s18] =	ssyncadd.s32 $0xFFFFFFB0  }
0x78: {  	[tilespmem:s26], [sflag:$0x3] =	stream.indirect.gather [hbm4b:s5+s20], $0x80, s10, s20, $0xb8;
	[tilespmem:$0x1E100] =	vst v63  }
0x79: {  	_ =	swait.ge [sflag:s28], $0x2800  }
0x7a: {  	[sflag:s28] =	ssyncset.done $0x0  }
0x7b: {  	[sflag:s28] =	ssyncadd.s32 $0xFFFFD800  }
0x7c: {  	_ =	swait.ge [sflag:s29], $0x2800  }
0x7d: {  	[sflag:s29] =	ssyncset.done $0x0  }
0x7e: {  	[sflag:s29] =	ssyncadd.s32 $0xFFFFD800  }
0x7f: {  	_ =	swait.ge [sflag:s30], $0x2800  }
0x80: {  	[sflag:s30] =	ssyncset.done $0x0  }
0x81: {  	[sflag:s30] =	ssyncadd.s32 $0xFFFFD800  }
0x82: {  	[tilespmem:s19], [sflag:$0x7] =	stream.linear.gather [hbm4b:s13+s3], $0x50, $0x38;
	[tilespmem:$0x1E100] =	vst v63  }
0x83: {  	_ =	swait.ge [sflag:s18], $0x50  }
0x84: {  	[sflag:s18] =	ssyncset.done $0x0  }
0x85: {  	s7 =	simm.s32 $0x2670;
	[sflag:s18] =	ssyncadd.s32 $0xFFFFFFB0  }
0x86: {  	[tilespmem:s21], [sflag:$0x1] =	stream.indirect.gather [hbm4b:s5+s20], $0x80, s7, s20, $0xb8;
	[tilespmem:$0x1E100] =	vst v63  }
0x87: {  	_ =	swait.ge [sflag:s28], $0x2800  }
0x88: {  	[sflag:s28] =	ssyncset.done $0x0  }
0x89: {  	[sflag:s28] =	ssyncadd.s32 $0xFFFFD800  }
0x8a: {  	[spmem:s2] =	stream.indirect.scatter.add.f32 [tilespmem:s21], [sflag:$0x7], $0x80, s19, s20, $0xb8;
	[tilespmem:$0x1E100] =	vst v63  }
0x8b: {  	_ =	swait.ge [sflag:s18], $0x2800  }
0x8c: {  	[sflag:s18] =	ssyncset.done $0x0  }
0x8d: {  	[sflag:s18] =	ssyncadd.s32 $0xFFFFD800  }
0x8e: {  	[tilespmem:s19], [sflag:$0x7] =	stream.linear.gather [hbm4b:s14+s3], $0x50, $0x38;
	[tilespmem:$0x1E100] =	vst v63  }
0x8f: {  	_ =	swait.ge [sflag:s18], $0x50  }
0x90: {  	[sflag:s18] =	ssyncset.done $0x0  }
0x91: {  	s12 =	simm.s32 $0x26C0;
	[sflag:s18] =	ssyncadd.s32 $0xFFFFFFB0  }
0x92: {  	[tilespmem:s21], [sflag:$0x1] =	stream.indirect.gather [hbm4b:s5+s20], $0x80, s12, s20, $0xb8;
	[tilespmem:$0x1E100] =	vst v63  }
0x93: {  	_ =	swait.ge [sflag:s28], $0x2800  }
0x94: {  	[sflag:s28] =	ssyncset.done $0x0  }
0x95: {  	[sflag:s28] =	ssyncadd.s32 $0xFFFFD800  }
0x96: {  	[spmem:s2] =	stream.indirect.scatter.add.f32 [tilespmem:s21], [sflag:$0x7], $0x80, s19, s20, $0xb8;
	[tilespmem:$0x1E100] =	vst v63  }
0x97: {  	_ =	swait.ge [sflag:s18], $0x2800  }
0x98: {  	s25 =	sadd.s32 $0x1, s25;
	[sflag:s18] =	ssyncset.done $0x0  }
0x99: {  	p0 =	sne.s32 s25, s16;
	[sflag:s18] =	ssyncadd.s32 $0xFFFFD800  }
.Ltmp1:
0x9a: {  	[bflag:$0x0] =	sbarrier.arrive $0xFFFF;
	(pc) =	sbr.rel @p0 .LBB2_1-.Ltmp1, $4  }
0x9b: {  	[hbm:s15], [sflag:s9] =	dma.local [spmem:s17], $0x2800  }
0x9c: {  	_ =	swait.ge [sflag:s18], $0x2800  }
0x9d: {  	[sflag:s18] =	ssyncset.done $0x0  }
0x9e: {  	[sflag:s18] =	ssyncadd.s32 $0xFFFFD800  }
0x9f: {  	_ =	sfence.sel $0x180000  }
0xa0: {  	[bflag:$0x0] =	sbarrier.arrive $0xFFFF  }
0xa1: {  	_ =	strace $0x9000004D  }
0xa2: {  	s0 =	stileid.u32;
	[bflag:$0x2] =	sbarrier.arrive $0xFFFF  }
0xa3: {  	p0 =	sne.s32 s0, $0x0;
	s0 =	rddreg [dreg:$0x2]  }
0xa4: {  	s0 =	sadd.s32 @!p0 $0x100000, s0  }
0xa5: {  	[sflag:s0] =	ssyncadd.tile.s32 @!p0 $0x1;
	_ =	shalt  }
.Lfunc_end2:
_tile_overlayer_lowered:
.L_overlay_start_2:
0xa6: {  	(tag) =	ssettag $0x2  }
0xa7: {  	s0 =	rddreg [dreg:$0x0];
	s2 =	stileid.u32  }
0xa8: {  	s1 =	rddreg [dreg:$0x1];
	p0 =	sne.s32 s2, $0x0  }
0xa9: {  	s3 =	rddreg [dreg:$0x2];
	[bflag:$0x3] =	sbarrier.arrive $0xFFFF;
	s2 =	simm.s32 @!p0 $0x1C07  }
0xaa: {  	[timem:s3], [sflag:s2] =	dma.local @!p0 [hbm:s0], s1  }
0xab: {  	s0 =	simm.s32 @!p0 $0x7  }
0xac: {  	_ =	swait.ge @!p0 [sflag:s0], s1  }
0xad: {  	s1 =	ssub.s32 @!p0 $0x0, s1;
	[sflag:s0] =	ssyncset.done @!p0 $0x0  }
0xae: {  	[sflag:s0] =	ssyncadd.s32 @!p0 s1  }
0xaf: {  	[bflag:$0x3] =	sbarrier.arrive $0xFFFF  }
0xb0: {  	_ =	shalt  }

// kernel: kernel.19.cloned.1.call-start
scs
__scs_entry_jumppad:
0x0: {  	(pc) =	sbr.rel $0x88, $3  }
0x1: {  	(tag) =	ssettag $0x0;
	lr =	simm.s32 $0x1  }
0x2: {  	[smem:$0x3F96] =	sst lr;
	_ =	strace $0xD0000000  }
0x3: {  	_ = 	snop  }
0x4: {  	_ = 	snop  }
0x5: {  	_ = 	snop  }
0x6: {  	_ = 	snop  }
0x7: {  	_ = 	snop  }
__scs_overlays_trampoline_lowered:
0x8: {  	[smem:$0x3FA5] =	sst s0  }
0x9: {  	[smem:$0x3FA6] =	sst s1  }
0xa: {  	[smem:$0x3FA7] =	sst s2  }
0xb: {  	[smem:$0x3FA8] =	sst s3  }
0xc: {  	[smem:$0x3FA9] =	sst s4  }
0xd: {  	[smem:$0x3FAA] =	sst s5  }
0xe: {  	[smem:$0x3FAB] =	sst s6  }
0xf: {  	[smem:$0x3FAC] =	sst s7  }
0x10: {  	[smem:$0x3FAD] =	sst s8  }
0x11: {  	[smem:$0x3FAE] =	sst s9;
	s0 =	simm.s32 @!p0 $0x0  }
0x12: {  	s1 =	sld [smem:$0x3F94];
	s0 =	simm.s32 @p0 $0x1  }
0x13: {  	[smem:$0x3FAF] =	sst s0;
	s0 =	simm.s32 @!p1 $0x0  }
0x14: {  	s2 =	sld [smem:$0x3F93];
	s0 =	simm.s32 @p1 $0x1  }
0x15: {  	[smem:$0x3FB0] =	sst s0;
	s0 =	simm.s32 @!p2 $0x0  }
0x16: {  	s3 =	sld [smem:$0x3FDB];
	s0 =	simm.s32 @p2 $0x1  }
0x17: {  	s4 =	simm.s32 $0x1BF5;
	[smem:$0x3FB2] =	sst s0  }
0x18: {  	s0 =	sld [smem:$0x3F95];
	_ =	swait.ge [sflag:s4], $0x0  }
0x19: {  	s7 =	sld [smem:$0x3F96]  }
0x1a: {  	s8 =	sadd.s32 $0xFFFFE003, lr  }
0x1b: {  	s9 =	sadd.s32 $0xFFFFFEF7, lr;
	s5 =	simm.s32 $0xFFFFFFFF;
	p2 =	slt.u32 s8, $0xFFFFF086  }
0x1c: {  	p1 =	slt.u32 s9, $0xF7A;
	s5 =	simm.s32 @!p2 $0x0  }
0x1d: {  	s5 =	simm.s32 @p1 $0x1;
	p0 =	seq.s32 s7, s2  }
0x1e: {  	s7 =	smul.u32 @!p0 $0xF7A, s2;
	p2 =	seq.s32 @!p0 s5, $0x0  }
0x1f: {  	s9 =	smul.u32 $0xF7A, s1;
	s8 =	simm.s32 @!p0 $0x1BF5;
	p2 =	por !p2, p0  }
0x20: {  	[sflag:s8] =	ssyncset.s32 @!p0 $0xFFFFF086;
	s6 =	sadd.s32 @!p0 s3, s7;
	s7 =	simm.s32 @!p0 $0x108  }
0x21: {  	s3 =	sadd.s32 s3, s9;
	s6 =	sadd.s32 @!p0 $0x88, s6;
	s7 =	simm.s32 @p2 $0x1082  }
0x22: {  	[simem:s7], [sflag:s8] =	dma.local @!p0 [hbm:s6], $0xF7A  }
0x23: {  	s9 =	sor.u32 $0xD0000000, s2;
	s6 =	simm.s32 $0x108;
	_ =	swait.ge @!p0 [sflag:s8], $0x0  }
0x24: {  	s3 =	sadd.s32 $0x88, s3;
	s6 =	simm.s32 @!p1 $0x1082;
	[sflag:s4] =	ssyncset.s32 $0xFFFFF086  }
0x25: {  	[simem:s6], [sflag:s4] =	dma.local [hbm:s3], $0xF7A  }
0x26: {  	[smem:$0x3F96] =	sst s1;
	(tag) =	ssettag s2;
	_ =	strace s9  }
0x27: {  	s1 =	sld [smem:$0x3FA6]  }
0x28: {  	s2 =	sld [smem:$0x3FA7]  }
0x29: {  	s4 =	sld [smem:$0x3FA9]  }
0x2a: {  	p0 =	seq.s32 s5, $0x0;
	s5 =	sld [smem:$0x3FAA]  }
0x2b: {  	s6 =	sld [smem:$0x3FAB]  }
0x2c: {  	s7 =	sld [smem:$0x3FAC]  }
0x2d: {  	s3 =	simm.s32 $0x108;
	s8 =	sld [smem:$0x3FAD]  }
0x2e: {  	s3 =	simm.s32 @!p0 $0x1082;
	s9 =	sld [smem:$0x3FAE]  }
0x2f: {  	lr =	sadd.s32 s0, s3;
	s0 =	sld [smem:$0x3FA5]  }
0x30: {  	s3 =	sld [smem:$0x3FA8]  }
0x31: {  	[smem:$0x3FB1] =	sst s10  }
0x32: {  	s10 =	sld [smem:$0x3FAF];
	_ =	sdelay $0x3  }
0x33: {  	p0 =	seq.s32 s10, $0x1;
	s10 =	sld [smem:$0x3FB1];
	_ =	sdelay $0x3  }
0x34: {  	[smem:$0x3FB1] =	sst s10  }
0x35: {  	s10 =	sld [smem:$0x3FB0];
	_ =	sdelay $0x3  }
0x36: {  	p1 =	seq.s32 s10, $0x1;
	s10 =	sld [smem:$0x3FB1];
	_ =	sdelay $0x3  }
0x37: {  	[smem:$0x3FB1] =	sst s10  }
0x38: {  	s10 =	sld [smem:$0x3FB2]  }
0x39: {  	_ = 	snop;
	(pc) =	sbr.ind lr, $3  }
0x3a: {  	_ = 	snop  }
0x3b: {  	_ = 	snop  }
0x3c: {  	p2 =	seq.s32 s10, $0x1;
	s10 =	sld [smem:$0x3FB1]  }
0x3d: {  	_ =	shalt  }
0x3e: {  	_ =	shalt  }
0x3f: {  	_ =	shalt  }
0x40: {  	_ =	shalt  }
0x41: {  	_ =	shalt  }
0x42: {  	_ =	shalt  }
0x43: {  	_ =	shalt  }
0x44: {  	_ =	shalt  }
0x45: {  	_ =	shalt  }
0x46: {  	_ =	shalt  }
0x47: {  	_ =	shalt  }
0x48: {  	_ =	shalt  }
0x49: {  	_ =	shalt  }
0x4a: {  	_ =	shalt  }
0x4b: {  	_ =	shalt  }
0x4c: {  	_ =	shalt  }
0x4d: {  	_ =	shalt  }
0x4e: {  	_ =	shalt  }
0x4f: {  	_ =	shalt  }
0x50: {  	_ =	shalt  }
0x51: {  	_ =	shalt  }
0x52: {  	_ =	shalt  }
0x53: {  	_ =	shalt  }
0x54: {  	_ =	shalt  }
0x55: {  	_ =	shalt  }
0x56: {  	_ =	shalt  }
0x57: {  	_ =	shalt  }
0x58: {  	_ =	shalt  }
0x59: {  	_ =	shalt  }
0x5a: {  	_ =	shalt  }
0x5b: {  	_ =	shalt  }
0x5c: {  	_ =	shalt  }
0x5d: {  	_ =	shalt  }
0x5e: {  	_ =	shalt  }
0x5f: {  	_ =	shalt  }
0x60: {  	_ =	shalt  }
0x61: {  	_ =	shalt  }
0x62: {  	_ =	shalt  }
0x63: {  	_ =	shalt  }
0x64: {  	_ =	shalt  }
0x65: {  	_ =	shalt  }
0x66: {  	_ =	shalt  }
0x67: {  	_ =	shalt  }
0x68: {  	_ =	shalt  }
0x69: {  	_ =	shalt  }
0x6a: {  	_ =	shalt  }
0x6b: {  	_ =	shalt  }
0x6c: {  	_ =	shalt  }
0x6d: {  	_ =	shalt  }
0x6e: {  	_ =	shalt  }
0x6f: {  	_ =	shalt  }
0x70: {  	_ =	shalt  }
0x71: {  	_ =	shalt  }
0x72: {  	_ =	shalt  }
0x73: {  	_ =	shalt  }
0x74: {  	_ =	shalt  }
0x75: {  	_ =	shalt  }
0x76: {  	_ =	shalt  }
0x77: {  	_ =	shalt  }
0x78: {  	_ =	shalt  }
0x79: {  	_ =	shalt  }
0x7a: {  	_ =	shalt  }
0x7b: {  	_ =	shalt  }
0x7c: {  	_ =	shalt  }
0x7d: {  	_ =	shalt  }
0x7e: {  	_ =	shalt  }
0x7f: {  	_ =	shalt  }
0x80: {  	_ =	shalt  }
0x81: {  	_ =	shalt  }
0x82: {  	_ =	shalt  }
0x83: {  	_ =	shalt  }
0x84: {  	_ =	shalt  }
0x85: {  	_ =	shalt  }
0x86: {  	_ =	shalt  }
0x87: {  	_ =	shalt  }
.Lfunc_end0:
.L_simem_size_0:
called_computation.3_lowered:
.L_overlay_start_0:
0x88: {  	s2 =	sld [smem:$0x3FD9]  }
0x89: {  	s3 =	sld [smem:$0x3FFE];
	_ =	sdelay $0x1  }
0x8a: {  	s1 =	srdreg.scid  }
0x8b: {  	s0 =	sand.u32 $0x1, s1  }
0x8c: {  	s16 =	sshll.u32 s0, $0xA;
	s2 =	sadd.s32 s3, s2  }
0x8d: {  	s2 =	sadd.s32 s2, s16  }
0x8e: {  	[smem:$0x3FBD] =	sst s2  }
0x8f: {  	_ = 	snop  }
0x90: {  	(tm) =	ssettm $0x1  }
0x91: {  	s17 =	sld [smem:$0x3FFB];
	_ =	sdelay $0x3  }
0x92: {  	_ =	strace s17  }
0x93: {  	s2 =	sld [smem:$0x3FFC];
	_ =	sdelay $0x3  }
0x94: {  	_ =	strace s2  }
0x95: {  	s2 =	sld [smem:$0x3FFD];
	_ =	sdelay $0x3  }
0x96: {  	_ =	strace s2  }
0x97: {  	_ =	strace $0x8FFFFFFF  }
0x98: {  	s18 =	sld [smem:$0x3FDB];
	_ =	sdelay $0x1  }
0x99: {  	s19 =	simm.s32 $_scs_section_size  }
0x9a: {  	s4 =	simm.s32 $_size__tile_overlayer_lowered;
	s5 =	simm.s32 $_tile_overlayer_lowered  }
0x9b: {  	s22 =	simm.s32 $0x1BFF;
	s21 =	sshll.u32 s5, $0x1;
	s2 =	sadd.s32 s19, s18  }
0x9c: {  	s6 =	simm.s32 $0x0;
	s20 =	sshll.u32 s4, $0x1;
	s4 =	sadd.s32 s21, s2  }
0x9d: {  	[timem:s6], [sflag:s22] =	dma.local [hbm:s4], s20  }
0x9e: {  	_ =	swait.ge [sflag:s22], s20  }
0x9f: {  	s3 =	ssub.s32 $0x0, s20;
	[sflag:s22] =	ssyncset.done $0x0  }
0xa0: {  	[sflag:s22] =	ssyncadd.s32 s3;
	_ =	sdelay $0x1  }
0xa1: {  	s23 =	simm.s32 $0x1B8B  }
0xa2: {  	_ =	swait.ge [sflag:s23], $0x1  }
0xa3: {  	[sflag:s23] =	ssyncset.done $0x0  }
0xa4: {  	s25 =	simm.s32 $0x1B8E;
	s24 =	sld [smem:$0x3FFE];
	[sflag:s23] =	ssyncadd.s32 $0xFFFFFFFF  }
0xa5: {  	s26 =	simm.s32 $execute0_lowered;
	[smem:$0x3FD2] =	sst s25  }
0xa6: {  	s4 =	sshll.u32 s26, $0x1;
	_ =	strace $0x8000004F;
	[dreg:$0x1] =	wrdreg $0xFFFFFFFF  }
0xa7: {  	s28 =	simm.s32 $_size_execute0_lowered;
	s2 =	sadd.s32 s2, s4;
	[dreg:$0x0] =	wrdreg $0x0  }
0xa8: {  	s4 =	sshll.u32 s28, $0x1;
	[dreg:$0x2] =	wrdreg s2  }
0xa9: {  	[dreg:$0x3] =	wrdreg s4  }
0xaa: {  	[dreg:$0x4] =	wrdreg $0xC0  }
0xab: {  	_ =	task [dreg:s6], $0x5FFFF  }
0xac: {  	[dreg:$0x1] =	wrdreg $0xFFFFFFFF  }
0xad: {  	[dreg:$0x0] =	wrdreg $0x60  }
0xae: {  	[dreg:$0x2] =	wrdreg s24  }
0xaf: {  	[dreg:$0x3] =	wrdreg $0xA1000  }
0xb0: {  	[dreg:$0x4] =	wrdreg $0x9  }
0xb1: {  	_ =	task.clear_ibuf [dreg:s6], $0x5FFFF;
	_ =	strace $0x9000004F  }
0xb2: {  	s29 =	simm.s32 $0x9;
	_ =	strace $0x80000051  }
0xb3: {  	_ =	swait.ge [sflag:s29], $0x1  }
0xb4: {  	[sflag:s29] =	ssyncadd.s32 $0xFFFFFFFF  }
0xb5: {  	_ =	strace $0x90000051  }
0xb6: {  	_ =	sfence  }
0xb7: {  	s30 =	sld [smem:$0x0];
	_ =	sdelay $0x2  }
0xb8: {  	s31 =	sshll.u32 s1, $0xD;
	s1 =	sshrl.u32 s1, $0x2  }
0xb9: {  	s3 =	sand.u32 $0x4000, s31;
	s1 =	sadd.s32 s1, s30  }
0xba: {  	s0 =	sor.u32 s3, s0;
	s1 =	sshll.u32 s1, $0x11  }
0xbb: {  	s0 =	sor.u32 s1, s0  }
0xbc: {  	s0 =	sadd.s32 $0x8F2B, s0  }
0xbd: {  	[sflag:s0] =	ssyncadd.remote.s32 $0x1  }
0xbe: {  	_ =	sfence.sel $0xFFFF  }
0xbf: {  	[dreg:$0x0] =	wrdreg $0xFFFFFFFF;
	(pc) =	sbr.abs _section_cstart, $3  }
0xc0: {  	[dreg:$0x1] =	wrdreg $0xFFFFFFFF  }
0xc1: {  	_ =	task.clear_ibuf [dreg:s6], $0x2FFFF;
	_ =	strace $0x9FFFFFFF  }
0xc2: {  	(tm) =	ssettm $0x7FFFFFFF  }
0xc3: {  	_ =	shalt  }
tec
execute0_lowered:
.L_overlay_start_1:
0x0: {  	(tag) =	ssettag $0x1  }
0x1: {  	s0 =	srdreg.scid  }
0x2: {  	s1 =	rddreg [dreg:$0x0];
	s12 =	stileid.u32  }
0x3: {  	s2 =	rddreg [dreg:$0x1];
	s18 =	simm.s32 $0x7;
	s19 =	simm.s32 $0x2780  }
0x4: {  	s20 =	simm.s32 $0x50;
	s28 =	simm.s32 $0x1;
	s29 =	simm.s32 $0x2  }
0x5: {  	s30 =	simm.s32 $0x3;
	s31 =	simm.s32 $0x4;
	s0 =	sand.u32 $0x1, s0  }
0x6: {  	s9 =	smul.u32 $0x14000, s12;
	s5 =	sadd.s32 $0x16800, s1;
	s6 =	sadd.s32 $0x2C00, s1  }
0x7: {  	s21 =	smul.u32 $0x50000, s12;
	s11 =	sadd.s32 $0x3E000, s1;
	s24 =	sshll.u32 s12, $0x6  }
0x8: {  	s3 =	sshll.u32 s0, $0x4;
	s7 =	smul.u32 $0x140000, s0;
	s0 =	ssub.s32 $0x2, s0  }
0x9: {  	s4 =	sor.u32 s12, s3;
	s3 =	simm.s32 $0x0;
	s22 =	sshrl.u32 s0, $0x1  }
0xa: {  	s23 =	sshrl.u32 s21, $0x2;
	s21 =	simm.s32 $0x2900;
	s4 =	smul.u32 $0x2710, s4  }
0xb: {  	[smem:$0x7FF] =	sst s3;
	s7 =	sadd.s32 s9, s7;
	s0 =	ssub.s32 s0, s22  }
0xc: {  	s9 =	sor.u32 $0x1C07, s24;
	s22 =	simm.s32 $0x2800;
	s24 =	simm.s32 $0x2880  }
0xd: {  	_ =	strace $0x80000050;
	[dreg:$0x3] =	wrdreg s11;
	s7 =	sshrl.u32 s7, $0x3  }
0xe: {  	s16 =	smax.u32 s0, $0x1;
	s0 =	simm.s32 $0x6;
	s8 =	sshrl.u32 s4, $0x3  }
0xf: {  	s10 =	sadd.s32 s8, s1;
	s1 =	sadd.s32 s7, s1;
	s7 =	sadd.s32 s23, s2  }
0x10: {  	s8 =	sadd.s32 s6, s8;
	s23 =	simm.s32 $0x5100;
	s10 =	sadd.s32 $0xCA00, s10  }
0x11: {  	s25 =	sadd.s32 $0xA, s8;
	s26 =	sadd.s32 $0x14, s8;
	s13 =	sadd.s32 $0x4CE, s8  }
0x12: {  	s14 =	sadd.s32 $0x4D8, s8;
	s15 =	sadd.s32 $0x40800, s1;
	[dreg:$0x4] =	wrdreg s10  }
0x13: {  	s17 =	sshrl.u32 s7, $0x3;
	s1 =	simm.s32 $0x5;
	[dreg:$0x5] =	wrdreg s25  }
0x14: {  	[dreg:$0x6] =	wrdreg s26;
	s26 =	simm.s32 $0x7900;
	s25 =	simm.s32 $0x0  }
.LBB2_1:
0x15: {  	s7 =	rddreg [dreg:$0x3]  }
0x16: {  	[spmem:s17], [sflag:s9] =	dma.local [hbm:s7], $0x2800  }
0x17: {  	_ =	swait.ge [sflag:s18], $0x2800  }
0x18: {  	[sflag:s18] =	ssyncset.done $0x0  }
0x19: {  	s10 =	rddreg [dreg:$0x4];
	[sflag:s18] =	ssyncadd.s32 $0xFFFFD800  }
0x1a: {  	[tilespmem:s3], [sflag:$0x7] =	stream.linear.gather [hbm4b:s10+s3], $0x2710, $0x38;
	[tilespmem:$0x1E100] =	vst v63  }
0x1b: {  	_ =	swait.ge [sflag:s18], $0x2710  }
0x1c: {  	[sflag:s18] =	ssyncset.done $0x0  }
0x1d: {  	[sflag:s18] =	ssyncadd.s32 $0xFFFFD8F0  }
0x1e: {  	[bflag:$0x0] =	sbarrier.arrive $0xFFFF  }
0x1f: {  	[tilespmem:s19], [sflag:$0x7] =	stream.linear.gather [hbm4b:s8+s3], $0x50, $0x38;
	[tilespmem:$0x1E100] =	vst v63  }
0x20: {  	_ =	swait.ge [sflag:s18], $0x50  }
0x21: {  	[sflag:s18] =	ssyncset.done $0x0  }
0x22: {  	[sflag:s18] =	ssyncadd.s32 $0xFFFFFFB0  }
0x23: {  	[tilespmem:s21], [sflag:$0x1] =	stream.indirect.gather [hbm4b:s5+s20], $0x80, s3, s20, $0xb8;
	[tilespmem:$0x1E100] =	vst v63  }
0x24: {  	s11 =	rddreg [dreg:$0x5]  }
0x25: {  	[tilespmem:s22], [sflag:$0x7] =	stream.linear.gather [hbm4b:s11+s3], $0x50, $0x38;
	[tilespmem:$0x1E100] =	vst v63  }
0x26: {  	_ =	swait.ge [sflag:s18], $0x50  }
0x27: {  	[sflag:s18] =	ssyncset.done $0x0  }
0x28: {  	[sflag:s18] =	ssyncadd.s32 $0xFFFFFFB0  }
0x29: {  	[tilespmem:s23], [sflag:$0x2] =	stream.indirect.gather [hbm4b:s5+s20], $0x80, s20, s20, $0xb8;
	[tilespmem:$0x1E100] =	vst v63  }
0x2a: {  	s12 =	rddreg [dreg:$0x6]  }
0x2b: {  	[tilespmem:s24], [sflag:$0x7] =	stream.linear.gather [hbm4b:s12+s3], $0x50, $0x38;
	[tilespmem:$0x1E100] =	vst v63  }
0x2c: {  	_ =	swait.ge [sflag:s18], $0x50  }
0x2d: {  	[sflag:s18] =	ssyncset.done $0x0  }
0x2e: {  	s10 =	simm.s32 $0xA0;
	[sflag:s18] =	ssyncadd.s32 $0xFFFFFFB0  }
0x2f: {  	[tilespmem:s26], [sflag:$0x3] =	stream.indirect.gather [hbm4b:s5+s20], $0x80, s10, s20, $0xb8;
	[tilespmem:$0x1E100] =	vst v63  }
0x30: {  	_ =	swait.ge [sflag:s28], $0x2800  }
0x31: {  	[sflag:s28] =	ssyncset.done $0x0  }
0x32: {  	[sflag:s28] =	ssyncadd.s32 $0xFFFFD800  }
0x33: {  	[spmem:s2] =	stream.indirect.scatter.add.f32 [tilespmem:s21], [sflag:$0x4], $0x80, s19, s20, $0xb8;
	[tilespmem:$0x1E100] =	vst v63  }
0x34: {  	_ =	swait.ge [sflag:s29], $0x2800  }
0x35: {  	[sflag:s29] =	ssyncset.done $0x0  }
0x36: {  	[sflag:s29] =	ssyncadd.s32 $0xFFFFD800  }
0x37: {  	[spmem:s2] =	stream.indirect.scatter.add.f32 [tilespmem:s23], [sflag:$0x5], $0x80, s22, s20, $0xb8;
	[tilespmem:$0x1E100] =	vst v63  }
0x38: {  	_ =	swait.ge [sflag:s30], $0x2800  }
0x39: {  	s11 =	smin.u32 s28, $0x28;
	[sflag:s30] =	ssyncset.done $0x0  }
0x3a: {  	s7 =	smul.u32 $0xF0, s11;
	[sflag:s30] =	ssyncadd.s32 $0xFFFFD800  }
0x3b: {  	[spmem:s2] =	stream.indirect.scatter.add.f32 [tilespmem:s26], [sflag:$0x6], $0x80, s24, s20, $0xb8;
	[tilespmem:$0x1E100] =	vst v63  }
0x3c: {  	s10 =	sadd.s32 s4, s7;
	_ =	swait.ge [sflag:s31], $0x2800  }
0x3d: {  	s10 =	sshrl.u32 s10, $0x3;
	[sflag:s31] =	ssyncset.done $0x0  }
0x3e: {  	s10 =	sadd.s32 s6, s10;
	[sflag:s31] =	ssyncadd.s32 $0xFFFFD800  }
0x3f: {  	[tilespmem:s19], [sflag:$0x7] =	stream.linear.gather [hbm4b:s10+s3], $0x50, $0x38;
	[tilespmem:$0x1E100] =	vst v63  }
0x40: {  	_ =	swait.ge [sflag:s18], $0x50  }
0x41: {  	[sflag:s18] =	ssyncset.done $0x0  }
0x42: {  	s11 =	sadd.s32 $0x50, s7;
	[sflag:s18] =	ssyncadd.s32 $0xFFFFFFB0  }
0x43: {  	[tilespmem:s21], [sflag:$0x1] =	stream.indirect.gather [hbm4b:s5+s20], $0x80, s7, s20, $0xb8;
	[tilespmem:$0x1E100] =	vst v63  }
0x44: {  	s12 =	sadd.s32 s4, s11;
	_ =	swait.ge [sflag:s1], $0x2800  }
0x45: {  	s10 =	sshrl.u32 s12, $0x3;
	[sflag:s1] =	ssyncset.done $0x0  }
0x46: {  	s10 =	sadd.s32 s6, s10;
	[sflag:s1] =	ssyncadd.s32 $0xFFFFD800  }
0x47: {  	[tilespmem:s22], [sflag:$0x7] =	stream.linear.gather [hbm4b:s10+s3], $0x50, $0x38;
	[tilespmem:$0x1E100] =	vst v63  }
0x48: {  	_ =	swait.ge [sflag:s18], $0x50  }
0x49: {  	[sflag:s18] =	ssyncset.done $0x0  }
0x4a: {  	s10 =	sadd.s32 $0xA0, s7;
	[sflag:s18] =	ssyncadd.s32 $0xFFFFFFB0  }
0x4b: {  	[tilespmem:s23], [sflag:$0x2] =	stream.indirect.gather [hbm4b:s5+s20], $0x80, s11, s20, $0xb8;
	[tilespmem:$0x1E100] =	vst v63  }
0x4c: {  	s7 =	sadd.s32 s4, s10;
	_ =	swait.ge [sflag:s0], $0x2800  }
0x4d: {  	s7 =	sshrl.u32 s7, $0x3;
	[sflag:s0] =	ssyncset.done $0x0  }
0x4e: {  	s7 =	sadd.s32 s6, s7;
	[sflag:s0] =	ssyncadd.s32 $0xFFFFD800  }
0x4f: {  	[tilespmem:s24], [sflag:$0x7] =	stream.linear.gather [hbm4b:s7+s3], $0x50, $0x38;
	[tilespmem:$0x1E100] =	vst v63  }
0x50: {  	_ =	swait.ge [sflag:s18], $0x50  }
0x51: {  	[sflag:s18] =	ssyncset.done $0x0  }
0x52: {  	s7 =	simm.s32 $0x2;
	[sflag:s18] =	ssyncadd.s32 $0xFFFFFFB0  }
.LBB2_2:
0x53: {  	[tilespmem:s26], [sflag:$0x3] =	stream.indirect.gather [hbm4b:s5+s20], $0x80, s10, s20, $0xb8;
	[tilespmem:$0x1E100] =	vst v63  }
0x54: {  	s10 =	smov.u32 s7  }
0x55: {  	p0 =	sne.s32 s7, $0x29;
	s7 =	sadd.s32 $0x1, s7;
	_ =	swait.ge [sflag:s28], $0x2800  }
0x56: {  	[sflag:s28] =	ssyncset.done $0x0  }
0x57: {  	[sflag:s28] =	ssyncadd.s32 $0xFFFFD800  }
0x58: {  	[spmem:s2] =	stream.indirect.scatter.add.f32 [tilespmem:s21], [sflag:$0x4], $0x80, s19, s20, $0xb8;
	[tilespmem:$0x1E100] =	vst v63  }
0x59: {  	_ =	swait.ge [sflag:s29], $0x2800  }
0x5a: {  	[sflag:s29] =	ssyncset.done $0x0  }
0x5b: {  	[sflag:s29] =	ssyncadd.s32 $0xFFFFD800  }
0x5c: {  	[spmem:s2] =	stream.indirect.scatter.add.f32 [tilespmem:s23], [sflag:$0x5], $0x80, s22, s20, $0xb8;
	[tilespmem:$0x1E100] =	vst v63  }
0x5d: {  	_ =	swait.ge [sflag:s30], $0x2800  }
0x5e: {  	s10 =	smin.u32 s10, $0x28;
	[sflag:s30] =	ssyncset.done $0x0  }
0x5f: {  	s10 =	smul.u32 $0xF0, s10;
	[sflag:s30] =	ssyncadd.s32 $0xFFFFD800  }
0x60: {  	[spmem:s2] =	stream.indirect.scatter.add.f32 [tilespmem:s26], [sflag:$0x6], $0x80, s24, s20, $0xb8;
	[tilespmem:$0x1E100] =	vst v63  }
0x61: {  	s11 =	sadd.s32 s4, s10;
	_ =	swait.ge [sflag:s31], $0x2800  }
0x62: {  	s11 =	sshrl.u32 s11, $0x3;
	[sflag:s31] =	ssyncset.done $0x0  }
0x63: {  	s11 =	sadd.s32 s6, s11;
	[sflag:s31] =	ssyncadd.s32 $0xFFFFD800  }
0x64: {  	[tilespmem:s19], [sflag:$0x7] =	stream.linear.gather [hbm4b:s11+s3], $0x50, $0x38;
	[tilespmem:$0x1E100] =	vst v63  }
0x65: {  	_ =	swait.ge [sflag:s18], $0x50  }
0x66: {  	[sflag:s18] =	ssyncset.done $0x0  }
0x67: {  	s11 =	sadd.s32 $0x50, s10;
	[sflag:s18] =	ssyncadd.s32 $0xFFFFFFB0  }
0x68: {  	[tilespmem:s21], [sflag:$0x1] =	stream.indirect.gather [hbm4b:s5+s20], $0x80, s10, s20, $0xb8;
	[tilespmem:$0x1E100] =	vst v63  }
0x69: {  	s12 =	sadd.s32 s4, s11;
	_ =	swait.ge [sflag:s1], $0x2800  }
0x6a: {  	s12 =	sshrl.u32 s12, $0x3;
	[sflag:s1] =	ssyncset.done $0x0  }
0x6b: {  	s12 =	sadd.s32 s6, s12;
	[sflag:s1] =	ssyncadd.s32 $0xFFFFD800  }
0x6c: {  	[tilespmem:s22], [sflag:$0x7] =	stream.linear.gather [hbm4b:s12+s3], $0x50, $0x38;
	[tilespmem:$0x1E100] =	vst v63  }
0x6d: {  	_ =	swait.ge [sflag:s18], $0x50  }
0x6e: {  	[sflag:s18] =	ssyncset.done $0x0  }
0x6f: {  	s10 =	sadd.s32 $0xA0, s10;
	[sflag:s18] =	ssyncadd.s32 $0xFFFFFFB0  }
0x70: {  	[tilespmem:s23], [sflag:$0x2] =	stream.indirect.gather [hbm4b:s5+s20], $0x80, s11, s20, $0xb8;
	[tilespmem:$0x1E100] =	vst v63  }
0x71: {  	s11 =	sadd.s32 s4, s10;
	_ =	swait.ge [sflag:s0], $0x2800  }
0x72: {  	s11 =	sshrl.u32 s11, $0x3;
	[sflag:s0] =	ssyncset.done $0x0  }
.Ltmp0:
0x73: {  	s11 =	sadd.s32 s6, s11;
	[sflag:s0] =	ssyncadd.s32 $0xFFFFD800;
	(pc) =	sbr.rel @p0 .LBB2_2-.Ltmp0, $4  }
0x74: {  	[tilespmem:s24], [sflag:$0x7] =	stream.linear.gather [hbm4b:s11+s3], $0x50, $0x38;
	[tilespmem:$0x1E100] =	vst v63  }
0x75: {  	_ =	swait.ge [sflag:s18], $0x50  }
0x76: {  	[sflag:s18] =	ssyncset.done $0x0  }
0x77: {  	[sflag:s18] =	ssyncadd.s32 $0xFFFFFFB0  }
0x78: {  	[tilespmem:s26], [sflag:$0x3] =	stream.indirect.gather [hbm4b:s5+s20], $0x80, s10, s20, $0xb8;
	[tilespmem:$0x1E100] =	vst v63  }
0x79: {  	_ =	swait.ge [sflag:s28], $0x2800  }
0x7a: {  	[sflag:s28] =	ssyncset.done $0x0  }
0x7b: {  	[sflag:s28] =	ssyncadd.s32 $0xFFFFD800  }
0x7c: {  	_ =	swait.ge [sflag:s29], $0x2800  }
0x7d: {  	[sflag:s29] =	ssyncset.done $0x0  }
0x7e: {  	[sflag:s29] =	ssyncadd.s32 $0xFFFFD800  }
0x7f: {  	_ =	swait.ge [sflag:s30], $0x2800  }
0x80: {  	[sflag:s30] =	ssyncset.done $0x0  }
0x81: {  	[sflag:s30] =	ssyncadd.s32 $0xFFFFD800  }
0x82: {  	[tilespmem:s19], [sflag:$0x7] =	stream.linear.gather [hbm4b:s13+s3], $0x50, $0x38;
	[tilespmem:$0x1E100] =	vst v63  }
0x83: {  	_ =	swait.ge [sflag:s18], $0x50  }
0x84: {  	[sflag:s18] =	ssyncset.done $0x0  }
0x85: {  	s7 =	simm.s32 $0x2670;
	[sflag:s18] =	ssyncadd.s32 $0xFFFFFFB0  }
0x86: {  	[tilespmem:s21], [sflag:$0x1] =	stream.indirect.gather [hbm4b:s5+s20], $0x80, s7, s20, $0xb8;
	[tilespmem:$0x1E100] =	vst v63  }
0x87: {  	_ =	swait.ge [sflag:s28], $0x2800  }
0x88: {  	[sflag:s28] =	ssyncset.done $0x0  }
0x89: {  	[sflag:s28] =	ssyncadd.s32 $0xFFFFD800  }
0x8a: {  	[spmem:s2] =	stream.indirect.scatter.add.f32 [tilespmem:s21], [sflag:$0x7], $0x80, s19, s20, $0xb8;
	[tilespmem:$0x1E100] =	vst v63  }
0x8b: {  	_ =	swait.ge [sflag:s18], $0x2800  }
0x8c: {  	[sflag:s18] =	ssyncset.done $0x0  }
0x8d: {  	[sflag:s18] =	ssyncadd.s32 $0xFFFFD800  }
0x8e: {  	[tilespmem:s19], [sflag:$0x7] =	stream.linear.gather [hbm4b:s14+s3], $0x50, $0x38;
	[tilespmem:$0x1E100] =	vst v63  }
0x8f: {  	_ =	swait.ge [sflag:s18], $0x50  }
0x90: {  	[sflag:s18] =	ssyncset.done $0x0  }
0x91: {  	s12 =	simm.s32 $0x26C0;
	[sflag:s18] =	ssyncadd.s32 $0xFFFFFFB0  }
0x92: {  	[tilespmem:s21], [sflag:$0x1] =	stream.indirect.gather [hbm4b:s5+s20], $0x80, s12, s20, $0xb8;
	[tilespmem:$0x1E100] =	vst v63  }
0x93: {  	_ =	swait.ge [sflag:s28], $0x2800  }
0x94: {  	[sflag:s28] =	ssyncset.done $0x0  }
0x95: {  	[sflag:s28] =	ssyncadd.s32 $0xFFFFD800  }
0x96: {  	[spmem:s2] =	stream.indirect.scatter.add.f32 [tilespmem:s21], [sflag:$0x7], $0x80, s19, s20, $0xb8;
	[tilespmem:$0x1E100] =	vst v63  }
0x97: {  	_ =	swait.ge [sflag:s18], $0x2800  }
0x98: {  	s25 =	sadd.s32 $0x1, s25;
	[sflag:s18] =	ssyncset.done $0x0  }
0x99: {  	p0 =	sne.s32 s25, s16;
	[sflag:s18] =	ssyncadd.s32 $0xFFFFD800  }
.Ltmp1:
0x9a: {  	[bflag:$0x0] =	sbarrier.arrive $0xFFFF;
	(pc) =	sbr.rel @p0 .LBB2_1-.Ltmp1, $4  }
0x9b: {  	[hbm:s15], [sflag:s9] =	dma.local [spmem:s17], $0x2800  }
0x9c: {  	_ =	swait.ge [sflag:s18], $0x2800  }
0x9d: {  	[sflag:s18] =	ssyncset.done $0x0  }
0x9e: {  	[sflag:s18] =	ssyncadd.s32 $0xFFFFD800  }
0x9f: {  	_ =	sfence.sel $0x180000  }
0xa0: {  	[bflag:$0x0] =	sbarrier.arrive $0xFFFF  }
0xa1: {  	_ =	strace $0x90000050  }
0xa2: {  	s0 =	stileid.u32;
	[bflag:$0x2] =	sbarrier.arrive $0xFFFF  }
0xa3: {  	p0 =	sne.s32 s0, $0x0;
	s0 =	rddreg [dreg:$0x2]  }
0xa4: {  	s0 =	sadd.s32 @!p0 $0x100000, s0  }
0xa5: {  	[sflag:s0] =	ssyncadd.tile.s32 @!p0 $0x1;
	_ =	shalt  }
.Lfunc_end2:
_tile_overlayer_lowered:
.L_overlay_start_2:
0xa6: {  	(tag) =	ssettag $0x2  }
0xa7: {  	s0 =	rddreg [dreg:$0x0];
	s2 =	stileid.u32  }
0xa8: {  	s1 =	rddreg [dreg:$0x1];
	p0 =	sne.s32 s2, $0x0  }
0xa9: {  	s3 =	rddreg [dreg:$0x2];
	[bflag:$0x3] =	sbarrier.arrive $0xFFFF;
	s2 =	simm.s32 @!p0 $0x1C07  }
0xaa: {  	[timem:s3], [sflag:s2] =	dma.local @!p0 [hbm:s0], s1  }
0xab: {  	s0 =	simm.s32 @!p0 $0x7  }
0xac: {  	_ =	swait.ge @!p0 [sflag:s0], s1  }
0xad: {  	s1 =	ssub.s32 @!p0 $0x0, s1;
	[sflag:s0] =	ssyncset.done @!p0 $0x0  }
0xae: {  	[sflag:s0] =	ssyncadd.s32 @!p0 s1  }
0xaf: {  	[bflag:$0x3] =	sbarrier.arrive $0xFFFF  }
0xb0: {  	_ =	shalt  }

</sc_bundles>
